<compile_context>
chip_gen: v7x
topology: tpu7x:2x2x1
jax: 0.10.2.dev20260603
libtpu: 0.0.44.dev20260713+nightly
codegen_flags: <defaults>
</compile_context>

<pallas_src>
import functools

import jax
import jax.numpy as jnp
from jax import lax
from jax.experimental import pallas as pl
from jax.experimental.pallas import tpu as pltpu
from jax.experimental.pallas import tpu_sc as plsc

B, V, K, R, A = 1024, 8, 16, 8192, 6
N_ANG = 9
C = V * K
L = 16
NTILES = 32
BPT = B // NTILES
RS = 2560
RT = R - RS
TT = 512
NCHUNK = RS // L


def _sc_rule_kernel(x_rep, c_flat, w_flat, idx_t, or_t, oc_pad):
    mesh = plsc.VectorSubcoreMesh(core_axis_name="c", subcore_axis_name="s")

    @functools.partial(
        pl.kernel,
        mesh=mesh,
        compiler_params=pltpu.CompilerParams(needs_layout_passes=False),
        out_type=jax.ShapeDtypeStruct((B * 3 * L,), jnp.float32),
        scratch_types=[
            pltpu.VMEM((BPT * C,), jnp.float32),
            pltpu.VMEM((BPT // 2 * C,), jnp.int32),
            pltpu.VMEM((C,), jnp.float32),
            pltpu.VMEM((C,), jnp.float32),
            pltpu.VMEM((RS * A,), jnp.int32),
            pltpu.VMEM((RS * 2,), jnp.int32),
            pltpu.VMEM((C,), jnp.float32),
            pltpu.VMEM((BPT * 3 * L,), jnp.float32),
        ],
    )
    def k(x_hbm, c_hbm, w_hbm, idx_hbm, or_hbm, oc_hbm, out_hbm,
          xs, fz, cv, nv, idxv, orv, ocv, acc):
        wid = lax.axis_index("s") * 2 + lax.axis_index("c")

        pltpu.sync_copy(x_hbm.at[pl.ds(wid * BPT * C, BPT * C)], xs)
        pltpu.sync_copy(c_hbm, cv)
        pltpu.sync_copy(w_hbm, nv)
        pltpu.sync_copy(idx_hbm, idxv)
        pltpu.sync_copy(or_hbm, orv)
        pltpu.sync_copy(oc_hbm, ocv)

        for t in range(C // L):
            wv = nv[pl.ds(t * L, L)]
            nv[pl.ds(t * L, L)] = -0.5 / (wv * wv)

        zero = jnp.zeros((L,), jnp.float32)

        def fuzz_body(bp, carry):
            for t in range(C // L):
                col = pl.ds(t * L, L)
                cvt = cv[col]
                nvt = nv[col]
                xe = xs[pl.ds((2 * bp) * C + t * L, L)]
                xo = xs[pl.ds((2 * bp + 1) * C + t * L, L)]
                de = xe - cvt
                do = xo - cvt
                fe = jnp.exp(de * de * nvt)
                fo = jnp.exp(do * do * nvt)
                packed = plsc.pack(fe, fo, format=plsc.PackFormat.INTERLEAVED)
                fz[pl.ds(bp * C + t * L, L)] = plsc.bitcast(packed, jnp.int32)
            for j in range(6):
                acc[pl.ds(bp * 6 * L + j * L, L)] = zero
            return carry

        lax.fori_loop(0, BPT // 2, fuzz_body, 0)

        riota = lax.iota(jnp.int32, L)

        @plsc.parallel_loop(0, NCHUNK, unroll=4)
        def chunk_body(i):
            cvec = riota * A + i * (L * A)
            ia = [plsc.load_gather(idxv, [cvec + a]) for a in range(A)]
            ovec = riota * 2 + i * (L * 2)
            ow0 = plsc.load_gather(ocv, [plsc.load_gather(orv, [ovec])])
            ow1 = plsc.load_gather(ocv, [plsc.load_gather(orv, [ovec + 1])])
            for bp in range(BPT // 2):
                boff = bp * C
                g = [
                    plsc.bitcast(
                        plsc.load_gather(fz, [ia[a] + boff]), jnp.bfloat16
                    )
                    for a in range(A)
                ]
                w01 = jnp.minimum(g[0], g[1])
                w23 = jnp.minimum(g[2], g[3])
                w45 = jnp.minimum(g[4], g[5])
                w = jnp.minimum(jnp.minimum(w01, w23), w45)
                we, wo = plsc.unpack(w, format=plsc.PackFormat.INTERLEAVED)
                o = bp * 6 * L
                plsc.addupdate(acc.at[pl.ds(o, L)], we * ow0)
                plsc.addupdate(acc.at[pl.ds(o + L, L)], we * ow1)
                plsc.addupdate(acc.at[pl.ds(o + 2 * L, L)], we)
                plsc.addupdate(acc.at[pl.ds(o + 3 * L, L)], wo * ow0)
                plsc.addupdate(acc.at[pl.ds(o + 4 * L, L)], wo * ow1)
                plsc.addupdate(acc.at[pl.ds(o + 5 * L, L)], wo)

        pltpu.sync_copy(acc, out_hbm.at[pl.ds(wid * BPT * 3 * L, BPT * 3 * L)])

    return k(x_rep, c_flat, w_flat, idx_t, or_t, oc_pad)


def _tc_rule_kernel(x_rep2, c_flat, w_flat, idx_blk, or_blk, oc_mat):
    nblk = RT // TT

    def body(xr_ref, cv_ref, wv_ref, idx_ref, or_ref, ocm_ref, out_ref,
             fzs, accs):
        step = pl.program_id(0)

        @pl.when(step == 0)
        def _init():
            d = xr_ref[...] - cv_ref[...]
            wv = wv_ref[...]
            fzs[...] = jnp.exp(-(d * d) / (2.0 * wv * wv)).astype(jnp.bfloat16)
            accs[...] = jnp.zeros((B, 3), jnp.float32)

        fzb = fzs[...]
        iota = lax.broadcasted_iota(jnp.int32, (C, TT), 0)
        w = None
        for a in range(A):
            oh = (iota == idx_ref[0, a, :][None, :]).astype(jnp.bfloat16)
            ga = jnp.dot(fzb, oh, preferred_element_type=jnp.float32)
            w = ga if w is None else jnp.minimum(w, ga)
        i16 = lax.broadcasted_iota(jnp.int32, (TT, L), 1)
        ohc = jnp.logical_or(
            i16 == or_ref[0, 0, :][:, None], i16 == or_ref[0, 1, :][:, None]
        ).astype(jnp.float32)
        ow3 = jnp.dot(ohc, ocm_ref[...], preferred_element_type=jnp.float32,
                      precision=jax.lax.Precision.HIGHEST)
        part = jnp.dot(w.astype(jnp.bfloat16), ow3.astype(jnp.bfloat16),
                       preferred_element_type=jnp.float32)
        accs[...] += part

        @pl.when(step == nblk - 1)
        def _fini():
            out_ref[...] = accs[...]

    return pl.pallas_call(
        body,
        grid=(nblk,),
        in_specs=[
            pl.BlockSpec((B, C), lambda j: (0, 0)),
            pl.BlockSpec((1, C), lambda j: (0, 0)),
            pl.BlockSpec((1, C), lambda j: (0, 0)),
            pl.BlockSpec((1, A, TT), lambda j: (j, 0, 0)),
            pl.BlockSpec((1, 2, TT), lambda j: (j, 0, 0)),
            pl.BlockSpec((L, 3), lambda j: (0, 0)),
        ],
        out_specs=pl.BlockSpec((B, 3), lambda j: (0, 0)),
        out_shape=jax.ShapeDtypeStruct((B, 3), jnp.float32),
        scratch_shapes=[
            pltpu.VMEM((B, C), jnp.bfloat16),
            pltpu.VMEM((B, 3), jnp.float32),
        ],
    )(x_rep2, c_flat.reshape(1, C), w_flat.reshape(1, C), idx_blk, or_blk,
      oc_mat)


def _tc_epilogue(acc_flat, tc3, out_scaling, out_bias):
    def body(a_ref, t_ref, s_ref, b_ref, o_ref):
        a = a_ref[...]
        t3 = t_ref[...]
        s0 = jnp.sum(a[:, 0:L], axis=1, keepdims=True) + t3[:, 0:1]
        s1 = jnp.sum(a[:, L:2 * L], axis=1, keepdims=True) + t3[:, 1:2]
        sd = jnp.sum(a[:, 2 * L:3 * L], axis=1, keepdims=True) + t3[:, 2:3]
        denom = jnp.maximum(sd, 1e-12)
        z = jnp.concatenate([s0, s1], axis=1) / denom
        o_ref[...] = jnp.tanh(z) * s_ref[...] + b_ref[...]

    return pl.pallas_call(
        body,
        out_shape=jax.ShapeDtypeStruct((B, 2), jnp.float32),
    )(acc_flat, tc3, out_scaling, out_bias)


def kernel(x, in_centers, in_widths, out_centers, out_scaling, out_bias,
           input_rules, output_rules):
    x_rep2 = jnp.repeat(x, K, axis=1)
    x_rep = x_rep2.reshape(B * C)
    c_flat = in_centers.reshape(C)
    w_flat = in_widths.reshape(C)
    idx_sc = input_rules[:RS].reshape(RS * A)
    or_sc = output_rules[:RS].reshape(RS * 2)
    oc_pad = jnp.pad(out_centers, (0, C - out_centers.shape[0]))

    idx_blk = (input_rules[RS:].reshape(RT // TT, TT, A)
               .transpose(0, 2, 1))
    or_blk = (output_rules[RS:].reshape(RT // TT, TT, 2)
              .transpose(0, 2, 1))
    n12 = out_centers.shape[0]
    ocp = jnp.pad(out_centers, (0, L - n12))
    k16 = jnp.arange(L)
    oc_mat = jnp.stack(
        [jnp.where(k16 < N_ANG, ocp, 0.0),
         jnp.where(k16 >= N_ANG, ocp, 0.0),
         (k16 < N_ANG).astype(jnp.float32)], axis=1)

    acc = _sc_rule_kernel(x_rep, c_flat, w_flat, idx_sc, or_sc, oc_pad)
    tc3 = _tc_rule_kernel(x_rep2, c_flat, w_flat, idx_blk, or_blk, oc_mat)
    return _tc_epilogue(acc.reshape(B, 3 * L), tc3, out_scaling, out_bias)

# --- scband reference (transcript-rebuilt; emitter-appended) ---
"""Pipeline reference for scband-joint-anfis-net-44873818308905 (READ-ONLY COPY).

The authoritative reference and input builder live on the scoring server;
editing this copy changes nothing except your own understanding.
"""

import jax, jax.numpy as jnp
import numpy as np

B, V, K, R, A = 1024, 8, 16, 8192, 6
N_ANG, N_VEL = 9, 3
OUT_TOTAL = N_ANG + N_VEL


def setup_inputs(seed: int = 0) -> dict:
    key = jax.random.key(seed)
    ks = jax.random.split(key, 8)
    x = jax.random.normal(ks[0], (B, V), dtype=jnp.float32)
    # Gaussian membership parameters per input variable (stand-in for JointMembership modules)
    in_centers = jax.random.normal(ks[1], (V, K), dtype=jnp.float32) * 2.0
    in_widths = jax.random.uniform(ks[2], (V, K), dtype=jnp.float32, minval=0.5, maxval=1.5)
    # output membership centers (concatenated over the two output variables)
    out_centers = jax.random.normal(ks[3], (OUT_TOTAL,), dtype=jnp.float32)
    out_scaling = jnp.array([4.0, 1.5], dtype=jnp.float32)
    out_bias = jnp.array([0.0, 0.75], dtype=jnp.float32)
    # precomputed rule index tables (buffers in the torch module)
    input_rules = jax.random.randint(ks[4], (R, A), 0, V * K, dtype=jnp.int32)
    ang = jax.random.randint(ks[5], (R, 1), 0, N_ANG, dtype=jnp.int32)
    vel = N_ANG + jax.random.randint(ks[6], (R, 1), 0, N_VEL, dtype=jnp.int32)
    output_rules = jnp.concatenate([ang, vel], axis=1)
    return {
        "x": x,
        "in_centers": in_centers,
        "in_widths": in_widths,
        "out_centers": out_centers,
        "out_scaling": out_scaling,
        "out_bias": out_bias,
        "input_rules": input_rules,
        "output_rules": output_rules,
    }


def reference(x, in_centers, in_widths, out_centers, out_scaling, out_bias, input_rules, output_rules):
    # fuzzify: per-variable Gaussian membership, concat over variables -> [B, V*K]
    fuzz = jnp.exp(-((x[:, :, None] - in_centers[None, :, :]) ** 2) / (2.0 * in_widths[None, :, :] ** 2))
    fuzz = fuzz.reshape(x.shape[0], -1)
    # rules: gather antecedent memberships per rule, t-norm = min over antecedents
    gathered = fuzz[:, input_rules]          # [B, R, A] gather
    weights = jnp.min(gathered, axis=2)       # [B, R] segment-style min reduce
    # F.normalize(p=1, dim=1)
    denom = jnp.maximum(jnp.sum(jnp.abs(weights), axis=1, keepdims=True), 1e-12)
    nw = weights / denom
    # get_output_weights -> gather consequent centers, defuzzify via matmul
    ow = out_centers[output_rules]            # [R, 2]
    defuzz = nw @ ow                          # [B, 2]
    # constrain_scaling
    return jnp.tanh(defuzz) * out_scaling + out_bias

if __name__ == "__main__":
    import jax
    _d = setup_inputs()
    print(jax.jit(kernel)(*tuple(_d.values())))

</pallas_src>

<mosaic_0001>
#map = affine_map<(d0, d1) -> (0)>
module attributes {stable_mosaic.version = 14 : i64} {
  func.func @k(%arg0: i32, %arg1: i32, %arg2: memref<131072xf32, #tpu.memory_space<hbm>>, %arg3: memref<128xf32, #tpu.memory_space<hbm>>, %arg4: memref<128xf32, #tpu.memory_space<hbm>>, %arg5: memref<15360xi32, #tpu.memory_space<hbm>>, %arg6: memref<5120xi32, #tpu.memory_space<hbm>>, %arg7: memref<128xf32, #tpu.memory_space<hbm>>, %arg8: memref<49152xf32, #tpu.memory_space<hbm>>, %arg9: memref<4096xf32, #tpu.memory_space<vmem>>, %arg10: memref<2048xi32, #tpu.memory_space<vmem>>, %arg11: memref<128xf32, #tpu.memory_space<vmem>>, %arg12: memref<128xf32, #tpu.memory_space<vmem>>, %arg13: memref<15360xi32, #tpu.memory_space<vmem>>, %arg14: memref<5120xi32, #tpu.memory_space<vmem>>, %arg15: memref<128xf32, #tpu.memory_space<vmem>>, %arg16: memref<1536xf32, #tpu.memory_space<vmem>>) attributes {dimension_semantics = [#tpu.dimension_semantics<core_parallel>, #tpu.dimension_semantics<subcore_parallel>], iteration_bounds = array<i64: 2, 16>, scalar_prefetch = 0 : i64, scratch_operands = 8 : i64, tpu.core_type = #tpu.core_type<sc_vector_subcore>, window_params = [{transform_indices = #map}, {transform_indices = #map}, {transform_indices = #map}, {transform_indices = #map}, {transform_indices = #map}, {transform_indices = #map}, {transform_indices = #map}]} {
    %mul3A = arith.constant 2 : i32
    %mul3A_0 = arith.muli %arg1, %mul3A : i32
    %add3A = arith.addi %mul3A_0, %arg0 : i32
    %mul3A_1 = arith.constant 32 : i32
    %mul3A_2 = arith.muli %add3A, %mul3A_1 : i32
    %mul3A_3 = arith.constant 128 : i32
    %mul3A_4 = arith.muli %mul3A_2, %mul3A_3 : i32
    "tpu.region"() ({
      %run_scoped3A = tpu.sem_alloc : memref<!tpu.dma_semaphore, #tpu.memory_space<semaphore_mem>>
      %dma_start3A = tpu.memref_slice %arg2[%mul3A_4] : memref<131072xf32, #tpu.memory_space<hbm>> -> memref<4096xf32, #tpu.memory_space<hbm>>
      %dma_start3A_80 = tpu.memref_slice %arg2[%mul3A_4] : memref<131072xf32, #tpu.memory_space<hbm>> -> memref<4096xf32, #tpu.memory_space<hbm>>
      tpu.enqueue_dma source(%dma_start3A_80 : memref<4096xf32, #tpu.memory_space<hbm>>) target(%arg9 : memref<4096xf32, #tpu.memory_space<vmem>>) target_semaphore(%run_scoped3A : memref<!tpu.dma_semaphore, #tpu.memory_space<semaphore_mem>>)
      %dma_wait3A = tpu.memref_slice %arg2[%mul3A_4] : memref<131072xf32, #tpu.memory_space<hbm>> -> memref<4096xf32, #tpu.memory_space<hbm>>
      %dma_wait3A_81 = tpu.memref_slice %arg2[%mul3A_4] : memref<131072xf32, #tpu.memory_space<hbm>> -> memref<4096xf32, #tpu.memory_space<hbm>>
      tpu.wait_dma2 semaphore(%run_scoped3A : memref<!tpu.dma_semaphore, #tpu.memory_space<semaphore_mem>>) src(%dma_wait3A_81 : memref<4096xf32, #tpu.memory_space<hbm>>) dst(%arg9 : memref<4096xf32, #tpu.memory_space<vmem>>)
      tpu.yield
    }) : () -> ()
    "tpu.region"() ({
      %run_scoped3A = tpu.sem_alloc : memref<!tpu.dma_semaphore, #tpu.memory_space<semaphore_mem>>
      tpu.enqueue_dma source(%arg3 : memref<128xf32, #tpu.memory_space<hbm>>) target(%arg11 : memref<128xf32, #tpu.memory_space<vmem>>) target_semaphore(%run_scoped3A : memref<!tpu.dma_semaphore, #tpu.memory_space<semaphore_mem>>)
      tpu.wait_dma2 semaphore(%run_scoped3A : memref<!tpu.dma_semaphore, #tpu.memory_space<semaphore_mem>>) src(%arg3 : memref<128xf32, #tpu.memory_space<hbm>>) dst(%arg11 : memref<128xf32, #tpu.memory_space<vmem>>)
      tpu.yield
    }) : () -> ()
    "tpu.region"() ({
      %run_scoped3A = tpu.sem_alloc : memref<!tpu.dma_semaphore, #tpu.memory_space<semaphore_mem>>
      tpu.enqueue_dma source(%arg4 : memref<128xf32, #tpu.memory_space<hbm>>) target(%arg12 : memref<128xf32, #tpu.memory_space<vmem>>) target_semaphore(%run_scoped3A : memref<!tpu.dma_semaphore, #tpu.memory_space<semaphore_mem>>)
      tpu.wait_dma2 semaphore(%run_scoped3A : memref<!tpu.dma_semaphore, #tpu.memory_space<semaphore_mem>>) src(%arg4 : memref<128xf32, #tpu.memory_space<hbm>>) dst(%arg12 : memref<128xf32, #tpu.memory_space<vmem>>)
      tpu.yield
    }) : () -> ()
    "tpu.region"() ({
      %run_scoped3A = tpu.sem_alloc : memref<!tpu.dma_semaphore, #tpu.memory_space<semaphore_mem>>
      tpu.enqueue_dma source(%arg5 : memref<15360xi32, #tpu.memory_space<hbm>>) target(%arg13 : memref<15360xi32, #tpu.memory_space<vmem>>) target_semaphore(%run_scoped3A : memref<!tpu.dma_semaphore, #tpu.memory_space<semaphore_mem>>)
      tpu.wait_dma2 semaphore(%run_scoped3A : memref<!tpu.dma_semaphore, #tpu.memory_space<semaphore_mem>>) src(%arg5 : memref<15360xi32, #tpu.memory_space<hbm>>) dst(%arg13 : memref<15360xi32, #tpu.memory_space<vmem>>)
      tpu.yield
    }) : () -> ()
    "tpu.region"() ({
      %run_scoped3A = tpu.sem_alloc : memref<!tpu.dma_semaphore, #tpu.memory_space<semaphore_mem>>
      tpu.enqueue_dma source(%arg6 : memref<5120xi32, #tpu.memory_space<hbm>>) target(%arg14 : memref<5120xi32, #tpu.memory_space<vmem>>) target_semaphore(%run_scoped3A : memref<!tpu.dma_semaphore, #tpu.memory_space<semaphore_mem>>)
      tpu.wait_dma2 semaphore(%run_scoped3A : memref<!tpu.dma_semaphore, #tpu.memory_space<semaphore_mem>>) src(%arg6 : memref<5120xi32, #tpu.memory_space<hbm>>) dst(%arg14 : memref<5120xi32, #tpu.memory_space<vmem>>)
      tpu.yield
    }) : () -> ()
    "tpu.region"() ({
      %run_scoped3A = tpu.sem_alloc : memref<!tpu.dma_semaphore, #tpu.memory_space<semaphore_mem>>
      tpu.enqueue_dma source(%arg7 : memref<128xf32, #tpu.memory_space<hbm>>) target(%arg15 : memref<128xf32, #tpu.memory_space<vmem>>) target_semaphore(%run_scoped3A : memref<!tpu.dma_semaphore, #tpu.memory_space<semaphore_mem>>)
      tpu.wait_dma2 semaphore(%run_scoped3A : memref<!tpu.dma_semaphore, #tpu.memory_space<semaphore_mem>>) src(%arg7 : memref<128xf32, #tpu.memory_space<hbm>>) dst(%arg15 : memref<128xf32, #tpu.memory_space<vmem>>)
      tpu.yield
    }) : () -> ()
    %get3A = arith.constant 0 : index
    %get3A_5 = tpu.vector_load %arg12[%get3A] {strides = array<i32>} : memref<128xf32, #tpu.memory_space<vmem>>, vector<16xf32>,
    %mul3A_6 = arith.mulf %get3A_5, %get3A_5 : vector<16xf32>
    %div3A = arith.constant -5.000000e-01 : f32
    %div3A_7 = vector.broadcast %div3A : f32 to vector<16xf32>
    %div3A_8 = arith.divf %div3A_7, %mul3A_6 : vector<16xf32>
    %swap3A = arith.constant 0 : index
    %swap3A_9 = tpu.vector_load %arg12[%swap3A] {strides = array<i32>} : memref<128xf32, #tpu.memory_space<vmem>>, vector<16xf32>,
    tpu.vector_store %arg12[%swap3A], %div3A_8 {strides = array<i32>} : memref<128xf32, #tpu.memory_space<vmem>>, vector<16xf32>,
    %get3A_10 = arith.constant 16 : index
    %get3A_11 = tpu.vector_load %arg12[%get3A_10] {strides = array<i32>} : memref<128xf32, #tpu.memory_space<vmem>>, vector<16xf32>,
    %mul3A_12 = arith.mulf %get3A_11, %get3A_11 : vector<16xf32>
    %div3A_13 = arith.constant -5.000000e-01 : f32
    %div3A_14 = vector.broadcast %div3A_13 : f32 to vector<16xf32>
    %div3A_15 = arith.divf %div3A_14, %mul3A_12 : vector<16xf32>
    %swap3A_16 = arith.constant 16 : index
    %swap3A_17 = tpu.vector_load %arg12[%swap3A_16] {strides = array<i32>} : memref<128xf32, #tpu.memory_space<vmem>>, vector<16xf32>,
    tpu.vector_store %arg12[%swap3A_16], %div3A_15 {strides = array<i32>} : memref<128xf32, #tpu.memory_space<vmem>>, vector<16xf32>,
    %get3A_18 = arith.constant 32 : index
    %get3A_19 = tpu.vector_load %arg12[%get3A_18] {strides = array<i32>} : memref<128xf32, #tpu.memory_space<vmem>>, vector<16xf32>,
    %mul3A_20 = arith.mulf %get3A_19, %get3A_19 : vector<16xf32>
    %div3A_21 = arith.constant -5.000000e-01 : f32
    %div3A_22 = vector.broadcast %div3A_21 : f32 to vector<16xf32>
    %div3A_23 = arith.divf %div3A_22, %mul3A_20 : vector<16xf32>
    %swap3A_24 = arith.constant 32 : index
    %swap3A_25 = tpu.vector_load %arg12[%swap3A_24] {strides = array<i32>} : memref<128xf32, #tpu.memory_space<vmem>>, vector<16xf32>,
    tpu.vector_store %arg12[%swap3A_24], %div3A_23 {strides = array<i32>} : memref<128xf32, #tpu.memory_space<vmem>>, vector<16xf32>,
    %get3A_26 = arith.constant 48 : index
    %get3A_27 = tpu.vector_load %arg12[%get3A_26] {strides = array<i32>} : memref<128xf32, #tpu.memory_space<vmem>>, vector<16xf32>,
    %mul3A_28 = arith.mulf %get3A_27, %get3A_27 : vector<16xf32>
    %div3A_29 = arith.constant -5.000000e-01 : f32
    %div3A_30 = vector.broadcast %div3A_29 : f32 to vector<16xf32>
    %div3A_31 = arith.divf %div3A_30, %mul3A_28 : vector<16xf32>
    %swap3A_32 = arith.constant 48 : index
    %swap3A_33 = tpu.vector_load %arg12[%swap3A_32] {strides = array<i32>} : memref<128xf32, #tpu.memory_space<vmem>>, vector<16xf32>,
    tpu.vector_store %arg12[%swap3A_32], %div3A_31 {strides = array<i32>} : memref<128xf32, #tpu.memory_space<vmem>>, vector<16xf32>,
    %get3A_34 = arith.constant 64 : index
    %get3A_35 = tpu.vector_load %arg12[%get3A_34] {strides = array<i32>} : memref<128xf32, #tpu.memory_space<vmem>>, vector<16xf32>,
    %mul3A_36 = arith.mulf %get3A_35, %get3A_35 : vector<16xf32>
    %div3A_37 = arith.constant -5.000000e-01 : f32
    %div3A_38 = vector.broadcast %div3A_37 : f32 to vector<16xf32>
    %div3A_39 = arith.divf %div3A_38, %mul3A_36 : vector<16xf32>
    %swap3A_40 = arith.constant 64 : index
    %swap3A_41 = tpu.vector_load %arg12[%swap3A_40] {strides = array<i32>} : memref<128xf32, #tpu.memory_space<vmem>>, vector<16xf32>,
    tpu.vector_store %arg12[%swap3A_40], %div3A_39 {strides = array<i32>} : memref<128xf32, #tpu.memory_space<vmem>>, vector<16xf32>,
    %get3A_42 = arith.constant 80 : index
    %get3A_43 = tpu.vector_load %arg12[%get3A_42] {strides = array<i32>} : memref<128xf32, #tpu.memory_space<vmem>>, vector<16xf32>,
    %mul3A_44 = arith.mulf %get3A_43, %get3A_43 : vector<16xf32>
    %div3A_45 = arith.constant -5.000000e-01 : f32
    %div3A_46 = vector.broadcast %div3A_45 : f32 to vector<16xf32>
    %div3A_47 = arith.divf %div3A_46, %mul3A_44 : vector<16xf32>
    %swap3A_48 = arith.constant 80 : index
    %swap3A_49 = tpu.vector_load %arg12[%swap3A_48] {strides = array<i32>} : memref<128xf32, #tpu.memory_space<vmem>>, vector<16xf32>,
    tpu.vector_store %arg12[%swap3A_48], %div3A_47 {strides = array<i32>} : memref<128xf32, #tpu.memory_space<vmem>>, vector<16xf32>,
    %get3A_50 = arith.constant 96 : index
    %get3A_51 = tpu.vector_load %arg12[%get3A_50] {strides = array<i32>} : memref<128xf32, #tpu.memory_space<vmem>>, vector<16xf32>,
    %mul3A_52 = arith.mulf %get3A_51, %get3A_51 : vector<16xf32>
    %div3A_53 = arith.constant -5.000000e-01 : f32
    %div3A_54 = vector.broadcast %div3A_53 : f32 to vector<16xf32>
    %div3A_55 = arith.divf %div3A_54, %mul3A_52 : vector<16xf32>
    %swap3A_56 = arith.constant 96 : index
    %swap3A_57 = tpu.vector_load %arg12[%swap3A_56] {strides = array<i32>} : memref<128xf32, #tpu.memory_space<vmem>>, vector<16xf32>,
    tpu.vector_store %arg12[%swap3A_56], %div3A_55 {strides = array<i32>} : memref<128xf32, #tpu.memory_space<vmem>>, vector<16xf32>,
    %get3A_58 = arith.constant 112 : index
    %get3A_59 = tpu.vector_load %arg12[%get3A_58] {strides = array<i32>} : memref<128xf32, #tpu.memory_space<vmem>>, vector<16xf32>,
    %mul3A_60 = arith.mulf %get3A_59, %get3A_59 : vector<16xf32>
    %div3A_61 = arith.constant -5.000000e-01 : f32
    %div3A_62 = vector.broadcast %div3A_61 : f32 to vector<16xf32>
    %div3A_63 = arith.divf %div3A_62, %mul3A_60 : vector<16xf32>
    %swap3A_64 = arith.constant 112 : index
    %swap3A_65 = tpu.vector_load %arg12[%swap3A_64] {strides = array<i32>} : memref<128xf32, #tpu.memory_space<vmem>>, vector<16xf32>,
    tpu.vector_store %arg12[%swap3A_64], %div3A_63 {strides = array<i32>} : memref<128xf32, #tpu.memory_space<vmem>>, vector<16xf32>,
    %broadcast_in_dim3A = arith.constant 0.000000e+00 : f32
    %broadcast_in_dim3A_66 = vector.broadcast %broadcast_in_dim3A : f32 to vector<16xf32>
    %scan3A = arith.constant 0 : i32
    %scan3A_67 = arith.constant 0 : i32
    %scan3A_68 = arith.constant 16 : i32
    %scan3A_69 = arith.addi %scan3A_67, %scan3A_68 : i32
    %scan3A_70 = arith.constant 1 : i32
    scf.for %scan3A_80 = %scan3A_67 to %scan3A_69 step %scan3A_70  : i32 {
      %get3A_81 = arith.constant 0 : index
      %get3A_82 = tpu.vector_load %arg11[%get3A_81] {strides = array<i32>} : memref<128xf32, #tpu.memory_space<vmem>>, vector<16xf32>,
      %get3A_83 = arith.constant 0 : index
      %get3A_84 = tpu.vector_load %arg12[%get3A_83] {strides = array<i32>} : memref<128xf32, #tpu.memory_space<vmem>>, vector<16xf32>,
      %mul3A_85 = arith.constant 2 : i32
      %mul3A_86 = arith.muli %mul3A_85, %scan3A_80 : i32
      %mul3A_87 = arith.constant 128 : i32
      %mul3A_88 = arith.muli %mul3A_86, %mul3A_87 : i32
      %add3A_89 = arith.constant 0 : i32
      %add3A_90 = arith.addi %mul3A_88, %add3A_89 : i32
      %get3A_91 = arith.index_cast %add3A_90 : i32 to index
      %get3A_92 = tpu.vector_load %arg9[%get3A_91] {strides = array<i32>} : memref<4096xf32, #tpu.memory_space<vmem>>, vector<16xf32>,
      %mul3A_93 = arith.constant 2 : i32
      %mul3A_94 = arith.muli %mul3A_93, %scan3A_80 : i32
      %add3A_95 = arith.constant 1 : i32
      %add3A_96 = arith.addi %mul3A_94, %add3A_95 : i32
      %mul3A_97 = arith.constant 128 : i32
      %mul3A_98 = arith.muli %add3A_96, %mul3A_97 : i32
      %add3A_99 = arith.constant 0 : i32
      %add3A_100 = arith.addi %mul3A_98, %add3A_99 : i32
      %get3A_101 = arith.index_cast %add3A_100 : i32 to index
      %get3A_102 = tpu.vector_load %arg9[%get3A_101] {strides = array<i32>} : memref<4096xf32, #tpu.memory_space<vmem>>, vector<16xf32>,
      %sub3A = arith.subf %get3A_92, %get3A_82 : vector<16xf32>
      %sub3A_103 = arith.subf %get3A_102, %get3A_82 : vector<16xf32>
      %mul3A_104 = arith.mulf %sub3A, %sub3A : vector<16xf32>
      %mul3A_105 = arith.mulf %mul3A_104, %get3A_84 : vector<16xf32>
      %exp3A = math.exp %mul3A_105 : vector<16xf32>
      %mul3A_106 = arith.mulf %sub3A_103, %sub3A_103 : vector<16xf32>
      %mul3A_107 = arith.mulf %mul3A_106, %get3A_84 : vector<16xf32>
      %exp3A_108 = math.exp %mul3A_107 : vector<16xf32>
      %pack3A = tpu.pack_subelements %exp3A, %exp3A_108 {pack_format = #tpu.pack_format<interleaved>, positions = array<i32: 0, 1>} : vector<16xf32>, vector<16xf32> -> vector<32xbf16>
      %bitcast3A = vector.bitcast %pack3A : vector<32xbf16> to vector<16xi32>
      %mul3A_109 = arith.constant 128 : i32
      %mul3A_110 = arith.muli %scan3A_80, %mul3A_109 : i32
      %add3A_111 = arith.constant 0 : i32
      %add3A_112 = arith.addi %mul3A_110, %add3A_111 : i32
      %swap3A_113 = arith.index_cast %add3A_112 : i32 to index
      %swap3A_114 = tpu.vector_load %arg10[%swap3A_113] {strides = array<i32>} : memref<2048xi32, #tpu.memory_space<vmem>>, vector<16xi32>,
      tpu.vector_store %arg10[%swap3A_113], %bitcast3A {strides = array<i32>} : memref<2048xi32, #tpu.memory_space<vmem>>, vector<16xi32>,
      %get3A_115 = arith.constant 16 : index
      %get3A_116 = tpu.vector_load %arg11[%get3A_115] {strides = array<i32>} : memref<128xf32, #tpu.memory_space<vmem>>, vector<16xf32>,
      %get3A_117 = arith.constant 16 : index
      %get3A_118 = tpu.vector_load %arg12[%get3A_117] {strides = array<i32>} : memref<128xf32, #tpu.memory_space<vmem>>, vector<16xf32>,
      %mul3A_119 = arith.constant 2 : i32
      %mul3A_120 = arith.muli %mul3A_119, %scan3A_80 : i32
      %mul3A_121 = arith.constant 128 : i32
      %mul3A_122 = arith.muli %mul3A_120, %mul3A_121 : i32
      %add3A_123 = arith.constant 16 : i32
      %add3A_124 = arith.addi %mul3A_122, %add3A_123 : i32
      %get3A_125 = arith.index_cast %add3A_124 : i32 to index
      %get3A_126 = tpu.vector_load %arg9[%get3A_125] {strides = array<i32>} : memref<4096xf32, #tpu.memory_space<vmem>>, vector<16xf32>,
      %mul3A_127 = arith.constant 2 : i32
      %mul3A_128 = arith.muli %mul3A_127, %scan3A_80 : i32
      %add3A_129 = arith.constant 1 : i32
      %add3A_130 = arith.addi %mul3A_128, %add3A_129 : i32
      %mul3A_131 = arith.constant 128 : i32
      %mul3A_132 = arith.muli %add3A_130, %mul3A_131 : i32
      %add3A_133 = arith.constant 16 : i32
      %add3A_134 = arith.addi %mul3A_132, %add3A_133 : i32
      %get3A_135 = arith.index_cast %add3A_134 : i32 to index
      %get3A_136 = tpu.vector_load %arg9[%get3A_135] {strides = array<i32>} : memref<4096xf32, #tpu.memory_space<vmem>>, vector<16xf32>,
      %sub3A_137 = arith.subf %get3A_126, %get3A_116 : vector<16xf32>
      %sub3A_138 = arith.subf %get3A_136, %get3A_116 : vector<16xf32>
      %mul3A_139 = arith.mulf %sub3A_137, %sub3A_137 : vector<16xf32>
      %mul3A_140 = arith.mulf %mul3A_139, %get3A_118 : vector<16xf32>
      %exp3A_141 = math.exp %mul3A_140 : vector<16xf32>
      %mul3A_142 = arith.mulf %sub3A_138, %sub3A_138 : vector<16xf32>
      %mul3A_143 = arith.mulf %mul3A_142, %get3A_118 : vector<16xf32>
      %exp3A_144 = math.exp %mul3A_143 : vector<16xf32>
      %pack3A_145 = tpu.pack_subelements %exp3A_141, %exp3A_144 {pack_format = #tpu.pack_format<interleaved>, positions = array<i32: 0, 1>} : vector<16xf32>, vector<16xf32> -> vector<32xbf16>
      %bitcast3A_146 = vector.bitcast %pack3A_145 : vector<32xbf16> to vector<16xi32>
      %mul3A_147 = arith.constant 128 : i32
      %mul3A_148 = arith.muli %scan3A_80, %mul3A_147 : i32
      %add3A_149 = arith.constant 16 : i32
      %add3A_150 = arith.addi %mul3A_148, %add3A_149 : i32
      %swap3A_151 = arith.index_cast %add3A_150 : i32 to index
      %swap3A_152 = tpu.vector_load %arg10[%swap3A_151] {strides = array<i32>} : memref<2048xi32, #tpu.memory_space<vmem>>, vector<16xi32>,
      tpu.vector_store %arg10[%swap3A_151], %bitcast3A_146 {strides = array<i32>} : memref<2048xi32, #tpu.memory_space<vmem>>, vector<16xi32>,
      %get3A_153 = arith.constant 32 : index
      %get3A_154 = tpu.vector_load %arg11[%get3A_153] {strides = array<i32>} : memref<128xf32, #tpu.memory_space<vmem>>, vector<16xf32>,
      %get3A_155 = arith.constant 32 : index
      %get3A_156 = tpu.vector_load %arg12[%get3A_155] {strides = array<i32>} : memref<128xf32, #tpu.memory_space<vmem>>, vector<16xf32>,
      %mul3A_157 = arith.constant 2 : i32
      %mul3A_158 = arith.muli %mul3A_157, %scan3A_80 : i32
      %mul3A_159 = arith.constant 128 : i32
      %mul3A_160 = arith.muli %mul3A_158, %mul3A_159 : i32
      %add3A_161 = arith.constant 32 : i32
      %add3A_162 = arith.addi %mul3A_160, %add3A_161 : i32
      %get3A_163 = arith.index_cast %add3A_162 : i32 to index
      %get3A_164 = tpu.vector_load %arg9[%get3A_163] {strides = array<i32>} : memref<4096xf32, #tpu.memory_space<vmem>>, vector<16xf32>,
      %mul3A_165 = arith.constant 2 : i32
      %mul3A_166 = arith.muli %mul3A_165, %scan3A_80 : i32
      %add3A_167 = arith.constant 1 : i32
      %add3A_168 = arith.addi %mul3A_166, %add3A_167 : i32
      %mul3A_169 = arith.constant 128 : i32
      %mul3A_170 = arith.muli %add3A_168, %mul3A_169 : i32
      %add3A_171 = arith.constant 32 : i32
      %add3A_172 = arith.addi %mul3A_170, %add3A_171 : i32
      %get3A_173 = arith.index_cast %add3A_172 : i32 to index
      %get3A_174 = tpu.vector_load %arg9[%get3A_173] {strides = array<i32>} : memref<4096xf32, #tpu.memory_space<vmem>>, vector<16xf32>,
      %sub3A_175 = arith.subf %get3A_164, %get3A_154 : vector<16xf32>
      %sub3A_176 = arith.subf %get3A_174, %get3A_154 : vector<16xf32>
      %mul3A_177 = arith.mulf %sub3A_175, %sub3A_175 : vector<16xf32>
      %mul3A_178 = arith.mulf %mul3A_177, %get3A_156 : vector<16xf32>
      %exp3A_179 = math.exp %mul3A_178 : vector<16xf32>
      %mul3A_180 = arith.mulf %sub3A_176, %sub3A_176 : vector<16xf32>
      %mul3A_181 = arith.mulf %mul3A_180, %get3A_156 : vector<16xf32>
      %exp3A_182 = math.exp %mul3A_181 : vector<16xf32>
      %pack3A_183 = tpu.pack_subelements %exp3A_179, %exp3A_182 {pack_format = #tpu.pack_format<interleaved>, positions = array<i32: 0, 1>} : vector<16xf32>, vector<16xf32> -> vector<32xbf16>
      %bitcast3A_184 = vector.bitcast %pack3A_183 : vector<32xbf16> to vector<16xi32>
      %mul3A_185 = arith.constant 128 : i32
      %mul3A_186 = arith.muli %scan3A_80, %mul3A_185 : i32
      %add3A_187 = arith.constant 32 : i32
      %add3A_188 = arith.addi %mul3A_186, %add3A_187 : i32
      %swap3A_189 = arith.index_cast %add3A_188 : i32 to index
      %swap3A_190 = tpu.vector_load %arg10[%swap3A_189] {strides = array<i32>} : memref<2048xi32, #tpu.memory_space<vmem>>, vector<16xi32>,
      tpu.vector_store %arg10[%swap3A_189], %bitcast3A_184 {strides = array<i32>} : memref<2048xi32, #tpu.memory_space<vmem>>, vector<16xi32>,
      %get3A_191 = arith.constant 48 : index
      %get3A_192 = tpu.vector_load %arg11[%get3A_191] {strides = array<i32>} : memref<128xf32, #tpu.memory_space<vmem>>, vector<16xf32>,
      %get3A_193 = arith.constant 48 : index
      %get3A_194 = tpu.vector_load %arg12[%get3A_193] {strides = array<i32>} : memref<128xf32, #tpu.memory_space<vmem>>, vector<16xf32>,
      %mul3A_195 = arith.constant 2 : i32
      %mul3A_196 = arith.muli %mul3A_195, %scan3A_80 : i32
      %mul3A_197 = arith.constant 128 : i32
      %mul3A_198 = arith.muli %mul3A_196, %mul3A_197 : i32
      %add3A_199 = arith.constant 48 : i32
      %add3A_200 = arith.addi %mul3A_198, %add3A_199 : i32
      %get3A_201 = arith.index_cast %add3A_200 : i32 to index
      %get3A_202 = tpu.vector_load %arg9[%get3A_201] {strides = array<i32>} : memref<4096xf32, #tpu.memory_space<vmem>>, vector<16xf32>,
      %mul3A_203 = arith.constant 2 : i32
      %mul3A_204 = arith.muli %mul3A_203, %scan3A_80 : i32
      %add3A_205 = arith.constant 1 : i32
      %add3A_206 = arith.addi %mul3A_204, %add3A_205 : i32
      %mul3A_207 = arith.constant 128 : i32
      %mul3A_208 = arith.muli %add3A_206, %mul3A_207 : i32
      %add3A_209 = arith.constant 48 : i32
      %add3A_210 = arith.addi %mul3A_208, %add3A_209 : i32
      %get3A_211 = arith.index_cast %add3A_210 : i32 to index
      %get3A_212 = tpu.vector_load %arg9[%get3A_211] {strides = array<i32>} : memref<4096xf32, #tpu.memory_space<vmem>>, vector<16xf32>,
      %sub3A_213 = arith.subf %get3A_202, %get3A_192 : vector<16xf32>
      %sub3A_214 = arith.subf %get3A_212, %get3A_192 : vector<16xf32>
      %mul3A_215 = arith.mulf %sub3A_213, %sub3A_213 : vector<16xf32>
      %mul3A_216 = arith.mulf %mul3A_215, %get3A_194 : vector<16xf32>
      %exp3A_217 = math.exp %mul3A_216 : vector<16xf32>
      %mul3A_218 = arith.mulf %sub3A_214, %sub3A_214 : vector<16xf32>
      %mul3A_219 = arith.mulf %mul3A_218, %get3A_194 : vector<16xf32>
      %exp3A_220 = math.exp %mul3A_219 : vector<16xf32>
      %pack3A_221 = tpu.pack_subelements %exp3A_217, %exp3A_220 {pack_format = #tpu.pack_format<interleaved>, positions = array<i32: 0, 1>} : vector<16xf32>, vector<16xf32> -> vector<32xbf16>
      %bitcast3A_222 = vector.bitcast %pack3A_221 : vector<32xbf16> to vector<16xi32>
      %mul3A_223 = arith.constant 128 : i32
      %mul3A_224 = arith.muli %scan3A_80, %mul3A_223 : i32
      %add3A_225 = arith.constant 48 : i32
      %add3A_226 = arith.addi %mul3A_224, %add3A_225 : i32
      %swap3A_227 = arith.index_cast %add3A_226 : i32 to index
      %swap3A_228 = tpu.vector_load %arg10[%swap3A_227] {strides = array<i32>} : memref<2048xi32, #tpu.memory_space<vmem>>, vector<16xi32>,
      tpu.vector_store %arg10[%swap3A_227], %bitcast3A_222 {strides = array<i32>} : memref<2048xi32, #tpu.memory_space<vmem>>, vector<16xi32>,
      %get3A_229 = arith.constant 64 : index
      %get3A_230 = tpu.vector_load %arg11[%get3A_229] {strides = array<i32>} : memref<128xf32, #tpu.memory_space<vmem>>, vector<16xf32>,
      %get3A_231 = arith.constant 64 : index
      %get3A_232 = tpu.vector_load %arg12[%get3A_231] {strides = array<i32>} : memref<128xf32, #tpu.memory_space<vmem>>, vector<16xf32>,
      %mul3A_233 = arith.constant 2 : i32
      %mul3A_234 = arith.muli %mul3A_233, %scan3A_80 : i32
      %mul3A_235 = arith.constant 128 : i32
      %mul3A_236 = arith.muli %mul3A_234, %mul3A_235 : i32
      %add3A_237 = arith.constant 64 : i32
      %add3A_238 = arith.addi %mul3A_236, %add3A_237 : i32
      %get3A_239 = arith.index_cast %add3A_238 : i32 to index
      %get3A_240 = tpu.vector_load %arg9[%get3A_239] {strides = array<i32>} : memref<4096xf32, #tpu.memory_space<vmem>>, vector<16xf32>,
      %mul3A_241 = arith.constant 2 : i32
      %mul3A_242 = arith.muli %mul3A_241, %scan3A_80 : i32
      %add3A_243 = arith.constant 1 : i32
      %add3A_244 = arith.addi %mul3A_242, %add3A_243 : i32
      %mul3A_245 = arith.constant 128 : i32
      %mul3A_246 = arith.muli %add3A_244, %mul3A_245 : i32
      %add3A_247 = arith.constant 64 : i32
      %add3A_248 = arith.addi %mul3A_246, %add3A_247 : i32
      %get3A_249 = arith.index_cast %add3A_248 : i32 to index
      %get3A_250 = tpu.vector_load %arg9[%get3A_249] {strides = array<i32>} : memref<4096xf32, #tpu.memory_space<vmem>>, vector<16xf32>,
      %sub3A_251 = arith.subf %get3A_240, %get3A_230 : vector<16xf32>
      %sub3A_252 = arith.subf %get3A_250, %get3A_230 : vector<16xf32>
      %mul3A_253 = arith.mulf %sub3A_251, %sub3A_251 : vector<16xf32>
      %mul3A_254 = arith.mulf %mul3A_253, %get3A_232 : vector<16xf32>
      %exp3A_255 = math.exp %mul3A_254 : vector<16xf32>
      %mul3A_256 = arith.mulf %sub3A_252, %sub3A_252 : vector<16xf32>
      %mul3A_257 = arith.mulf %mul3A_256, %get3A_232 : vector<16xf32>
      %exp3A_258 = math.exp %mul3A_257 : vector<16xf32>
      %pack3A_259 = tpu.pack_subelements %exp3A_255, %exp3A_258 {pack_format = #tpu.pack_format<interleaved>, positions = array<i32: 0, 1>} : vector<16xf32>, vector<16xf32> -> vector<32xbf16>
      %bitcast3A_260 = vector.bitcast %pack3A_259 : vector<32xbf16> to vector<16xi32>
      %mul3A_261 = arith.constant 128 : i32
      %mul3A_262 = arith.muli %scan3A_80, %mul3A_261 : i32
      %add3A_263 = arith.constant 64 : i32
      %add3A_264 = arith.addi %mul3A_262, %add3A_263 : i32
      %swap3A_265 = arith.index_cast %add3A_264 : i32 to index
      %swap3A_266 = tpu.vector_load %arg10[%swap3A_265] {strides = array<i32>} : memref<2048xi32, #tpu.memory_space<vmem>>, vector<16xi32>,
      tpu.vector_store %arg10[%swap3A_265], %bitcast3A_260 {strides = array<i32>} : memref<2048xi32, #tpu.memory_space<vmem>>, vector<16xi32>,
      %get3A_267 = arith.constant 80 : index
      %get3A_268 = tpu.vector_load %arg11[%get3A_267] {strides = array<i32>} : memref<128xf32, #tpu.memory_space<vmem>>, vector<16xf32>,
      %get3A_269 = arith.constant 80 : index
      %get3A_270 = tpu.vector_load %arg12[%get3A_269] {strides = array<i32>} : memref<128xf32, #tpu.memory_space<vmem>>, vector<16xf32>,
      %mul3A_271 = arith.constant 2 : i32
      %mul3A_272 = arith.muli %mul3A_271, %scan3A_80 : i32
      %mul3A_273 = arith.constant 128 : i32
      %mul3A_274 = arith.muli %mul3A_272, %mul3A_273 : i32
      %add3A_275 = arith.constant 80 : i32
      %add3A_276 = arith.addi %mul3A_274, %add3A_275 : i32
      %get3A_277 = arith.index_cast %add3A_276 : i32 to index
      %get3A_278 = tpu.vector_load %arg9[%get3A_277] {strides = array<i32>} : memref<4096xf32, #tpu.memory_space<vmem>>, vector<16xf32>,
      %mul3A_279 = arith.constant 2 : i32
      %mul3A_280 = arith.muli %mul3A_279, %scan3A_80 : i32
      %add3A_281 = arith.constant 1 : i32
      %add3A_282 = arith.addi %mul3A_280, %add3A_281 : i32
      %mul3A_283 = arith.constant 128 : i32
      %mul3A_284 = arith.muli %add3A_282, %mul3A_283 : i32
      %add3A_285 = arith.constant 80 : i32
      %add3A_286 = arith.addi %mul3A_284, %add3A_285 : i32
      %get3A_287 = arith.index_cast %add3A_286 : i32 to index
      %get3A_288 = tpu.vector_load %arg9[%get3A_287] {strides = array<i32>} : memref<4096xf32, #tpu.memory_space<vmem>>, vector<16xf32>,
      %sub3A_289 = arith.subf %get3A_278, %get3A_268 : vector<16xf32>
      %sub3A_290 = arith.subf %get3A_288, %get3A_268 : vector<16xf32>
      %mul3A_291 = arith.mulf %sub3A_289, %sub3A_289 : vector<16xf32>
      %mul3A_292 = arith.mulf %mul3A_291, %get3A_270 : vector<16xf32>
      %exp3A_293 = math.exp %mul3A_292 : vector<16xf32>
      %mul3A_294 = arith.mulf %sub3A_290, %sub3A_290 : vector<16xf32>
      %mul3A_295 = arith.mulf %mul3A_294, %get3A_270 : vector<16xf32>
      %exp3A_296 = math.exp %mul3A_295 : vector<16xf32>
      %pack3A_297 = tpu.pack_subelements %exp3A_293, %exp3A_296 {pack_format = #tpu.pack_format<interleaved>, positions = array<i32: 0, 1>} : vector<16xf32>, vector<16xf32> -> vector<32xbf16>
      %bitcast3A_298 = vector.bitcast %pack3A_297 : vector<32xbf16> to vector<16xi32>
      %mul3A_299 = arith.constant 128 : i32
      %mul3A_300 = arith.muli %scan3A_80, %mul3A_299 : i32
      %add3A_301 = arith.constant 80 : i32
      %add3A_302 = arith.addi %mul3A_300, %add3A_301 : i32
      %swap3A_303 = arith.index_cast %add3A_302 : i32 to index
      %swap3A_304 = tpu.vector_load %arg10[%swap3A_303] {strides = array<i32>} : memref<2048xi32, #tpu.memory_space<vmem>>, vector<16xi32>,
      tpu.vector_store %arg10[%swap3A_303], %bitcast3A_298 {strides = array<i32>} : memref<2048xi32, #tpu.memory_space<vmem>>, vector<16xi32>,
      %get3A_305 = arith.constant 96 : index
      %get3A_306 = tpu.vector_load %arg11[%get3A_305] {strides = array<i32>} : memref<128xf32, #tpu.memory_space<vmem>>, vector<16xf32>,
      %get3A_307 = arith.constant 96 : index
      %get3A_308 = tpu.vector_load %arg12[%get3A_307] {strides = array<i32>} : memref<128xf32, #tpu.memory_space<vmem>>, vector<16xf32>,
      %mul3A_309 = arith.constant 2 : i32
      %mul3A_310 = arith.muli %mul3A_309, %scan3A_80 : i32
      %mul3A_311 = arith.constant 128 : i32
      %mul3A_312 = arith.muli %mul3A_310, %mul3A_311 : i32
      %add3A_313 = arith.constant 96 : i32
      %add3A_314 = arith.addi %mul3A_312, %add3A_313 : i32
      %get3A_315 = arith.index_cast %add3A_314 : i32 to index
      %get3A_316 = tpu.vector_load %arg9[%get3A_315] {strides = array<i32>} : memref<4096xf32, #tpu.memory_space<vmem>>, vector<16xf32>,
      %mul3A_317 = arith.constant 2 : i32
      %mul3A_318 = arith.muli %mul3A_317, %scan3A_80 : i32
      %add3A_319 = arith.constant 1 : i32
      %add3A_320 = arith.addi %mul3A_318, %add3A_319 : i32
      %mul3A_321 = arith.constant 128 : i32
      %mul3A_322 = arith.muli %add3A_320, %mul3A_321 : i32
      %add3A_323 = arith.constant 96 : i32
      %add3A_324 = arith.addi %mul3A_322, %add3A_323 : i32
      %get3A_325 = arith.index_cast %add3A_324 : i32 to index
      %get3A_326 = tpu.vector_load %arg9[%get3A_325] {strides = array<i32>} : memref<4096xf32, #tpu.memory_space<vmem>>, vector<16xf32>,
      %sub3A_327 = arith.subf %get3A_316, %get3A_306 : vector<16xf32>
      %sub3A_328 = arith.subf %get3A_326, %get3A_306 : vector<16xf32>
      %mul3A_329 = arith.mulf %sub3A_327, %sub3A_327 : vector<16xf32>
      %mul3A_330 = arith.mulf %mul3A_329, %get3A_308 : vector<16xf32>
      %exp3A_331 = math.exp %mul3A_330 : vector<16xf32>
      %mul3A_332 = arith.mulf %sub3A_328, %sub3A_328 : vector<16xf32>
      %mul3A_333 = arith.mulf %mul3A_332, %get3A_308 : vector<16xf32>
      %exp3A_334 = math.exp %mul3A_333 : vector<16xf32>
      %pack3A_335 = tpu.pack_subelements %exp3A_331, %exp3A_334 {pack_format = #tpu.pack_format<interleaved>, positions = array<i32: 0, 1>} : vector<16xf32>, vector<16xf32> -> vector<32xbf16>
      %bitcast3A_336 = vector.bitcast %pack3A_335 : vector<32xbf16> to vector<16xi32>
      %mul3A_337 = arith.constant 128 : i32
      %mul3A_338 = arith.muli %scan3A_80, %mul3A_337 : i32
      %add3A_339 = arith.constant 96 : i32
      %add3A_340 = arith.addi %mul3A_338, %add3A_339 : i32
      %swap3A_341 = arith.index_cast %add3A_340 : i32 to index
      %swap3A_342 = tpu.vector_load %arg10[%swap3A_341] {strides = array<i32>} : memref<2048xi32, #tpu.memory_space<vmem>>, vector<16xi32>,
      tpu.vector_store %arg10[%swap3A_341], %bitcast3A_336 {strides = array<i32>} : memref<2048xi32, #tpu.memory_space<vmem>>, vector<16xi32>,
      %get3A_343 = arith.constant 112 : index
      %get3A_344 = tpu.vector_load %arg11[%get3A_343] {strides = array<i32>} : memref<128xf32, #tpu.memory_space<vmem>>, vector<16xf32>,
      %get3A_345 = arith.constant 112 : index
      %get3A_346 = tpu.vector_load %arg12[%get3A_345] {strides = array<i32>} : memref<128xf32, #tpu.memory_space<vmem>>, vector<16xf32>,
      %mul3A_347 = arith.constant 2 : i32
      %mul3A_348 = arith.muli %mul3A_347, %scan3A_80 : i32
      %mul3A_349 = arith.constant 128 : i32
      %mul3A_350 = arith.muli %mul3A_348, %mul3A_349 : i32
      %add3A_351 = arith.constant 112 : i32
      %add3A_352 = arith.addi %mul3A_350, %add3A_351 : i32
      %get3A_353 = arith.index_cast %add3A_352 : i32 to index
      %get3A_354 = tpu.vector_load %arg9[%get3A_353] {strides = array<i32>} : memref<4096xf32, #tpu.memory_space<vmem>>, vector<16xf32>,
      %mul3A_355 = arith.constant 2 : i32
      %mul3A_356 = arith.muli %mul3A_355, %scan3A_80 : i32
      %add3A_357 = arith.constant 1 : i32
      %add3A_358 = arith.addi %mul3A_356, %add3A_357 : i32
      %mul3A_359 = arith.constant 128 : i32
      %mul3A_360 = arith.muli %add3A_358, %mul3A_359 : i32
      %add3A_361 = arith.constant 112 : i32
      %add3A_362 = arith.addi %mul3A_360, %add3A_361 : i32
      %get3A_363 = arith.index_cast %add3A_362 : i32 to index
      %get3A_364 = tpu.vector_load %arg9[%get3A_363] {strides = array<i32>} : memref<4096xf32, #tpu.memory_space<vmem>>, vector<16xf32>,
      %sub3A_365 = arith.subf %get3A_354, %get3A_344 : vector<16xf32>
      %sub3A_366 = arith.subf %get3A_364, %get3A_344 : vector<16xf32>
      %mul3A_367 = arith.mulf %sub3A_365, %sub3A_365 : vector<16xf32>
      %mul3A_368 = arith.mulf %mul3A_367, %get3A_346 : vector<16xf32>
      %exp3A_369 = math.exp %mul3A_368 : vector<16xf32>
      %mul3A_370 = arith.mulf %sub3A_366, %sub3A_366 : vector<16xf32>
      %mul3A_371 = arith.mulf %mul3A_370, %get3A_346 : vector<16xf32>
      %exp3A_372 = math.exp %mul3A_371 : vector<16xf32>
      %pack3A_373 = tpu.pack_subelements %exp3A_369, %exp3A_372 {pack_format = #tpu.pack_format<interleaved>, positions = array<i32: 0, 1>} : vector<16xf32>, vector<16xf32> -> vector<32xbf16>
      %bitcast3A_374 = vector.bitcast %pack3A_373 : vector<32xbf16> to vector<16xi32>
      %mul3A_375 = arith.constant 128 : i32
      %mul3A_376 = arith.muli %scan3A_80, %mul3A_375 : i32
      %add3A_377 = arith.constant 112 : i32
      %add3A_378 = arith.addi %mul3A_376, %add3A_377 : i32
      %swap3A_379 = arith.index_cast %add3A_378 : i32 to index
      %swap3A_380 = tpu.vector_load %arg10[%swap3A_379] {strides = array<i32>} : memref<2048xi32, #tpu.memory_space<vmem>>, vector<16xi32>,
      tpu.vector_store %arg10[%swap3A_379], %bitcast3A_374 {strides = array<i32>} : memref<2048xi32, #tpu.memory_space<vmem>>, vector<16xi32>,
      %mul3A_381 = arith.constant 6 : i32
      %mul3A_382 = arith.muli %scan3A_80, %mul3A_381 : i32
      %mul3A_383 = arith.constant 16 : i32
      %mul3A_384 = arith.muli %mul3A_382, %mul3A_383 : i32
      %add3A_385 = arith.constant 0 : i32
      %add3A_386 = arith.addi %mul3A_384, %add3A_385 : i32
      %swap3A_387 = arith.index_cast %add3A_386 : i32 to index
      %swap3A_388 = tpu.vector_load %arg16[%swap3A_387] {strides = array<i32>} : memref<1536xf32, #tpu.memory_space<vmem>>, vector<16xf32>,
      tpu.vector_store %arg16[%swap3A_387], %broadcast_in_dim3A_66 {strides = array<i32>} : memref<1536xf32, #tpu.memory_space<vmem>>, vector<16xf32>,
      %mul3A_389 = arith.constant 6 : i32
      %mul3A_390 = arith.muli %scan3A_80, %mul3A_389 : i32
      %mul3A_391 = arith.constant 16 : i32
      %mul3A_392 = arith.muli %mul3A_390, %mul3A_391 : i32
      %add3A_393 = arith.constant 16 : i32
      %add3A_394 = arith.addi %mul3A_392, %add3A_393 : i32
      %swap3A_395 = arith.index_cast %add3A_394 : i32 to index
      %swap3A_396 = tpu.vector_load %arg16[%swap3A_395] {strides = array<i32>} : memref<1536xf32, #tpu.memory_space<vmem>>, vector<16xf32>,
      tpu.vector_store %arg16[%swap3A_395], %broadcast_in_dim3A_66 {strides = array<i32>} : memref<1536xf32, #tpu.memory_space<vmem>>, vector<16xf32>,
      %mul3A_397 = arith.constant 6 : i32
      %mul3A_398 = arith.muli %scan3A_80, %mul3A_397 : i32
      %mul3A_399 = arith.constant 16 : i32
      %mul3A_400 = arith.muli %mul3A_398, %mul3A_399 : i32
      %add3A_401 = arith.constant 32 : i32
      %add3A_402 = arith.addi %mul3A_400, %add3A_401 : i32
      %swap3A_403 = arith.index_cast %add3A_402 : i32 to index
      %swap3A_404 = tpu.vector_load %arg16[%swap3A_403] {strides = array<i32>} : memref<1536xf32, #tpu.memory_space<vmem>>, vector<16xf32>,
      tpu.vector_store %arg16[%swap3A_403], %broadcast_in_dim3A_66 {strides = array<i32>} : memref<1536xf32, #tpu.memory_space<vmem>>, vector<16xf32>,
      %mul3A_405 = arith.constant 6 : i32
      %mul3A_406 = arith.muli %scan3A_80, %mul3A_405 : i32
      %mul3A_407 = arith.constant 16 : i32
      %mul3A_408 = arith.muli %mul3A_406, %mul3A_407 : i32
      %add3A_409 = arith.constant 48 : i32
      %add3A_410 = arith.addi %mul3A_408, %add3A_409 : i32
      %swap3A_411 = arith.index_cast %add3A_410 : i32 to index
      %swap3A_412 = tpu.vector_load %arg16[%swap3A_411] {strides = array<i32>} : memref<1536xf32, #tpu.memory_space<vmem>>, vector<16xf32>,
      tpu.vector_store %arg16[%swap3A_411], %broadcast_in_dim3A_66 {strides = array<i32>} : memref<1536xf32, #tpu.memory_space<vmem>>, vector<16xf32>,
      %mul3A_413 = arith.constant 6 : i32
      %mul3A_414 = arith.muli %scan3A_80, %mul3A_413 : i32
      %mul3A_415 = arith.constant 16 : i32
      %mul3A_416 = arith.muli %mul3A_414, %mul3A_415 : i32
      %add3A_417 = arith.constant 64 : i32
      %add3A_418 = arith.addi %mul3A_416, %add3A_417 : i32
      %swap3A_419 = arith.index_cast %add3A_418 : i32 to index
      %swap3A_420 = tpu.vector_load %arg16[%swap3A_419] {strides = array<i32>} : memref<1536xf32, #tpu.memory_space<vmem>>, vector<16xf32>,
      tpu.vector_store %arg16[%swap3A_419], %broadcast_in_dim3A_66 {strides = array<i32>} : memref<1536xf32, #tpu.memory_space<vmem>>, vector<16xf32>,
      %mul3A_421 = arith.constant 6 : i32
      %mul3A_422 = arith.muli %scan3A_80, %mul3A_421 : i32
      %mul3A_423 = arith.constant 16 : i32
      %mul3A_424 = arith.muli %mul3A_422, %mul3A_423 : i32
      %add3A_425 = arith.constant 80 : i32
      %add3A_426 = arith.addi %mul3A_424, %add3A_425 : i32
      %swap3A_427 = arith.index_cast %add3A_426 : i32 to index
      %swap3A_428 = tpu.vector_load %arg16[%swap3A_427] {strides = array<i32>} : memref<1536xf32, #tpu.memory_space<vmem>>, vector<16xf32>,
      tpu.vector_store %arg16[%swap3A_427], %broadcast_in_dim3A_66 {strides = array<i32>} : memref<1536xf32, #tpu.memory_space<vmem>>, vector<16xf32>,
    }
    %scan3A_71 = arith.constant 16 : i32
    %iota3A = tpu.iota {dimensions = array<i32: 0>} : vector<16xi32>
    %parallel_loop3A = arith.constant 0 : i32
    %parallel_loop3A_72 = arith.constant 160 : i32
    %parallel_loop3A_73 = arith.constant 1 : i32
    scf.for %parallel_loop3A_80 = %parallel_loop3A to %parallel_loop3A_72 step %parallel_loop3A_73  : i32 {
      %parallel_loop3A_81 = arith.constant 6 : i32
      %parallel_loop3A_82 = vector.broadcast %parallel_loop3A_81 : i32 to vector<16xi32>
      %parallel_loop3A_83 = arith.muli %iota3A, %parallel_loop3A_82 : vector<16xi32>
      %parallel_loop3A_84 = arith.constant 96 : i32
      %parallel_loop3A_85 = arith.muli %parallel_loop3A_80, %parallel_loop3A_84 : i32
      %parallel_loop3A_86 = vector.broadcast %parallel_loop3A_85 : i32 to vector<16xi32>
      %parallel_loop3A_87 = arith.addi %parallel_loop3A_83, %parallel_loop3A_86 : vector<16xi32>
      %parallel_loop3A_88 = arith.constant 0 : i32
      %parallel_loop3A_89 = vector.broadcast %parallel_loop3A_88 : i32 to vector<16xi32>
      %parallel_loop3A_90 = arith.addi %parallel_loop3A_87, %parallel_loop3A_89 : vector<16xi32>
      %parallel_loop3A_91 = tpu.vector_load_idx %arg13[%parallel_loop3A_90] : memref<15360xi32, #tpu.memory_space<vmem>>[vector<16xi32>], vector<16xi32>,
      %parallel_loop3A_92 = arith.constant 1 : i32
      %parallel_loop3A_93 = vector.broadcast %parallel_loop3A_92 : i32 to vector<16xi32>
      %parallel_loop3A_94 = arith.addi %parallel_loop3A_87, %parallel_loop3A_93 : vector<16xi32>
      %parallel_loop3A_95 = tpu.vector_load_idx %arg13[%parallel_loop3A_94] : memref<15360xi32, #tpu.memory_space<vmem>>[vector<16xi32>], vector<16xi32>,
      %parallel_loop3A_96 = arith.constant 2 : i32
      %parallel_loop3A_97 = vector.broadcast %parallel_loop3A_96 : i32 to vector<16xi32>
      %parallel_loop3A_98 = arith.addi %parallel_loop3A_87, %parallel_loop3A_97 : vector<16xi32>
      %parallel_loop3A_99 = tpu.vector_load_idx %arg13[%parallel_loop3A_98] : memref<15360xi32, #tpu.memory_space<vmem>>[vector<16xi32>], vector<16xi32>,
      %parallel_loop3A_100 = arith.constant 3 : i32
      %parallel_loop3A_101 = vector.broadcast %parallel_loop3A_100 : i32 to vector<16xi32>
      %parallel_loop3A_102 = arith.addi %parallel_loop3A_87, %parallel_loop3A_101 : vector<16xi32>
      %parallel_loop3A_103 = tpu.vector_load_idx %arg13[%parallel_loop3A_102] : memref<15360xi32, #tpu.memory_space<vmem>>[vector<16xi32>], vector<16xi32>,
      %parallel_loop3A_104 = arith.constant 4 : i32
      %parallel_loop3A_105 = vector.broadcast %parallel_loop3A_104 : i32 to vector<16xi32>
      %parallel_loop3A_106 = arith.addi %parallel_loop3A_87, %parallel_loop3A_105 : vector<16xi32>
      %parallel_loop3A_107 = tpu.vector_load_idx %arg13[%parallel_loop3A_106] : memref<15360xi32, #tpu.memory_space<vmem>>[vector<16xi32>], vector<16xi32>,
      %parallel_loop3A_108 = arith.constant 5 : i32
      %parallel_loop3A_109 = vector.broadcast %parallel_loop3A_108 : i32 to vector<16xi32>
      %parallel_loop3A_110 = arith.addi %parallel_loop3A_87, %parallel_loop3A_109 : vector<16xi32>
      %parallel_loop3A_111 = tpu.vector_load_idx %arg13[%parallel_loop3A_110] : memref<15360xi32, #tpu.memory_space<vmem>>[vector<16xi32>], vector<16xi32>,
      %parallel_loop3A_112 = arith.constant 2 : i32
      %parallel_loop3A_113 = vector.broadcast %parallel_loop3A_112 : i32 to vector<16xi32>
      %parallel_loop3A_114 = arith.muli %iota3A, %parallel_loop3A_113 : vector<16xi32>
      %parallel_loop3A_115 = arith.constant 32 : i32
      %parallel_loop3A_116 = arith.muli %parallel_loop3A_80, %parallel_loop3A_115 : i32
      %parallel_loop3A_117 = vector.broadcast %parallel_loop3A_116 : i32 to vector<16xi32>
      %parallel_loop3A_118 = arith.addi %parallel_loop3A_114, %parallel_loop3A_117 : vector<16xi32>
      %parallel_loop3A_119 = tpu.vector_load_idx %arg14[%parallel_loop3A_118] : memref<5120xi32, #tpu.memory_space<vmem>>[vector<16xi32>], vector<16xi32>,
      %parallel_loop3A_120 = tpu.vector_load_idx %arg15[%parallel_loop3A_119] : memref<128xf32, #tpu.memory_space<vmem>>[vector<16xi32>], vector<16xf32>,
      %parallel_loop3A_121 = arith.constant 1 : i32
      %parallel_loop3A_122 = vector.broadcast %parallel_loop3A_121 : i32 to vector<16xi32>
      %parallel_loop3A_123 = arith.addi %parallel_loop3A_118, %parallel_loop3A_122 : vector<16xi32>
      %parallel_loop3A_124 = tpu.vector_load_idx %arg14[%parallel_loop3A_123] : memref<5120xi32, #tpu.memory_space<vmem>>[vector<16xi32>], vector<16xi32>,
      %parallel_loop3A_125 = tpu.vector_load_idx %arg15[%parallel_loop3A_124] : memref<128xf32, #tpu.memory_space<vmem>>[vector<16xi32>], vector<16xf32>,
      %parallel_loop3A_126 = arith.constant 0 : i32
      %parallel_loop3A_127 = vector.broadcast %parallel_loop3A_126 : i32 to vector<16xi32>
      %parallel_loop3A_128 = arith.addi %parallel_loop3A_91, %parallel_loop3A_127 : vector<16xi32>
      %parallel_loop3A_129 = tpu.vector_load_idx %arg10[%parallel_loop3A_128] : memref<2048xi32, #tpu.memory_space<vmem>>[vector<16xi32>], vector<16xi32>,
      %parallel_loop3A_130 = vector.bitcast %parallel_loop3A_129 : vector<16xi32> to vector<32xbf16>
      %parallel_loop3A_131 = arith.constant 0 : i32
      %parallel_loop3A_132 = vector.broadcast %parallel_loop3A_131 : i32 to vector<16xi32>
      %parallel_loop3A_133 = arith.addi %parallel_loop3A_95, %parallel_loop3A_132 : vector<16xi32>
      %parallel_loop3A_134 = tpu.vector_load_idx %arg10[%parallel_loop3A_133] : memref<2048xi32, #tpu.memory_space<vmem>>[vector<16xi32>], vector<16xi32>,
      %parallel_loop3A_135 = vector.bitcast %parallel_loop3A_134 : vector<16xi32> to vector<32xbf16>
      %parallel_loop3A_136 = arith.constant 0 : i32
      %parallel_loop3A_137 = vector.broadcast %parallel_loop3A_136 : i32 to vector<16xi32>
      %parallel_loop3A_138 = arith.addi %parallel_loop3A_99, %parallel_loop3A_137 : vector<16xi32>
      %parallel_loop3A_139 = tpu.vector_load_idx %arg10[%parallel_loop3A_138] : memref<2048xi32, #tpu.memory_space<vmem>>[vector<16xi32>], vector<16xi32>,
      %parallel_loop3A_140 = vector.bitcast %parallel_loop3A_139 : vector<16xi32> to vector<32xbf16>
      %parallel_loop3A_141 = arith.constant 0 : i32
      %parallel_loop3A_142 = vector.broadcast %parallel_loop3A_141 : i32 to vector<16xi32>
      %parallel_loop3A_143 = arith.addi %parallel_loop3A_103, %parallel_loop3A_142 : vector<16xi32>
      %parallel_loop3A_144 = tpu.vector_load_idx %arg10[%parallel_loop3A_143] : memref<2048xi32, #tpu.memory_space<vmem>>[vector<16xi32>], vector<16xi32>,
      %parallel_loop3A_145 = vector.bitcast %parallel_loop3A_144 : vector<16xi32> to vector<32xbf16>
      %parallel_loop3A_146 = arith.constant 0 : i32
      %parallel_loop3A_147 = vector.broadcast %parallel_loop3A_146 : i32 to vector<16xi32>
      %parallel_loop3A_148 = arith.addi %parallel_loop3A_107, %parallel_loop3A_147 : vector<16xi32>
      %parallel_loop3A_149 = tpu.vector_load_idx %arg10[%parallel_loop3A_148] : memref<2048xi32, #tpu.memory_space<vmem>>[vector<16xi32>], vector<16xi32>,
      %parallel_loop3A_150 = vector.bitcast %parallel_loop3A_149 : vector<16xi32> to vector<32xbf16>
      %parallel_loop3A_151 = arith.constant 0 : i32
      %parallel_loop3A_152 = vector.broadcast %parallel_loop3A_151 : i32 to vector<16xi32>
      %parallel_loop3A_153 = arith.addi %parallel_loop3A_111, %parallel_loop3A_152 : vector<16xi32>
      %parallel_loop3A_154 = tpu.vector_load_idx %arg10[%parallel_loop3A_153] : memref<2048xi32, #tpu.memory_space<vmem>>[vector<16xi32>], vector<16xi32>,
      %parallel_loop3A_155 = vector.bitcast %parallel_loop3A_154 : vector<16xi32> to vector<32xbf16>
      %parallel_loop3A_156 = arith.minimumf %parallel_loop3A_130, %parallel_loop3A_135 : vector<32xbf16>
      %parallel_loop3A_157 = arith.minimumf %parallel_loop3A_140, %parallel_loop3A_145 : vector<32xbf16>
      %parallel_loop3A_158 = arith.minimumf %parallel_loop3A_150, %parallel_loop3A_155 : vector<32xbf16>
      %parallel_loop3A_159 = arith.minimumf %parallel_loop3A_156, %parallel_loop3A_157 : vector<32xbf16>
      %parallel_loop3A_160 = arith.minimumf %parallel_loop3A_159, %parallel_loop3A_158 : vector<32xbf16>
      %parallel_loop3A_161 = tpu.unpack_subelements %parallel_loop3A_160, 0 {pack_format = #tpu.pack_format<interleaved>} : vector<32xbf16> -> vector<16xf32>
      %parallel_loop3A_162 = tpu.unpack_subelements %parallel_loop3A_160, 1 {pack_format = #tpu.pack_format<interleaved>} : vector<32xbf16> -> vector<16xf32>
      %parallel_loop3A_163 = arith.mulf %parallel_loop3A_161, %parallel_loop3A_120 : vector<16xf32>
      %parallel_loop3A_164 = arith.constant 0 : index
      %parallel_loop3A_165 = tpu.vector_load %arg16[%parallel_loop3A_164] {strides = array<i32>} : memref<1536xf32, #tpu.memory_space<vmem>>, vector<16xf32>,
      tpu.vector_store %arg16[%parallel_loop3A_164], %parallel_loop3A_163 {add = true, strides = array<i32>} : memref<1536xf32, #tpu.memory_space<vmem>>, vector<16xf32>,
      %parallel_loop3A_166 = arith.mulf %parallel_loop3A_161, %parallel_loop3A_125 : vector<16xf32>
      %parallel_loop3A_167 = arith.constant 16 : index
      %parallel_loop3A_168 = tpu.vector_load %arg16[%parallel_loop3A_167] {strides = array<i32>} : memref<1536xf32, #tpu.memory_space<vmem>>, vector<16xf32>,
      tpu.vector_store %arg16[%parallel_loop3A_167], %parallel_loop3A_166 {add = true, strides = array<i32>} : memref<1536xf32, #tpu.memory_space<vmem>>, vector<16xf32>,
      %parallel_loop3A_169 = arith.constant 32 : index
      %parallel_loop3A_170 = tpu.vector_load %arg16[%parallel_loop3A_169] {strides = array<i32>} : memref<1536xf32, #tpu.memory_space<vmem>>, vector<16xf32>,
      tpu.vector_store %arg16[%parallel_loop3A_169], %parallel_loop3A_161 {add = true, strides = array<i32>} : memref<1536xf32, #tpu.memory_space<vmem>>, vector<16xf32>,
      %parallel_loop3A_171 = arith.mulf %parallel_loop3A_162, %parallel_loop3A_120 : vector<16xf32>
      %parallel_loop3A_172 = arith.constant 48 : index
      %parallel_loop3A_173 = tpu.vector_load %arg16[%parallel_loop3A_172] {strides = array<i32>} : memref<1536xf32, #tpu.memory_space<vmem>>, vector<16xf32>,
      tpu.vector_store %arg16[%parallel_loop3A_172], %parallel_loop3A_171 {add = true, strides = array<i32>} : memref<1536xf32, #tpu.memory_space<vmem>>, vector<16xf32>,
      %parallel_loop3A_174 = arith.mulf %parallel_loop3A_162, %parallel_loop3A_125 : vector<16xf32>
      %parallel_loop3A_175 = arith.constant 64 : index
      %parallel_loop3A_176 = tpu.vector_load %arg16[%parallel_loop3A_175] {strides = array<i32>} : memref<1536xf32, #tpu.memory_space<vmem>>, vector<16xf32>,
      tpu.vector_store %arg16[%parallel_loop3A_175], %parallel_loop3A_174 {add = true, strides = array<i32>} : memref<1536xf32, #tpu.memory_space<vmem>>, vector<16xf32>,
      %parallel_loop3A_177 = arith.constant 80 : index
      %parallel_loop3A_178 = tpu.vector_load %arg16[%parallel_loop3A_177] {strides = array<i32>} : memref<1536xf32, #tpu.memory_space<vmem>>, vector<16xf32>,
      tpu.vector_store %arg16[%parallel_loop3A_177], %parallel_loop3A_162 {add = true, strides = array<i32>} : memref<1536xf32, #tpu.memory_space<vmem>>, vector<16xf32>,
      %parallel_loop3A_179 = arith.constant 128 : i32
      %parallel_loop3A_180 = vector.broadcast %parallel_loop3A_179 : i32 to vector<16xi32>
      %parallel_loop3A_181 = arith.addi %parallel_loop3A_91, %parallel_loop3A_180 : vector<16xi32>
      %parallel_loop3A_182 = tpu.vector_load_idx %arg10[%parallel_loop3A_181] : memref<2048xi32, #tpu.memory_space<vmem>>[vector<16xi32>], vector<16xi32>,
      %parallel_loop3A_183 = vector.bitcast %parallel_loop3A_182 : vector<16xi32> to vector<32xbf16>
      %parallel_loop3A_184 = arith.constant 128 : i32
      %parallel_loop3A_185 = vector.broadcast %parallel_loop3A_184 : i32 to vector<16xi32>
      %parallel_loop3A_186 = arith.addi %parallel_loop3A_95, %parallel_loop3A_185 : vector<16xi32>
      %parallel_loop3A_187 = tpu.vector_load_idx %arg10[%parallel_loop3A_186] : memref<2048xi32, #tpu.memory_space<vmem>>[vector<16xi32>], vector<16xi32>,
      %parallel_loop3A_188 = vector.bitcast %parallel_loop3A_187 : vector<16xi32> to vector<32xbf16>
      %parallel_loop3A_189 = arith.constant 128 : i32
      %parallel_loop3A_190 = vector.broadcast %parallel_loop3A_189 : i32 to vector<16xi32>
      %parallel_loop3A_191 = arith.addi %parallel_loop3A_99, %parallel_loop3A_190 : vector<16xi32>
      %parallel_loop3A_192 = tpu.vector_load_idx %arg10[%parallel_loop3A_191] : memref<2048xi32, #tpu.memory_space<vmem>>[vector<16xi32>], vector<16xi32>,
      %parallel_loop3A_193 = vector.bitcast %parallel_loop3A_192 : vector<16xi32> to vector<32xbf16>
      %parallel_loop3A_194 = arith.constant 128 : i32
      %parallel_loop3A_195 = vector.broadcast %parallel_loop3A_194 : i32 to vector<16xi32>
      %parallel_loop3A_196 = arith.addi %parallel_loop3A_103, %parallel_loop3A_195 : vector<16xi32>
      %parallel_loop3A_197 = tpu.vector_load_idx %arg10[%parallel_loop3A_196] : memref<2048xi32, #tpu.memory_space<vmem>>[vector<16xi32>], vector<16xi32>,
      %parallel_loop3A_198 = vector.bitcast %parallel_loop3A_197 : vector<16xi32> to vector<32xbf16>
      %parallel_loop3A_199 = arith.constant 128 : i32
      %parallel_loop3A_200 = vector.broadcast %parallel_loop3A_199 : i32 to vector<16xi32>
      %parallel_loop3A_201 = arith.addi %parallel_loop3A_107, %parallel_loop3A_200 : vector<16xi32>
      %parallel_loop3A_202 = tpu.vector_load_idx %arg10[%parallel_loop3A_201] : memref<2048xi32, #tpu.memory_space<vmem>>[vector<16xi32>], vector<16xi32>,
      %parallel_loop3A_203 = vector.bitcast %parallel_loop3A_202 : vector<16xi32> to vector<32xbf16>
      %parallel_loop3A_204 = arith.constant 128 : i32
      %parallel_loop3A_205 = vector.broadcast %parallel_loop3A_204 : i32 to vector<16xi32>
      %parallel_loop3A_206 = arith.addi %parallel_loop3A_111, %parallel_loop3A_205 : vector<16xi32>
      %parallel_loop3A_207 = tpu.vector_load_idx %arg10[%parallel_loop3A_206] : memref<2048xi32, #tpu.memory_space<vmem>>[vector<16xi32>], vector<16xi32>,
      %parallel_loop3A_208 = vector.bitcast %parallel_loop3A_207 : vector<16xi32> to vector<32xbf16>
      %parallel_loop3A_209 = arith.minimumf %parallel_loop3A_183, %parallel_loop3A_188 : vector<32xbf16>
      %parallel_loop3A_210 = arith.minimumf %parallel_loop3A_193, %parallel_loop3A_198 : vector<32xbf16>
      %parallel_loop3A_211 = arith.minimumf %parallel_loop3A_203, %parallel_loop3A_208 : vector<32xbf16>
      %parallel_loop3A_212 = arith.minimumf %parallel_loop3A_209, %parallel_loop3A_210 : vector<32xbf16>
      %parallel_loop3A_213 = arith.minimumf %parallel_loop3A_212, %parallel_loop3A_211 : vector<32xbf16>
      %parallel_loop3A_214 = tpu.unpack_subelements %parallel_loop3A_213, 0 {pack_format = #tpu.pack_format<interleaved>} : vector<32xbf16> -> vector<16xf32>
      %parallel_loop3A_215 = tpu.unpack_subelements %parallel_loop3A_213, 1 {pack_format = #tpu.pack_format<interleaved>} : vector<32xbf16> -> vector<16xf32>
      %parallel_loop3A_216 = arith.mulf %parallel_loop3A_214, %parallel_loop3A_120 : vector<16xf32>
      %parallel_loop3A_217 = arith.constant 96 : index
      %parallel_loop3A_218 = tpu.vector_load %arg16[%parallel_loop3A_217] {strides = array<i32>} : memref<1536xf32, #tpu.memory_space<vmem>>, vector<16xf32>,
      tpu.vector_store %arg16[%parallel_loop3A_217], %parallel_loop3A_216 {add = true, strides = array<i32>} : memref<1536xf32, #tpu.memory_space<vmem>>, vector<16xf32>,
      %parallel_loop3A_219 = arith.mulf %parallel_loop3A_214, %parallel_loop3A_125 : vector<16xf32>
      %parallel_loop3A_220 = arith.constant 112 : index
      %parallel_loop3A_221 = tpu.vector_load %arg16[%parallel_loop3A_220] {strides = array<i32>} : memref<1536xf32, #tpu.memory_space<vmem>>, vector<16xf32>,
      tpu.vector_store %arg16[%parallel_loop3A_220], %parallel_loop3A_219 {add = true, strides = array<i32>} : memref<1536xf32, #tpu.memory_space<vmem>>, vector<16xf32>,
      %parallel_loop3A_222 = arith.constant 128 : index
      %parallel_loop3A_223 = tpu.vector_load %arg16[%parallel_loop3A_222] {strides = array<i32>} : memref<1536xf32, #tpu.memory_space<vmem>>, vector<16xf32>,
      tpu.vector_store %arg16[%parallel_loop3A_222], %parallel_loop3A_214 {add = true, strides = array<i32>} : memref<1536xf32, #tpu.memory_space<vmem>>, vector<16xf32>,
      %parallel_loop3A_224 = arith.mulf %parallel_loop3A_215, %parallel_loop3A_120 : vector<16xf32>
      %parallel_loop3A_225 = arith.constant 144 : index
      %parallel_loop3A_226 = tpu.vector_load %arg16[%parallel_loop3A_225] {strides = array<i32>} : memref<1536xf32, #tpu.memory_space<vmem>>, vector<16xf32>,
      tpu.vector_store %arg16[%parallel_loop3A_225], %parallel_loop3A_224 {add = true, strides = array<i32>} : memref<1536xf32, #tpu.memory_space<vmem>>, vector<16xf32>,
      %parallel_loop3A_227 = arith.mulf %parallel_loop3A_215, %parallel_loop3A_125 : vector<16xf32>
      %parallel_loop3A_228 = arith.constant 160 : index
      %parallel_loop3A_229 = tpu.vector_load %arg16[%parallel_loop3A_228] {strides = array<i32>} : memref<1536xf32, #tpu.memory_space<vmem>>, vector<16xf32>,
      tpu.vector_store %arg16[%parallel_loop3A_228], %parallel_loop3A_227 {add = true, strides = array<i32>} : memref<1536xf32, #tpu.memory_space<vmem>>, vector<16xf32>,
      %parallel_loop3A_230 = arith.constant 176 : index
      %parallel_loop3A_231 = tpu.vector_load %arg16[%parallel_loop3A_230] {strides = array<i32>} : memref<1536xf32, #tpu.memory_space<vmem>>, vector<16xf32>,
      tpu.vector_store %arg16[%parallel_loop3A_230], %parallel_loop3A_215 {add = true, strides = array<i32>} : memref<1536xf32, #tpu.memory_space<vmem>>, vector<16xf32>,
      %parallel_loop3A_232 = arith.constant 256 : i32
      %parallel_loop3A_233 = vector.broadcast %parallel_loop3A_232 : i32 to vector<16xi32>
      %parallel_loop3A_234 = arith.addi %parallel_loop3A_91, %parallel_loop3A_233 : vector<16xi32>
      %parallel_loop3A_235 = tpu.vector_load_idx %arg10[%parallel_loop3A_234] : memref<2048xi32, #tpu.memory_space<vmem>>[vector<16xi32>], vector<16xi32>,
      %parallel_loop3A_236 = vector.bitcast %parallel_loop3A_235 : vector<16xi32> to vector<32xbf16>
      %parallel_loop3A_237 = arith.constant 256 : i32
      %parallel_loop3A_238 = vector.broadcast %parallel_loop3A_237 : i32 to vector<16xi32>
      %parallel_loop3A_239 = arith.addi %parallel_loop3A_95, %parallel_loop3A_238 : vector<16xi32>
      %parallel_loop3A_240 = tpu.vector_load_idx %arg10[%parallel_loop3A_239] : memref<2048xi32, #tpu.memory_space<vmem>>[vector<16xi32>], vector<16xi32>,
      %parallel_loop3A_241 = vector.bitcast %parallel_loop3A_240 : vector<16xi32> to vector<32xbf16>
      %parallel_loop3A_242 = arith.constant 256 : i32
      %parallel_loop3A_243 = vector.broadcast %parallel_loop3A_242 : i32 to vector<16xi32>
      %parallel_loop3A_244 = arith.addi %parallel_loop3A_99, %parallel_loop3A_243 : vector<16xi32>
      %parallel_loop3A_245 = tpu.vector_load_idx %arg10[%parallel_loop3A_244] : memref<2048xi32, #tpu.memory_space<vmem>>[vector<16xi32>], vector<16xi32>,
      %parallel_loop3A_246 = vector.bitcast %parallel_loop3A_245 : vector<16xi32> to vector<32xbf16>
      %parallel_loop3A_247 = arith.constant 256 : i32
      %parallel_loop3A_248 = vector.broadcast %parallel_loop3A_247 : i32 to vector<16xi32>
      %parallel_loop3A_249 = arith.addi %parallel_loop3A_103, %parallel_loop3A_248 : vector<16xi32>
      %parallel_loop3A_250 = tpu.vector_load_idx %arg10[%parallel_loop3A_249] : memref<2048xi32, #tpu.memory_space<vmem>>[vector<16xi32>], vector<16xi32>,
      %parallel_loop3A_251 = vector.bitcast %parallel_loop3A_250 : vector<16xi32> to vector<32xbf16>
      %parallel_loop3A_252 = arith.constant 256 : i32
      %parallel_loop3A_253 = vector.broadcast %parallel_loop3A_252 : i32 to vector<16xi32>
      %parallel_loop3A_254 = arith.addi %parallel_loop3A_107, %parallel_loop3A_253 : vector<16xi32>
      %parallel_loop3A_255 = tpu.vector_load_idx %arg10[%parallel_loop3A_254] : memref<2048xi32, #tpu.memory_space<vmem>>[vector<16xi32>], vector<16xi32>,
      %parallel_loop3A_256 = vector.bitcast %parallel_loop3A_255 : vector<16xi32> to vector<32xbf16>
      %parallel_loop3A_257 = arith.constant 256 : i32
      %parallel_loop3A_258 = vector.broadcast %parallel_loop3A_257 : i32 to vector<16xi32>
      %parallel_loop3A_259 = arith.addi %parallel_loop3A_111, %parallel_loop3A_258 : vector<16xi32>
      %parallel_loop3A_260 = tpu.vector_load_idx %arg10[%parallel_loop3A_259] : memref<2048xi32, #tpu.memory_space<vmem>>[vector<16xi32>], vector<16xi32>,
      %parallel_loop3A_261 = vector.bitcast %parallel_loop3A_260 : vector<16xi32> to vector<32xbf16>
      %parallel_loop3A_262 = arith.minimumf %parallel_loop3A_236, %parallel_loop3A_241 : vector<32xbf16>
      %parallel_loop3A_263 = arith.minimumf %parallel_loop3A_246, %parallel_loop3A_251 : vector<32xbf16>
      %parallel_loop3A_264 = arith.minimumf %parallel_loop3A_256, %parallel_loop3A_261 : vector<32xbf16>
      %parallel_loop3A_265 = arith.minimumf %parallel_loop3A_262, %parallel_loop3A_263 : vector<32xbf16>
      %parallel_loop3A_266 = arith.minimumf %parallel_loop3A_265, %parallel_loop3A_264 : vector<32xbf16>
      %parallel_loop3A_267 = tpu.unpack_subelements %parallel_loop3A_266, 0 {pack_format = #tpu.pack_format<interleaved>} : vector<32xbf16> -> vector<16xf32>
      %parallel_loop3A_268 = tpu.unpack_subelements %parallel_loop3A_266, 1 {pack_format = #tpu.pack_format<interleaved>} : vector<32xbf16> -> vector<16xf32>
      %parallel_loop3A_269 = arith.mulf %parallel_loop3A_267, %parallel_loop3A_120 : vector<16xf32>
      %parallel_loop3A_270 = arith.constant 192 : index
      %parallel_loop3A_271 = tpu.vector_load %arg16[%parallel_loop3A_270] {strides = array<i32>} : memref<1536xf32, #tpu.memory_space<vmem>>, vector<16xf32>,
      tpu.vector_store %arg16[%parallel_loop3A_270], %parallel_loop3A_269 {add = true, strides = array<i32>} : memref<1536xf32, #tpu.memory_space<vmem>>, vector<16xf32>,
      %parallel_loop3A_272 = arith.mulf %parallel_loop3A_267, %parallel_loop3A_125 : vector<16xf32>
      %parallel_loop3A_273 = arith.constant 208 : index
      %parallel_loop3A_274 = tpu.vector_load %arg16[%parallel_loop3A_273] {strides = array<i32>} : memref<1536xf32, #tpu.memory_space<vmem>>, vector<16xf32>,
      tpu.vector_store %arg16[%parallel_loop3A_273], %parallel_loop3A_272 {add = true, strides = array<i32>} : memref<1536xf32, #tpu.memory_space<vmem>>, vector<16xf32>,
      %parallel_loop3A_275 = arith.constant 224 : index
      %parallel_loop3A_276 = tpu.vector_load %arg16[%parallel_loop3A_275] {strides = array<i32>} : memref<1536xf32, #tpu.memory_space<vmem>>, vector<16xf32>,
      tpu.vector_store %arg16[%parallel_loop3A_275], %parallel_loop3A_267 {add = true, strides = array<i32>} : memref<1536xf32, #tpu.memory_space<vmem>>, vector<16xf32>,
      %parallel_loop3A_277 = arith.mulf %parallel_loop3A_268, %parallel_loop3A_120 : vector<16xf32>
      %parallel_loop3A_278 = arith.constant 240 : index
      %parallel_loop3A_279 = tpu.vector_load %arg16[%parallel_loop3A_278] {strides = array<i32>} : memref<1536xf32, #tpu.memory_space<vmem>>, vector<16xf32>,
      tpu.vector_store %arg16[%parallel_loop3A_278], %parallel_loop3A_277 {add = true, strides = array<i32>} : memref<1536xf32, #tpu.memory_space<vmem>>, vector<16xf32>,
      %parallel_loop3A_280 = arith.mulf %parallel_loop3A_268, %parallel_loop3A_125 : vector<16xf32>
      %parallel_loop3A_281 = arith.constant 256 : index
      %parallel_loop3A_282 = tpu.vector_load %arg16[%parallel_loop3A_281] {strides = array<i32>} : memref<1536xf32, #tpu.memory_space<vmem>>, vector<16xf32>,
      tpu.vector_store %arg16[%parallel_loop3A_281], %parallel_loop3A_280 {add = true, strides = array<i32>} : memref<1536xf32, #tpu.memory_space<vmem>>, vector<16xf32>,
      %parallel_loop3A_283 = arith.constant 272 : index
      %parallel_loop3A_284 = tpu.vector_load %arg16[%parallel_loop3A_283] {strides = array<i32>} : memref<1536xf32, #tpu.memory_space<vmem>>, vector<16xf32>,
      tpu.vector_store %arg16[%parallel_loop3A_283], %parallel_loop3A_268 {add = true, strides = array<i32>} : memref<1536xf32, #tpu.memory_space<vmem>>, vector<16xf32>,
      %parallel_loop3A_285 = arith.constant 384 : i32
      %parallel_loop3A_286 = vector.broadcast %parallel_loop3A_285 : i32 to vector<16xi32>
      %parallel_loop3A_287 = arith.addi %parallel_loop3A_91, %parallel_loop3A_286 : vector<16xi32>
      %parallel_loop3A_288 = tpu.vector_load_idx %arg10[%parallel_loop3A_287] : memref<2048xi32, #tpu.memory_space<vmem>>[vector<16xi32>], vector<16xi32>,
      %parallel_loop3A_289 = vector.bitcast %parallel_loop3A_288 : vector<16xi32> to vector<32xbf16>
      %parallel_loop3A_290 = arith.constant 384 : i32
      %parallel_loop3A_291 = vector.broadcast %parallel_loop3A_290 : i32 to vector<16xi32>
      %parallel_loop3A_292 = arith.addi %parallel_loop3A_95, %parallel_loop3A_291 : vector<16xi32>
      %parallel_loop3A_293 = tpu.vector_load_idx %arg10[%parallel_loop3A_292] : memref<2048xi32, #tpu.memory_space<vmem>>[vector<16xi32>], vector<16xi32>,
      %parallel_loop3A_294 = vector.bitcast %parallel_loop3A_293 : vector<16xi32> to vector<32xbf16>
      %parallel_loop3A_295 = arith.constant 384 : i32
      %parallel_loop3A_296 = vector.broadcast %parallel_loop3A_295 : i32 to vector<16xi32>
      %parallel_loop3A_297 = arith.addi %parallel_loop3A_99, %parallel_loop3A_296 : vector<16xi32>
      %parallel_loop3A_298 = tpu.vector_load_idx %arg10[%parallel_loop3A_297] : memref<2048xi32, #tpu.memory_space<vmem>>[vector<16xi32>], vector<16xi32>,
      %parallel_loop3A_299 = vector.bitcast %parallel_loop3A_298 : vector<16xi32> to vector<32xbf16>
      %parallel_loop3A_300 = arith.constant 384 : i32
      %parallel_loop3A_301 = vector.broadcast %parallel_loop3A_300 : i32 to vector<16xi32>
      %parallel_loop3A_302 = arith.addi %parallel_loop3A_103, %parallel_loop3A_301 : vector<16xi32>
      %parallel_loop3A_303 = tpu.vector_load_idx %arg10[%parallel_loop3A_302] : memref<2048xi32, #tpu.memory_space<vmem>>[vector<16xi32>], vector<16xi32>,
      %parallel_loop3A_304 = vector.bitcast %parallel_loop3A_303 : vector<16xi32> to vector<32xbf16>
      %parallel_loop3A_305 = arith.constant 384 : i32
      %parallel_loop3A_306 = vector.broadcast %parallel_loop3A_305 : i32 to vector<16xi32>
      %parallel_loop3A_307 = arith.addi %parallel_loop3A_107, %parallel_loop3A_306 : vector<16xi32>
      %parallel_loop3A_308 = tpu.vector_load_idx %arg10[%parallel_loop3A_307] : memref<2048xi32, #tpu.memory_space<vmem>>[vector<16xi32>], vector<16xi32>,
      %parallel_loop3A_309 = vector.bitcast %parallel_loop3A_308 : vector<16xi32> to vector<32xbf16>
      %parallel_loop3A_310 = arith.constant 384 : i32
      %parallel_loop3A_311 = vector.broadcast %parallel_loop3A_310 : i32 to vector<16xi32>
      %parallel_loop3A_312 = arith.addi %parallel_loop3A_111, %parallel_loop3A_311 : vector<16xi32>
      %parallel_loop3A_313 = tpu.vector_load_idx %arg10[%parallel_loop3A_312] : memref<2048xi32, #tpu.memory_space<vmem>>[vector<16xi32>], vector<16xi32>,
      %parallel_loop3A_314 = vector.bitcast %parallel_loop3A_313 : vector<16xi32> to vector<32xbf16>
      %parallel_loop3A_315 = arith.minimumf %parallel_loop3A_289, %parallel_loop3A_294 : vector<32xbf16>
      %parallel_loop3A_316 = arith.minimumf %parallel_loop3A_299, %parallel_loop3A_304 : vector<32xbf16>
      %parallel_loop3A_317 = arith.minimumf %parallel_loop3A_309, %parallel_loop3A_314 : vector<32xbf16>
      %parallel_loop3A_318 = arith.minimumf %parallel_loop3A_315, %parallel_loop3A_316 : vector<32xbf16>
      %parallel_loop3A_319 = arith.minimumf %parallel_loop3A_318, %parallel_loop3A_317 : vector<32xbf16>
      %parallel_loop3A_320 = tpu.unpack_subelements %parallel_loop3A_319, 0 {pack_format = #tpu.pack_format<interleaved>} : vector<32xbf16> -> vector<16xf32>
      %parallel_loop3A_321 = tpu.unpack_subelements %parallel_loop3A_319, 1 {pack_format = #tpu.pack_format<interleaved>} : vector<32xbf16> -> vector<16xf32>
      %parallel_loop3A_322 = arith.mulf %parallel_loop3A_320, %parallel_loop3A_120 : vector<16xf32>
      %parallel_loop3A_323 = arith.constant 288 : index
      %parallel_loop3A_324 = tpu.vector_load %arg16[%parallel_loop3A_323] {strides = array<i32>} : memref<1536xf32, #tpu.memory_space<vmem>>, vector<16xf32>,
      tpu.vector_store %arg16[%parallel_loop3A_323], %parallel_loop3A_322 {add = true, strides = array<i32>} : memref<1536xf32, #tpu.memory_space<vmem>>, vector<16xf32>,
      %parallel_loop3A_325 = arith.mulf %parallel_loop3A_320, %parallel_loop3A_125 : vector<16xf32>
      %parallel_loop3A_326 = arith.constant 304 : index
      %parallel_loop3A_327 = tpu.vector_load %arg16[%parallel_loop3A_326] {strides = array<i32>} : memref<1536xf32, #tpu.memory_space<vmem>>, vector<16xf32>,
      tpu.vector_store %arg16[%parallel_loop3A_326], %parallel_loop3A_325 {add = true, strides = array<i32>} : memref<1536xf32, #tpu.memory_space<vmem>>, vector<16xf32>,
      %parallel_loop3A_328 = arith.constant 320 : index
      %parallel_loop3A_329 = tpu.vector_load %arg16[%parallel_loop3A_328] {strides = array<i32>} : memref<1536xf32, #tpu.memory_space<vmem>>, vector<16xf32>,
      tpu.vector_store %arg16[%parallel_loop3A_328], %parallel_loop3A_320 {add = true, strides = array<i32>} : memref<1536xf32, #tpu.memory_space<vmem>>, vector<16xf32>,
      %parallel_loop3A_330 = arith.mulf %parallel_loop3A_321, %parallel_loop3A_120 : vector<16xf32>
      %parallel_loop3A_331 = arith.constant 336 : index
      %parallel_loop3A_332 = tpu.vector_load %arg16[%parallel_loop3A_331] {strides = array<i32>} : memref<1536xf32, #tpu.memory_space<vmem>>, vector<16xf32>,
      tpu.vector_store %arg16[%parallel_loop3A_331], %parallel_loop3A_330 {add = true, strides = array<i32>} : memref<1536xf32, #tpu.memory_space<vmem>>, vector<16xf32>,
      %parallel_loop3A_333 = arith.mulf %parallel_loop3A_321, %parallel_loop3A_125 : vector<16xf32>
      %parallel_loop3A_334 = arith.constant 352 : index
      %parallel_loop3A_335 = tpu.vector_load %arg16[%parallel_loop3A_334] {strides = array<i32>} : memref<1536xf32, #tpu.memory_space<vmem>>, vector<16xf32>,
      tpu.vector_store %arg16[%parallel_loop3A_334], %parallel_loop3A_333 {add = true, strides = array<i32>} : memref<1536xf32, #tpu.memory_space<vmem>>, vector<16xf32>,
      %parallel_loop3A_336 = arith.constant 368 : index
      %parallel_loop3A_337 = tpu.vector_load %arg16[%parallel_loop3A_336] {strides = array<i32>} : memref<1536xf32, #tpu.memory_space<vmem>>, vector<16xf32>,
      tpu.vector_store %arg16[%parallel_loop3A_336], %parallel_loop3A_321 {add = true, strides = array<i32>} : memref<1536xf32, #tpu.memory_space<vmem>>, vector<16xf32>,
      %parallel_loop3A_338 = arith.constant 512 : i32
      %parallel_loop3A_339 = vector.broadcast %parallel_loop3A_338 : i32 to vector<16xi32>
      %parallel_loop3A_340 = arith.addi %parallel_loop3A_91, %parallel_loop3A_339 : vector<16xi32>
      %parallel_loop3A_341 = tpu.vector_load_idx %arg10[%parallel_loop3A_340] : memref<2048xi32, #tpu.memory_space<vmem>>[vector<16xi32>], vector<16xi32>,
      %parallel_loop3A_342 = vector.bitcast %parallel_loop3A_341 : vector<16xi32> to vector<32xbf16>
      %parallel_loop3A_343 = arith.constant 512 : i32
      %parallel_loop3A_344 = vector.broadcast %parallel_loop3A_343 : i32 to vector<16xi32>
      %parallel_loop3A_345 = arith.addi %parallel_loop3A_95, %parallel_loop3A_344 : vector<16xi32>
      %parallel_loop3A_346 = tpu.vector_load_idx %arg10[%parallel_loop3A_345] : memref<2048xi32, #tpu.memory_space<vmem>>[vector<16xi32>], vector<16xi32>,
      %parallel_loop3A_347 = vector.bitcast %parallel_loop3A_346 : vector<16xi32> to vector<32xbf16>
      %parallel_loop3A_348 = arith.constant 512 : i32
      %parallel_loop3A_349 = vector.broadcast %parallel_loop3A_348 : i32 to vector<16xi32>
      %parallel_loop3A_350 = arith.addi %parallel_loop3A_99, %parallel_loop3A_349 : vector<16xi32>
      %parallel_loop3A_351 = tpu.vector_load_idx %arg10[%parallel_loop3A_350] : memref<2048xi32, #tpu.memory_space<vmem>>[vector<16xi32>], vector<16xi32>,
      %parallel_loop3A_352 = vector.bitcast %parallel_loop3A_351 : vector<16xi32> to vector<32xbf16>
      %parallel_loop3A_353 = arith.constant 512 : i32
      %parallel_loop3A_354 = vector.broadcast %parallel_loop3A_353 : i32 to vector<16xi32>
      %parallel_loop3A_355 = arith.addi %parallel_loop3A_103, %parallel_loop3A_354 : vector<16xi32>
      %parallel_loop3A_356 = tpu.vector_load_idx %arg10[%parallel_loop3A_355] : memref<2048xi32, #tpu.memory_space<vmem>>[vector<16xi32>], vector<16xi32>,
      %parallel_loop3A_357 = vector.bitcast %parallel_loop3A_356 : vector<16xi32> to vector<32xbf16>
      %parallel_loop3A_358 = arith.constant 512 : i32
      %parallel_loop3A_359 = vector.broadcast %parallel_loop3A_358 : i32 to vector<16xi32>
      %parallel_loop3A_360 = arith.addi %parallel_loop3A_107, %parallel_loop3A_359 : vector<16xi32>
      %parallel_loop3A_361 = tpu.vector_load_idx %arg10[%parallel_loop3A_360] : memref<2048xi32, #tpu.memory_space<vmem>>[vector<16xi32>], vector<16xi32>,
      %parallel_loop3A_362 = vector.bitcast %parallel_loop3A_361 : vector<16xi32> to vector<32xbf16>
      %parallel_loop3A_363 = arith.constant 512 : i32
      %parallel_loop3A_364 = vector.broadcast %parallel_loop3A_363 : i32 to vector<16xi32>
      %parallel_loop3A_365 = arith.addi %parallel_loop3A_111, %parallel_loop3A_364 : vector<16xi32>
      %parallel_loop3A_366 = tpu.vector_load_idx %arg10[%parallel_loop3A_365] : memref<2048xi32, #tpu.memory_space<vmem>>[vector<16xi32>], vector<16xi32>,
      %parallel_loop3A_367 = vector.bitcast %parallel_loop3A_366 : vector<16xi32> to vector<32xbf16>
      %parallel_loop3A_368 = arith.minimumf %parallel_loop3A_342, %parallel_loop3A_347 : vector<32xbf16>
      %parallel_loop3A_369 = arith.minimumf %parallel_loop3A_352, %parallel_loop3A_357 : vector<32xbf16>
      %parallel_loop3A_370 = arith.minimumf %parallel_loop3A_362, %parallel_loop3A_367 : vector<32xbf16>
      %parallel_loop3A_371 = arith.minimumf %parallel_loop3A_368, %parallel_loop3A_369 : vector<32xbf16>
      %parallel_loop3A_372 = arith.minimumf %parallel_loop3A_371, %parallel_loop3A_370 : vector<32xbf16>
      %parallel_loop3A_373 = tpu.unpack_subelements %parallel_loop3A_372, 0 {pack_format = #tpu.pack_format<interleaved>} : vector<32xbf16> -> vector<16xf32>
      %parallel_loop3A_374 = tpu.unpack_subelements %parallel_loop3A_372, 1 {pack_format = #tpu.pack_format<interleaved>} : vector<32xbf16> -> vector<16xf32>
      %parallel_loop3A_375 = arith.mulf %parallel_loop3A_373, %parallel_loop3A_120 : vector<16xf32>
      %parallel_loop3A_376 = arith.constant 384 : index
      %parallel_loop3A_377 = tpu.vector_load %arg16[%parallel_loop3A_376] {strides = array<i32>} : memref<1536xf32, #tpu.memory_space<vmem>>, vector<16xf32>,
      tpu.vector_store %arg16[%parallel_loop3A_376], %parallel_loop3A_375 {add = true, strides = array<i32>} : memref<1536xf32, #tpu.memory_space<vmem>>, vector<16xf32>,
      %parallel_loop3A_378 = arith.mulf %parallel_loop3A_373, %parallel_loop3A_125 : vector<16xf32>
      %parallel_loop3A_379 = arith.constant 400 : index
      %parallel_loop3A_380 = tpu.vector_load %arg16[%parallel_loop3A_379] {strides = array<i32>} : memref<1536xf32, #tpu.memory_space<vmem>>, vector<16xf32>,
      tpu.vector_store %arg16[%parallel_loop3A_379], %parallel_loop3A_378 {add = true, strides = array<i32>} : memref<1536xf32, #tpu.memory_space<vmem>>, vector<16xf32>,
      %parallel_loop3A_381 = arith.constant 416 : index
      %parallel_loop3A_382 = tpu.vector_load %arg16[%parallel_loop3A_381] {strides = array<i32>} : memref<1536xf32, #tpu.memory_space<vmem>>, vector<16xf32>,
      tpu.vector_store %arg16[%parallel_loop3A_381], %parallel_loop3A_373 {add = true, strides = array<i32>} : memref<1536xf32, #tpu.memory_space<vmem>>, vector<16xf32>,
      %parallel_loop3A_383 = arith.mulf %parallel_loop3A_374, %parallel_loop3A_120 : vector<16xf32>
      %parallel_loop3A_384 = arith.constant 432 : index
      %parallel_loop3A_385 = tpu.vector_load %arg16[%parallel_loop3A_384] {strides = array<i32>} : memref<1536xf32, #tpu.memory_space<vmem>>, vector<16xf32>,
      tpu.vector_store %arg16[%parallel_loop3A_384], %parallel_loop3A_383 {add = true, strides = array<i32>} : memref<1536xf32, #tpu.memory_space<vmem>>, vector<16xf32>,
      %parallel_loop3A_386 = arith.mulf %parallel_loop3A_374, %parallel_loop3A_125 : vector<16xf32>
      %parallel_loop3A_387 = arith.constant 448 : index
      %parallel_loop3A_388 = tpu.vector_load %arg16[%parallel_loop3A_387] {strides = array<i32>} : memref<1536xf32, #tpu.memory_space<vmem>>, vector<16xf32>,
      tpu.vector_store %arg16[%parallel_loop3A_387], %parallel_loop3A_386 {add = true, strides = array<i32>} : memref<1536xf32, #tpu.memory_space<vmem>>, vector<16xf32>,
      %parallel_loop3A_389 = arith.constant 464 : index
      %parallel_loop3A_390 = tpu.vector_load %arg16[%parallel_loop3A_389] {strides = array<i32>} : memref<1536xf32, #tpu.memory_space<vmem>>, vector<16xf32>,
      tpu.vector_store %arg16[%parallel_loop3A_389], %parallel_loop3A_374 {add = true, strides = array<i32>} : memref<1536xf32, #tpu.memory_space<vmem>>, vector<16xf32>,
      %parallel_loop3A_391 = arith.constant 640 : i32
      %parallel_loop3A_392 = vector.broadcast %parallel_loop3A_391 : i32 to vector<16xi32>
      %parallel_loop3A_393 = arith.addi %parallel_loop3A_91, %parallel_loop3A_392 : vector<16xi32>
      %parallel_loop3A_394 = tpu.vector_load_idx %arg10[%parallel_loop3A_393] : memref<2048xi32, #tpu.memory_space<vmem>>[vector<16xi32>], vector<16xi32>,
      %parallel_loop3A_395 = vector.bitcast %parallel_loop3A_394 : vector<16xi32> to vector<32xbf16>
      %parallel_loop3A_396 = arith.constant 640 : i32
      %parallel_loop3A_397 = vector.broadcast %parallel_loop3A_396 : i32 to vector<16xi32>
      %parallel_loop3A_398 = arith.addi %parallel_loop3A_95, %parallel_loop3A_397 : vector<16xi32>
      %parallel_loop3A_399 = tpu.vector_load_idx %arg10[%parallel_loop3A_398] : memref<2048xi32, #tpu.memory_space<vmem>>[vector<16xi32>], vector<16xi32>,
      %parallel_loop3A_400 = vector.bitcast %parallel_loop3A_399 : vector<16xi32> to vector<32xbf16>
      %parallel_loop3A_401 = arith.constant 640 : i32
      %parallel_loop3A_402 = vector.broadcast %parallel_loop3A_401 : i32 to vector<16xi32>
      %parallel_loop3A_403 = arith.addi %parallel_loop3A_99, %parallel_loop3A_402 : vector<16xi32>
      %parallel_loop3A_404 = tpu.vector_load_idx %arg10[%parallel_loop3A_403] : memref<2048xi32, #tpu.memory_space<vmem>>[vector<16xi32>], vector<16xi32>,
      %parallel_loop3A_405 = vector.bitcast %parallel_loop3A_404 : vector<16xi32> to vector<32xbf16>
      %parallel_loop3A_406 = arith.constant 640 : i32
      %parallel_loop3A_407 = vector.broadcast %parallel_loop3A_406 : i32 to vector<16xi32>
      %parallel_loop3A_408 = arith.addi %parallel_loop3A_103, %parallel_loop3A_407 : vector<16xi32>
      %parallel_loop3A_409 = tpu.vector_load_idx %arg10[%parallel_loop3A_408] : memref<2048xi32, #tpu.memory_space<vmem>>[vector<16xi32>], vector<16xi32>,
      %parallel_loop3A_410 = vector.bitcast %parallel_loop3A_409 : vector<16xi32> to vector<32xbf16>
      %parallel_loop3A_411 = arith.constant 640 : i32
      %parallel_loop3A_412 = vector.broadcast %parallel_loop3A_411 : i32 to vector<16xi32>
      %parallel_loop3A_413 = arith.addi %parallel_loop3A_107, %parallel_loop3A_412 : vector<16xi32>
      %parallel_loop3A_414 = tpu.vector_load_idx %arg10[%parallel_loop3A_413] : memref<2048xi32, #tpu.memory_space<vmem>>[vector<16xi32>], vector<16xi32>,
      %parallel_loop3A_415 = vector.bitcast %parallel_loop3A_414 : vector<16xi32> to vector<32xbf16>
      %parallel_loop3A_416 = arith.constant 640 : i32
      %parallel_loop3A_417 = vector.broadcast %parallel_loop3A_416 : i32 to vector<16xi32>
      %parallel_loop3A_418 = arith.addi %parallel_loop3A_111, %parallel_loop3A_417 : vector<16xi32>
      %parallel_loop3A_419 = tpu.vector_load_idx %arg10[%parallel_loop3A_418] : memref<2048xi32, #tpu.memory_space<vmem>>[vector<16xi32>], vector<16xi32>,
      %parallel_loop3A_420 = vector.bitcast %parallel_loop3A_419 : vector<16xi32> to vector<32xbf16>
      %parallel_loop3A_421 = arith.minimumf %parallel_loop3A_395, %parallel_loop3A_400 : vector<32xbf16>
      %parallel_loop3A_422 = arith.minimumf %parallel_loop3A_405, %parallel_loop3A_410 : vector<32xbf16>
      %parallel_loop3A_423 = arith.minimumf %parallel_loop3A_415, %parallel_loop3A_420 : vector<32xbf16>
      %parallel_loop3A_424 = arith.minimumf %parallel_loop3A_421, %parallel_loop3A_422 : vector<32xbf16>
      %parallel_loop3A_425 = arith.minimumf %parallel_loop3A_424, %parallel_loop3A_423 : vector<32xbf16>
      %parallel_loop3A_426 = tpu.unpack_subelements %parallel_loop3A_425, 0 {pack_format = #tpu.pack_format<interleaved>} : vector<32xbf16> -> vector<16xf32>
      %parallel_loop3A_427 = tpu.unpack_subelements %parallel_loop3A_425, 1 {pack_format = #tpu.pack_format<interleaved>} : vector<32xbf16> -> vector<16xf32>
      %parallel_loop3A_428 = arith.mulf %parallel_loop3A_426, %parallel_loop3A_120 : vector<16xf32>
      %parallel_loop3A_429 = arith.constant 480 : index
      %parallel_loop3A_430 = tpu.vector_load %arg16[%parallel_loop3A_429] {strides = array<i32>} : memref<1536xf32, #tpu.memory_space<vmem>>, vector<16xf32>,
      tpu.vector_store %arg16[%parallel_loop3A_429], %parallel_loop3A_428 {add = true, strides = array<i32>} : memref<1536xf32, #tpu.memory_space<vmem>>, vector<16xf32>,
      %parallel_loop3A_431 = arith.mulf %parallel_loop3A_426, %parallel_loop3A_125 : vector<16xf32>
      %parallel_loop3A_432 = arith.constant 496 : index
      %parallel_loop3A_433 = tpu.vector_load %arg16[%parallel_loop3A_432] {strides = array<i32>} : memref<1536xf32, #tpu.memory_space<vmem>>, vector<16xf32>,
      tpu.vector_store %arg16[%parallel_loop3A_432], %parallel_loop3A_431 {add = true, strides = array<i32>} : memref<1536xf32, #tpu.memory_space<vmem>>, vector<16xf32>,
      %parallel_loop3A_434 = arith.constant 512 : index
      %parallel_loop3A_435 = tpu.vector_load %arg16[%parallel_loop3A_434] {strides = array<i32>} : memref<1536xf32, #tpu.memory_space<vmem>>, vector<16xf32>,
      tpu.vector_store %arg16[%parallel_loop3A_434], %parallel_loop3A_426 {add = true, strides = array<i32>} : memref<1536xf32, #tpu.memory_space<vmem>>, vector<16xf32>,
      %parallel_loop3A_436 = arith.mulf %parallel_loop3A_427, %parallel_loop3A_120 : vector<16xf32>
      %parallel_loop3A_437 = arith.constant 528 : index
      %parallel_loop3A_438 = tpu.vector_load %arg16[%parallel_loop3A_437] {strides = array<i32>} : memref<1536xf32, #tpu.memory_space<vmem>>, vector<16xf32>,
      tpu.vector_store %arg16[%parallel_loop3A_437], %parallel_loop3A_436 {add = true, strides = array<i32>} : memref<1536xf32, #tpu.memory_space<vmem>>, vector<16xf32>,
      %parallel_loop3A_439 = arith.mulf %parallel_loop3A_427, %parallel_loop3A_125 : vector<16xf32>
      %parallel_loop3A_440 = arith.constant 544 : index
      %parallel_loop3A_441 = tpu.vector_load %arg16[%parallel_loop3A_440] {strides = array<i32>} : memref<1536xf32, #tpu.memory_space<vmem>>, vector<16xf32>,
      tpu.vector_store %arg16[%parallel_loop3A_440], %parallel_loop3A_439 {add = true, strides = array<i32>} : memref<1536xf32, #tpu.memory_space<vmem>>, vector<16xf32>,
      %parallel_loop3A_442 = arith.constant 560 : index
      %parallel_loop3A_443 = tpu.vector_load %arg16[%parallel_loop3A_442] {strides = array<i32>} : memref<1536xf32, #tpu.memory_space<vmem>>, vector<16xf32>,
      tpu.vector_store %arg16[%parallel_loop3A_442], %parallel_loop3A_427 {add = true, strides = array<i32>} : memref<1536xf32, #tpu.memory_space<vmem>>, vector<16xf32>,
      %parallel_loop3A_444 = arith.constant 768 : i32
      %parallel_loop3A_445 = vector.broadcast %parallel_loop3A_444 : i32 to vector<16xi32>
      %parallel_loop3A_446 = arith.addi %parallel_loop3A_91, %parallel_loop3A_445 : vector<16xi32>
      %parallel_loop3A_447 = tpu.vector_load_idx %arg10[%parallel_loop3A_446] : memref<2048xi32, #tpu.memory_space<vmem>>[vector<16xi32>], vector<16xi32>,
      %parallel_loop3A_448 = vector.bitcast %parallel_loop3A_447 : vector<16xi32> to vector<32xbf16>
      %parallel_loop3A_449 = arith.constant 768 : i32
      %parallel_loop3A_450 = vector.broadcast %parallel_loop3A_449 : i32 to vector<16xi32>
      %parallel_loop3A_451 = arith.addi %parallel_loop3A_95, %parallel_loop3A_450 : vector<16xi32>
      %parallel_loop3A_452 = tpu.vector_load_idx %arg10[%parallel_loop3A_451] : memref<2048xi32, #tpu.memory_space<vmem>>[vector<16xi32>], vector<16xi32>,
      %parallel_loop3A_453 = vector.bitcast %parallel_loop3A_452 : vector<16xi32> to vector<32xbf16>
      %parallel_loop3A_454 = arith.constant 768 : i32
      %parallel_loop3A_455 = vector.broadcast %parallel_loop3A_454 : i32 to vector<16xi32>
      %parallel_loop3A_456 = arith.addi %parallel_loop3A_99, %parallel_loop3A_455 : vector<16xi32>
      %parallel_loop3A_457 = tpu.vector_load_idx %arg10[%parallel_loop3A_456] : memref<2048xi32, #tpu.memory_space<vmem>>[vector<16xi32>], vector<16xi32>,
      %parallel_loop3A_458 = vector.bitcast %parallel_loop3A_457 : vector<16xi32> to vector<32xbf16>
      %parallel_loop3A_459 = arith.constant 768 : i32
      %parallel_loop3A_460 = vector.broadcast %parallel_loop3A_459 : i32 to vector<16xi32>
      %parallel_loop3A_461 = arith.addi %parallel_loop3A_103, %parallel_loop3A_460 : vector<16xi32>
      %parallel_loop3A_462 = tpu.vector_load_idx %arg10[%parallel_loop3A_461] : memref<2048xi32, #tpu.memory_space<vmem>>[vector<16xi32>], vector<16xi32>,
      %parallel_loop3A_463 = vector.bitcast %parallel_loop3A_462 : vector<16xi32> to vector<32xbf16>
      %parallel_loop3A_464 = arith.constant 768 : i32
      %parallel_loop3A_465 = vector.broadcast %parallel_loop3A_464 : i32 to vector<16xi32>
      %parallel_loop3A_466 = arith.addi %parallel_loop3A_107, %parallel_loop3A_465 : vector<16xi32>
      %parallel_loop3A_467 = tpu.vector_load_idx %arg10[%parallel_loop3A_466] : memref<2048xi32, #tpu.memory_space<vmem>>[vector<16xi32>], vector<16xi32>,
      %parallel_loop3A_468 = vector.bitcast %parallel_loop3A_467 : vector<16xi32> to vector<32xbf16>
      %parallel_loop3A_469 = arith.constant 768 : i32
      %parallel_loop3A_470 = vector.broadcast %parallel_loop3A_469 : i32 to vector<16xi32>
      %parallel_loop3A_471 = arith.addi %parallel_loop3A_111, %parallel_loop3A_470 : vector<16xi32>
      %parallel_loop3A_472 = tpu.vector_load_idx %arg10[%parallel_loop3A_471] : memref<2048xi32, #tpu.memory_space<vmem>>[vector<16xi32>], vector<16xi32>,
      %parallel_loop3A_473 = vector.bitcast %parallel_loop3A_472 : vector<16xi32> to vector<32xbf16>
      %parallel_loop3A_474 = arith.minimumf %parallel_loop3A_448, %parallel_loop3A_453 : vector<32xbf16>
      %parallel_loop3A_475 = arith.minimumf %parallel_loop3A_458, %parallel_loop3A_463 : vector<32xbf16>
      %parallel_loop3A_476 = arith.minimumf %parallel_loop3A_468, %parallel_loop3A_473 : vector<32xbf16>
      %parallel_loop3A_477 = arith.minimumf %parallel_loop3A_474, %parallel_loop3A_475 : vector<32xbf16>
      %parallel_loop3A_478 = arith.minimumf %parallel_loop3A_477, %parallel_loop3A_476 : vector<32xbf16>
      %parallel_loop3A_479 = tpu.unpack_subelements %parallel_loop3A_478, 0 {pack_format = #tpu.pack_format<interleaved>} : vector<32xbf16> -> vector<16xf32>
      %parallel_loop3A_480 = tpu.unpack_subelements %parallel_loop3A_478, 1 {pack_format = #tpu.pack_format<interleaved>} : vector<32xbf16> -> vector<16xf32>
      %parallel_loop3A_481 = arith.mulf %parallel_loop3A_479, %parallel_loop3A_120 : vector<16xf32>
      %parallel_loop3A_482 = arith.constant 576 : index
      %parallel_loop3A_483 = tpu.vector_load %arg16[%parallel_loop3A_482] {strides = array<i32>} : memref<1536xf32, #tpu.memory_space<vmem>>, vector<16xf32>,
      tpu.vector_store %arg16[%parallel_loop3A_482], %parallel_loop3A_481 {add = true, strides = array<i32>} : memref<1536xf32, #tpu.memory_space<vmem>>, vector<16xf32>,
      %parallel_loop3A_484 = arith.mulf %parallel_loop3A_479, %parallel_loop3A_125 : vector<16xf32>
      %parallel_loop3A_485 = arith.constant 592 : index
      %parallel_loop3A_486 = tpu.vector_load %arg16[%parallel_loop3A_485] {strides = array<i32>} : memref<1536xf32, #tpu.memory_space<vmem>>, vector<16xf32>,
      tpu.vector_store %arg16[%parallel_loop3A_485], %parallel_loop3A_484 {add = true, strides = array<i32>} : memref<1536xf32, #tpu.memory_space<vmem>>, vector<16xf32>,
      %parallel_loop3A_487 = arith.constant 608 : index
      %parallel_loop3A_488 = tpu.vector_load %arg16[%parallel_loop3A_487] {strides = array<i32>} : memref<1536xf32, #tpu.memory_space<vmem>>, vector<16xf32>,
      tpu.vector_store %arg16[%parallel_loop3A_487], %parallel_loop3A_479 {add = true, strides = array<i32>} : memref<1536xf32, #tpu.memory_space<vmem>>, vector<16xf32>,
      %parallel_loop3A_489 = arith.mulf %parallel_loop3A_480, %parallel_loop3A_120 : vector<16xf32>
      %parallel_loop3A_490 = arith.constant 624 : index
      %parallel_loop3A_491 = tpu.vector_load %arg16[%parallel_loop3A_490] {strides = array<i32>} : memref<1536xf32, #tpu.memory_space<vmem>>, vector<16xf32>,
      tpu.vector_store %arg16[%parallel_loop3A_490], %parallel_loop3A_489 {add = true, strides = array<i32>} : memref<1536xf32, #tpu.memory_space<vmem>>, vector<16xf32>,
      %parallel_loop3A_492 = arith.mulf %parallel_loop3A_480, %parallel_loop3A_125 : vector<16xf32>
      %parallel_loop3A_493 = arith.constant 640 : index
      %parallel_loop3A_494 = tpu.vector_load %arg16[%parallel_loop3A_493] {strides = array<i32>} : memref<1536xf32, #tpu.memory_space<vmem>>, vector<16xf32>,
      tpu.vector_store %arg16[%parallel_loop3A_493], %parallel_loop3A_492 {add = true, strides = array<i32>} : memref<1536xf32, #tpu.memory_space<vmem>>, vector<16xf32>,
      %parallel_loop3A_495 = arith.constant 656 : index
      %parallel_loop3A_496 = tpu.vector_load %arg16[%parallel_loop3A_495] {strides = array<i32>} : memref<1536xf32, #tpu.memory_space<vmem>>, vector<16xf32>,
      tpu.vector_store %arg16[%parallel_loop3A_495], %parallel_loop3A_480 {add = true, strides = array<i32>} : memref<1536xf32, #tpu.memory_space<vmem>>, vector<16xf32>,
      %parallel_loop3A_497 = arith.constant 896 : i32
      %parallel_loop3A_498 = vector.broadcast %parallel_loop3A_497 : i32 to vector<16xi32>
      %parallel_loop3A_499 = arith.addi %parallel_loop3A_91, %parallel_loop3A_498 : vector<16xi32>
      %parallel_loop3A_500 = tpu.vector_load_idx %arg10[%parallel_loop3A_499] : memref<2048xi32, #tpu.memory_space<vmem>>[vector<16xi32>], vector<16xi32>,
      %parallel_loop3A_501 = vector.bitcast %parallel_loop3A_500 : vector<16xi32> to vector<32xbf16>
      %parallel_loop3A_502 = arith.constant 896 : i32
      %parallel_loop3A_503 = vector.broadcast %parallel_loop3A_502 : i32 to vector<16xi32>
      %parallel_loop3A_504 = arith.addi %parallel_loop3A_95, %parallel_loop3A_503 : vector<16xi32>
      %parallel_loop3A_505 = tpu.vector_load_idx %arg10[%parallel_loop3A_504] : memref<2048xi32, #tpu.memory_space<vmem>>[vector<16xi32>], vector<16xi32>,
      %parallel_loop3A_506 = vector.bitcast %parallel_loop3A_505 : vector<16xi32> to vector<32xbf16>
      %parallel_loop3A_507 = arith.constant 896 : i32
      %parallel_loop3A_508 = vector.broadcast %parallel_loop3A_507 : i32 to vector<16xi32>
      %parallel_loop3A_509 = arith.addi %parallel_loop3A_99, %parallel_loop3A_508 : vector<16xi32>
      %parallel_loop3A_510 = tpu.vector_load_idx %arg10[%parallel_loop3A_509] : memref<2048xi32, #tpu.memory_space<vmem>>[vector<16xi32>], vector<16xi32>,
      %parallel_loop3A_511 = vector.bitcast %parallel_loop3A_510 : vector<16xi32> to vector<32xbf16>
      %parallel_loop3A_512 = arith.constant 896 : i32
      %parallel_loop3A_513 = vector.broadcast %parallel_loop3A_512 : i32 to vector<16xi32>
      %parallel_loop3A_514 = arith.addi %parallel_loop3A_103, %parallel_loop3A_513 : vector<16xi32>
      %parallel_loop3A_515 = tpu.vector_load_idx %arg10[%parallel_loop3A_514] : memref<2048xi32, #tpu.memory_space<vmem>>[vector<16xi32>], vector<16xi32>,
      %parallel_loop3A_516 = vector.bitcast %parallel_loop3A_515 : vector<16xi32> to vector<32xbf16>
      %parallel_loop3A_517 = arith.constant 896 : i32
      %parallel_loop3A_518 = vector.broadcast %parallel_loop3A_517 : i32 to vector<16xi32>
      %parallel_loop3A_519 = arith.addi %parallel_loop3A_107, %parallel_loop3A_518 : vector<16xi32>
      %parallel_loop3A_520 = tpu.vector_load_idx %arg10[%parallel_loop3A_519] : memref<2048xi32, #tpu.memory_space<vmem>>[vector<16xi32>], vector<16xi32>,
      %parallel_loop3A_521 = vector.bitcast %parallel_loop3A_520 : vector<16xi32> to vector<32xbf16>
      %parallel_loop3A_522 = arith.constant 896 : i32
      %parallel_loop3A_523 = vector.broadcast %parallel_loop3A_522 : i32 to vector<16xi32>
      %parallel_loop3A_524 = arith.addi %parallel_loop3A_111, %parallel_loop3A_523 : vector<16xi32>
      %parallel_loop3A_525 = tpu.vector_load_idx %arg10[%parallel_loop3A_524] : memref<2048xi32, #tpu.memory_space<vmem>>[vector<16xi32>], vector<16xi32>,
      %parallel_loop3A_526 = vector.bitcast %parallel_loop3A_525 : vector<16xi32> to vector<32xbf16>
      %parallel_loop3A_527 = arith.minimumf %parallel_loop3A_501, %parallel_loop3A_506 : vector<32xbf16>
      %parallel_loop3A_528 = arith.minimumf %parallel_loop3A_511, %parallel_loop3A_516 : vector<32xbf16>
      %parallel_loop3A_529 = arith.minimumf %parallel_loop3A_521, %parallel_loop3A_526 : vector<32xbf16>
      %parallel_loop3A_530 = arith.minimumf %parallel_loop3A_527, %parallel_loop3A_528 : vector<32xbf16>
      %parallel_loop3A_531 = arith.minimumf %parallel_loop3A_530, %parallel_loop3A_529 : vector<32xbf16>
      %parallel_loop3A_532 = tpu.unpack_subelements %parallel_loop3A_531, 0 {pack_format = #tpu.pack_format<interleaved>} : vector<32xbf16> -> vector<16xf32>
      %parallel_loop3A_533 = tpu.unpack_subelements %parallel_loop3A_531, 1 {pack_format = #tpu.pack_format<interleaved>} : vector<32xbf16> -> vector<16xf32>
      %parallel_loop3A_534 = arith.mulf %parallel_loop3A_532, %parallel_loop3A_120 : vector<16xf32>
      %parallel_loop3A_535 = arith.constant 672 : index
      %parallel_loop3A_536 = tpu.vector_load %arg16[%parallel_loop3A_535] {strides = array<i32>} : memref<1536xf32, #tpu.memory_space<vmem>>, vector<16xf32>,
      tpu.vector_store %arg16[%parallel_loop3A_535], %parallel_loop3A_534 {add = true, strides = array<i32>} : memref<1536xf32, #tpu.memory_space<vmem>>, vector<16xf32>,
      %parallel_loop3A_537 = arith.mulf %parallel_loop3A_532, %parallel_loop3A_125 : vector<16xf32>
      %parallel_loop3A_538 = arith.constant 688 : index
      %parallel_loop3A_539 = tpu.vector_load %arg16[%parallel_loop3A_538] {strides = array<i32>} : memref<1536xf32, #tpu.memory_space<vmem>>, vector<16xf32>,
      tpu.vector_store %arg16[%parallel_loop3A_538], %parallel_loop3A_537 {add = true, strides = array<i32>} : memref<1536xf32, #tpu.memory_space<vmem>>, vector<16xf32>,
      %parallel_loop3A_540 = arith.constant 704 : index
      %parallel_loop3A_541 = tpu.vector_load %arg16[%parallel_loop3A_540] {strides = array<i32>} : memref<1536xf32, #tpu.memory_space<vmem>>, vector<16xf32>,
      tpu.vector_store %arg16[%parallel_loop3A_540], %parallel_loop3A_532 {add = true, strides = array<i32>} : memref<1536xf32, #tpu.memory_space<vmem>>, vector<16xf32>,
      %parallel_loop3A_542 = arith.mulf %parallel_loop3A_533, %parallel_loop3A_120 : vector<16xf32>
      %parallel_loop3A_543 = arith.constant 720 : index
      %parallel_loop3A_544 = tpu.vector_load %arg16[%parallel_loop3A_543] {strides = array<i32>} : memref<1536xf32, #tpu.memory_space<vmem>>, vector<16xf32>,
      tpu.vector_store %arg16[%parallel_loop3A_543], %parallel_loop3A_542 {add = true, strides = array<i32>} : memref<1536xf32, #tpu.memory_space<vmem>>, vector<16xf32>,
      %parallel_loop3A_545 = arith.mulf %parallel_loop3A_533, %parallel_loop3A_125 : vector<16xf32>
      %parallel_loop3A_546 = arith.constant 736 : index
      %parallel_loop3A_547 = tpu.vector_load %arg16[%parallel_loop3A_546] {strides = array<i32>} : memref<1536xf32, #tpu.memory_space<vmem>>, vector<16xf32>,
      tpu.vector_store %arg16[%parallel_loop3A_546], %parallel_loop3A_545 {add = true, strides = array<i32>} : memref<1536xf32, #tpu.memory_space<vmem>>, vector<16xf32>,
      %parallel_loop3A_548 = arith.constant 752 : index
      %parallel_loop3A_549 = tpu.vector_load %arg16[%parallel_loop3A_548] {strides = array<i32>} : memref<1536xf32, #tpu.memory_space<vmem>>, vector<16xf32>,
      tpu.vector_store %arg16[%parallel_loop3A_548], %parallel_loop3A_533 {add = true, strides = array<i32>} : memref<1536xf32, #tpu.memory_space<vmem>>, vector<16xf32>,
      %parallel_loop3A_550 = arith.constant 1024 : i32
      %parallel_loop3A_551 = vector.broadcast %parallel_loop3A_550 : i32 to vector<16xi32>
      %parallel_loop3A_552 = arith.addi %parallel_loop3A_91, %parallel_loop3A_551 : vector<16xi32>
      %parallel_loop3A_553 = tpu.vector_load_idx %arg10[%parallel_loop3A_552] : memref<2048xi32, #tpu.memory_space<vmem>>[vector<16xi32>], vector<16xi32>,
      %parallel_loop3A_554 = vector.bitcast %parallel_loop3A_553 : vector<16xi32> to vector<32xbf16>
      %parallel_loop3A_555 = arith.constant 1024 : i32
      %parallel_loop3A_556 = vector.broadcast %parallel_loop3A_555 : i32 to vector<16xi32>
      %parallel_loop3A_557 = arith.addi %parallel_loop3A_95, %parallel_loop3A_556 : vector<16xi32>
      %parallel_loop3A_558 = tpu.vector_load_idx %arg10[%parallel_loop3A_557] : memref<2048xi32, #tpu.memory_space<vmem>>[vector<16xi32>], vector<16xi32>,
      %parallel_loop3A_559 = vector.bitcast %parallel_loop3A_558 : vector<16xi32> to vector<32xbf16>
      %parallel_loop3A_560 = arith.constant 1024 : i32
      %parallel_loop3A_561 = vector.broadcast %parallel_loop3A_560 : i32 to vector<16xi32>
      %parallel_loop3A_562 = arith.addi %parallel_loop3A_99, %parallel_loop3A_561 : vector<16xi32>
      %parallel_loop3A_563 = tpu.vector_load_idx %arg10[%parallel_loop3A_562] : memref<2048xi32, #tpu.memory_space<vmem>>[vector<16xi32>], vector<16xi32>,
      %parallel_loop3A_564 = vector.bitcast %parallel_loop3A_563 : vector<16xi32> to vector<32xbf16>
      %parallel_loop3A_565 = arith.constant 1024 : i32
      %parallel_loop3A_566 = vector.broadcast %parallel_loop3A_565 : i32 to vector<16xi32>
      %parallel_loop3A_567 = arith.addi %parallel_loop3A_103, %parallel_loop3A_566 : vector<16xi32>
      %parallel_loop3A_568 = tpu.vector_load_idx %arg10[%parallel_loop3A_567] : memref<2048xi32, #tpu.memory_space<vmem>>[vector<16xi32>], vector<16xi32>,
      %parallel_loop3A_569 = vector.bitcast %parallel_loop3A_568 : vector<16xi32> to vector<32xbf16>
      %parallel_loop3A_570 = arith.constant 1024 : i32
      %parallel_loop3A_571 = vector.broadcast %parallel_loop3A_570 : i32 to vector<16xi32>
      %parallel_loop3A_572 = arith.addi %parallel_loop3A_107, %parallel_loop3A_571 : vector<16xi32>
      %parallel_loop3A_573 = tpu.vector_load_idx %arg10[%parallel_loop3A_572] : memref<2048xi32, #tpu.memory_space<vmem>>[vector<16xi32>], vector<16xi32>,
      %parallel_loop3A_574 = vector.bitcast %parallel_loop3A_573 : vector<16xi32> to vector<32xbf16>
      %parallel_loop3A_575 = arith.constant 1024 : i32
      %parallel_loop3A_576 = vector.broadcast %parallel_loop3A_575 : i32 to vector<16xi32>
      %parallel_loop3A_577 = arith.addi %parallel_loop3A_111, %parallel_loop3A_576 : vector<16xi32>
      %parallel_loop3A_578 = tpu.vector_load_idx %arg10[%parallel_loop3A_577] : memref<2048xi32, #tpu.memory_space<vmem>>[vector<16xi32>], vector<16xi32>,
      %parallel_loop3A_579 = vector.bitcast %parallel_loop3A_578 : vector<16xi32> to vector<32xbf16>
      %parallel_loop3A_580 = arith.minimumf %parallel_loop3A_554, %parallel_loop3A_559 : vector<32xbf16>
      %parallel_loop3A_581 = arith.minimumf %parallel_loop3A_564, %parallel_loop3A_569 : vector<32xbf16>
      %parallel_loop3A_582 = arith.minimumf %parallel_loop3A_574, %parallel_loop3A_579 : vector<32xbf16>
      %parallel_loop3A_583 = arith.minimumf %parallel_loop3A_580, %parallel_loop3A_581 : vector<32xbf16>
      %parallel_loop3A_584 = arith.minimumf %parallel_loop3A_583, %parallel_loop3A_582 : vector<32xbf16>
      %parallel_loop3A_585 = tpu.unpack_subelements %parallel_loop3A_584, 0 {pack_format = #tpu.pack_format<interleaved>} : vector<32xbf16> -> vector<16xf32>
      %parallel_loop3A_586 = tpu.unpack_subelements %parallel_loop3A_584, 1 {pack_format = #tpu.pack_format<interleaved>} : vector<32xbf16> -> vector<16xf32>
      %parallel_loop3A_587 = arith.mulf %parallel_loop3A_585, %parallel_loop3A_120 : vector<16xf32>
      %parallel_loop3A_588 = arith.constant 768 : index
      %parallel_loop3A_589 = tpu.vector_load %arg16[%parallel_loop3A_588] {strides = array<i32>} : memref<1536xf32, #tpu.memory_space<vmem>>, vector<16xf32>,
      tpu.vector_store %arg16[%parallel_loop3A_588], %parallel_loop3A_587 {add = true, strides = array<i32>} : memref<1536xf32, #tpu.memory_space<vmem>>, vector<16xf32>,
      %parallel_loop3A_590 = arith.mulf %parallel_loop3A_585, %parallel_loop3A_125 : vector<16xf32>
      %parallel_loop3A_591 = arith.constant 784 : index
      %parallel_loop3A_592 = tpu.vector_load %arg16[%parallel_loop3A_591] {strides = array<i32>} : memref<1536xf32, #tpu.memory_space<vmem>>, vector<16xf32>,
      tpu.vector_store %arg16[%parallel_loop3A_591], %parallel_loop3A_590 {add = true, strides = array<i32>} : memref<1536xf32, #tpu.memory_space<vmem>>, vector<16xf32>,
      %parallel_loop3A_593 = arith.constant 800 : index
      %parallel_loop3A_594 = tpu.vector_load %arg16[%parallel_loop3A_593] {strides = array<i32>} : memref<1536xf32, #tpu.memory_space<vmem>>, vector<16xf32>,
      tpu.vector_store %arg16[%parallel_loop3A_593], %parallel_loop3A_585 {add = true, strides = array<i32>} : memref<1536xf32, #tpu.memory_space<vmem>>, vector<16xf32>,
      %parallel_loop3A_595 = arith.mulf %parallel_loop3A_586, %parallel_loop3A_120 : vector<16xf32>
      %parallel_loop3A_596 = arith.constant 816 : index
      %parallel_loop3A_597 = tpu.vector_load %arg16[%parallel_loop3A_596] {strides = array<i32>} : memref<1536xf32, #tpu.memory_space<vmem>>, vector<16xf32>,
      tpu.vector_store %arg16[%parallel_loop3A_596], %parallel_loop3A_595 {add = true, strides = array<i32>} : memref<1536xf32, #tpu.memory_space<vmem>>, vector<16xf32>,
      %parallel_loop3A_598 = arith.mulf %parallel_loop3A_586, %parallel_loop3A_125 : vector<16xf32>
      %parallel_loop3A_599 = arith.constant 832 : index
      %parallel_loop3A_600 = tpu.vector_load %arg16[%parallel_loop3A_599] {strides = array<i32>} : memref<1536xf32, #tpu.memory_space<vmem>>, vector<16xf32>,
      tpu.vector_store %arg16[%parallel_loop3A_599], %parallel_loop3A_598 {add = true, strides = array<i32>} : memref<1536xf32, #tpu.memory_space<vmem>>, vector<16xf32>,
      %parallel_loop3A_601 = arith.constant 848 : index
      %parallel_loop3A_602 = tpu.vector_load %arg16[%parallel_loop3A_601] {strides = array<i32>} : memref<1536xf32, #tpu.memory_space<vmem>>, vector<16xf32>,
      tpu.vector_store %arg16[%parallel_loop3A_601], %parallel_loop3A_586 {add = true, strides = array<i32>} : memref<1536xf32, #tpu.memory_space<vmem>>, vector<16xf32>,
      %parallel_loop3A_603 = arith.constant 1152 : i32
      %parallel_loop3A_604 = vector.broadcast %parallel_loop3A_603 : i32 to vector<16xi32>
      %parallel_loop3A_605 = arith.addi %parallel_loop3A_91, %parallel_loop3A_604 : vector<16xi32>
      %parallel_loop3A_606 = tpu.vector_load_idx %arg10[%parallel_loop3A_605] : memref<2048xi32, #tpu.memory_space<vmem>>[vector<16xi32>], vector<16xi32>,
      %parallel_loop3A_607 = vector.bitcast %parallel_loop3A_606 : vector<16xi32> to vector<32xbf16>
      %parallel_loop3A_608 = arith.constant 1152 : i32
      %parallel_loop3A_609 = vector.broadcast %parallel_loop3A_608 : i32 to vector<16xi32>
      %parallel_loop3A_610 = arith.addi %parallel_loop3A_95, %parallel_loop3A_609 : vector<16xi32>
      %parallel_loop3A_611 = tpu.vector_load_idx %arg10[%parallel_loop3A_610] : memref<2048xi32, #tpu.memory_space<vmem>>[vector<16xi32>], vector<16xi32>,
      %parallel_loop3A_612 = vector.bitcast %parallel_loop3A_611 : vector<16xi32> to vector<32xbf16>
      %parallel_loop3A_613 = arith.constant 1152 : i32
      %parallel_loop3A_614 = vector.broadcast %parallel_loop3A_613 : i32 to vector<16xi32>
      %parallel_loop3A_615 = arith.addi %parallel_loop3A_99, %parallel_loop3A_614 : vector<16xi32>
      %parallel_loop3A_616 = tpu.vector_load_idx %arg10[%parallel_loop3A_615] : memref<2048xi32, #tpu.memory_space<vmem>>[vector<16xi32>], vector<16xi32>,
      %parallel_loop3A_617 = vector.bitcast %parallel_loop3A_616 : vector<16xi32> to vector<32xbf16>
      %parallel_loop3A_618 = arith.constant 1152 : i32
      %parallel_loop3A_619 = vector.broadcast %parallel_loop3A_618 : i32 to vector<16xi32>
      %parallel_loop3A_620 = arith.addi %parallel_loop3A_103, %parallel_loop3A_619 : vector<16xi32>
      %parallel_loop3A_621 = tpu.vector_load_idx %arg10[%parallel_loop3A_620] : memref<2048xi32, #tpu.memory_space<vmem>>[vector<16xi32>], vector<16xi32>,
      %parallel_loop3A_622 = vector.bitcast %parallel_loop3A_621 : vector<16xi32> to vector<32xbf16>
      %parallel_loop3A_623 = arith.constant 1152 : i32
      %parallel_loop3A_624 = vector.broadcast %parallel_loop3A_623 : i32 to vector<16xi32>
      %parallel_loop3A_625 = arith.addi %parallel_loop3A_107, %parallel_loop3A_624 : vector<16xi32>
      %parallel_loop3A_626 = tpu.vector_load_idx %arg10[%parallel_loop3A_625] : memref<2048xi32, #tpu.memory_space<vmem>>[vector<16xi32>], vector<16xi32>,
      %parallel_loop3A_627 = vector.bitcast %parallel_loop3A_626 : vector<16xi32> to vector<32xbf16>
      %parallel_loop3A_628 = arith.constant 1152 : i32
      %parallel_loop3A_629 = vector.broadcast %parallel_loop3A_628 : i32 to vector<16xi32>
      %parallel_loop3A_630 = arith.addi %parallel_loop3A_111, %parallel_loop3A_629 : vector<16xi32>
      %parallel_loop3A_631 = tpu.vector_load_idx %arg10[%parallel_loop3A_630] : memref<2048xi32, #tpu.memory_space<vmem>>[vector<16xi32>], vector<16xi32>,
      %parallel_loop3A_632 = vector.bitcast %parallel_loop3A_631 : vector<16xi32> to vector<32xbf16>
      %parallel_loop3A_633 = arith.minimumf %parallel_loop3A_607, %parallel_loop3A_612 : vector<32xbf16>
      %parallel_loop3A_634 = arith.minimumf %parallel_loop3A_617, %parallel_loop3A_622 : vector<32xbf16>
      %parallel_loop3A_635 = arith.minimumf %parallel_loop3A_627, %parallel_loop3A_632 : vector<32xbf16>
      %parallel_loop3A_636 = arith.minimumf %parallel_loop3A_633, %parallel_loop3A_634 : vector<32xbf16>
      %parallel_loop3A_637 = arith.minimumf %parallel_loop3A_636, %parallel_loop3A_635 : vector<32xbf16>
      %parallel_loop3A_638 = tpu.unpack_subelements %parallel_loop3A_637, 0 {pack_format = #tpu.pack_format<interleaved>} : vector<32xbf16> -> vector<16xf32>
      %parallel_loop3A_639 = tpu.unpack_subelements %parallel_loop3A_637, 1 {pack_format = #tpu.pack_format<interleaved>} : vector<32xbf16> -> vector<16xf32>
      %parallel_loop3A_640 = arith.mulf %parallel_loop3A_638, %parallel_loop3A_120 : vector<16xf32>
      %parallel_loop3A_641 = arith.constant 864 : index
      %parallel_loop3A_642 = tpu.vector_load %arg16[%parallel_loop3A_641] {strides = array<i32>} : memref<1536xf32, #tpu.memory_space<vmem>>, vector<16xf32>,
      tpu.vector_store %arg16[%parallel_loop3A_641], %parallel_loop3A_640 {add = true, strides = array<i32>} : memref<1536xf32, #tpu.memory_space<vmem>>, vector<16xf32>,
      %parallel_loop3A_643 = arith.mulf %parallel_loop3A_638, %parallel_loop3A_125 : vector<16xf32>
      %parallel_loop3A_644 = arith.constant 880 : index
      %parallel_loop3A_645 = tpu.vector_load %arg16[%parallel_loop3A_644] {strides = array<i32>} : memref<1536xf32, #tpu.memory_space<vmem>>, vector<16xf32>,
      tpu.vector_store %arg16[%parallel_loop3A_644], %parallel_loop3A_643 {add = true, strides = array<i32>} : memref<1536xf32, #tpu.memory_space<vmem>>, vector<16xf32>,
      %parallel_loop3A_646 = arith.constant 896 : index
      %parallel_loop3A_647 = tpu.vector_load %arg16[%parallel_loop3A_646] {strides = array<i32>} : memref<1536xf32, #tpu.memory_space<vmem>>, vector<16xf32>,
      tpu.vector_store %arg16[%parallel_loop3A_646], %parallel_loop3A_638 {add = true, strides = array<i32>} : memref<1536xf32, #tpu.memory_space<vmem>>, vector<16xf32>,
      %parallel_loop3A_648 = arith.mulf %parallel_loop3A_639, %parallel_loop3A_120 : vector<16xf32>
      %parallel_loop3A_649 = arith.constant 912 : index
      %parallel_loop3A_650 = tpu.vector_load %arg16[%parallel_loop3A_649] {strides = array<i32>} : memref<1536xf32, #tpu.memory_space<vmem>>, vector<16xf32>,
      tpu.vector_store %arg16[%parallel_loop3A_649], %parallel_loop3A_648 {add = true, strides = array<i32>} : memref<1536xf32, #tpu.memory_space<vmem>>, vector<16xf32>,
      %parallel_loop3A_651 = arith.mulf %parallel_loop3A_639, %parallel_loop3A_125 : vector<16xf32>
      %parallel_loop3A_652 = arith.constant 928 : index
      %parallel_loop3A_653 = tpu.vector_load %arg16[%parallel_loop3A_652] {strides = array<i32>} : memref<1536xf32, #tpu.memory_space<vmem>>, vector<16xf32>,
      tpu.vector_store %arg16[%parallel_loop3A_652], %parallel_loop3A_651 {add = true, strides = array<i32>} : memref<1536xf32, #tpu.memory_space<vmem>>, vector<16xf32>,
      %parallel_loop3A_654 = arith.constant 944 : index
      %parallel_loop3A_655 = tpu.vector_load %arg16[%parallel_loop3A_654] {strides = array<i32>} : memref<1536xf32, #tpu.memory_space<vmem>>, vector<16xf32>,
      tpu.vector_store %arg16[%parallel_loop3A_654], %parallel_loop3A_639 {add = true, strides = array<i32>} : memref<1536xf32, #tpu.memory_space<vmem>>, vector<16xf32>,
      %parallel_loop3A_656 = arith.constant 1280 : i32
      %parallel_loop3A_657 = vector.broadcast %parallel_loop3A_656 : i32 to vector<16xi32>
      %parallel_loop3A_658 = arith.addi %parallel_loop3A_91, %parallel_loop3A_657 : vector<16xi32>
      %parallel_loop3A_659 = tpu.vector_load_idx %arg10[%parallel_loop3A_658] : memref<2048xi32, #tpu.memory_space<vmem>>[vector<16xi32>], vector<16xi32>,
      %parallel_loop3A_660 = vector.bitcast %parallel_loop3A_659 : vector<16xi32> to vector<32xbf16>
      %parallel_loop3A_661 = arith.constant 1280 : i32
      %parallel_loop3A_662 = vector.broadcast %parallel_loop3A_661 : i32 to vector<16xi32>
      %parallel_loop3A_663 = arith.addi %parallel_loop3A_95, %parallel_loop3A_662 : vector<16xi32>
      %parallel_loop3A_664 = tpu.vector_load_idx %arg10[%parallel_loop3A_663] : memref<2048xi32, #tpu.memory_space<vmem>>[vector<16xi32>], vector<16xi32>,
      %parallel_loop3A_665 = vector.bitcast %parallel_loop3A_664 : vector<16xi32> to vector<32xbf16>
      %parallel_loop3A_666 = arith.constant 1280 : i32
      %parallel_loop3A_667 = vector.broadcast %parallel_loop3A_666 : i32 to vector<16xi32>
      %parallel_loop3A_668 = arith.addi %parallel_loop3A_99, %parallel_loop3A_667 : vector<16xi32>
      %parallel_loop3A_669 = tpu.vector_load_idx %arg10[%parallel_loop3A_668] : memref<2048xi32, #tpu.memory_space<vmem>>[vector<16xi32>], vector<16xi32>,
      %parallel_loop3A_670 = vector.bitcast %parallel_loop3A_669 : vector<16xi32> to vector<32xbf16>
      %parallel_loop3A_671 = arith.constant 1280 : i32
      %parallel_loop3A_672 = vector.broadcast %parallel_loop3A_671 : i32 to vector<16xi32>
      %parallel_loop3A_673 = arith.addi %parallel_loop3A_103, %parallel_loop3A_672 : vector<16xi32>
      %parallel_loop3A_674 = tpu.vector_load_idx %arg10[%parallel_loop3A_673] : memref<2048xi32, #tpu.memory_space<vmem>>[vector<16xi32>], vector<16xi32>,
      %parallel_loop3A_675 = vector.bitcast %parallel_loop3A_674 : vector<16xi32> to vector<32xbf16>
      %parallel_loop3A_676 = arith.constant 1280 : i32
      %parallel_loop3A_677 = vector.broadcast %parallel_loop3A_676 : i32 to vector<16xi32>
      %parallel_loop3A_678 = arith.addi %parallel_loop3A_107, %parallel_loop3A_677 : vector<16xi32>
      %parallel_loop3A_679 = tpu.vector_load_idx %arg10[%parallel_loop3A_678] : memref<2048xi32, #tpu.memory_space<vmem>>[vector<16xi32>], vector<16xi32>,
      %parallel_loop3A_680 = vector.bitcast %parallel_loop3A_679 : vector<16xi32> to vector<32xbf16>
      %parallel_loop3A_681 = arith.constant 1280 : i32
      %parallel_loop3A_682 = vector.broadcast %parallel_loop3A_681 : i32 to vector<16xi32>
      %parallel_loop3A_683 = arith.addi %parallel_loop3A_111, %parallel_loop3A_682 : vector<16xi32>
      %parallel_loop3A_684 = tpu.vector_load_idx %arg10[%parallel_loop3A_683] : memref<2048xi32, #tpu.memory_space<vmem>>[vector<16xi32>], vector<16xi32>,
      %parallel_loop3A_685 = vector.bitcast %parallel_loop3A_684 : vector<16xi32> to vector<32xbf16>
      %parallel_loop3A_686 = arith.minimumf %parallel_loop3A_660, %parallel_loop3A_665 : vector<32xbf16>
      %parallel_loop3A_687 = arith.minimumf %parallel_loop3A_670, %parallel_loop3A_675 : vector<32xbf16>
      %parallel_loop3A_688 = arith.minimumf %parallel_loop3A_680, %parallel_loop3A_685 : vector<32xbf16>
      %parallel_loop3A_689 = arith.minimumf %parallel_loop3A_686, %parallel_loop3A_687 : vector<32xbf16>
      %parallel_loop3A_690 = arith.minimumf %parallel_loop3A_689, %parallel_loop3A_688 : vector<32xbf16>
      %parallel_loop3A_691 = tpu.unpack_subelements %parallel_loop3A_690, 0 {pack_format = #tpu.pack_format<interleaved>} : vector<32xbf16> -> vector<16xf32>
      %parallel_loop3A_692 = tpu.unpack_subelements %parallel_loop3A_690, 1 {pack_format = #tpu.pack_format<interleaved>} : vector<32xbf16> -> vector<16xf32>
      %parallel_loop3A_693 = arith.mulf %parallel_loop3A_691, %parallel_loop3A_120 : vector<16xf32>
      %parallel_loop3A_694 = arith.constant 960 : index
      %parallel_loop3A_695 = tpu.vector_load %arg16[%parallel_loop3A_694] {strides = array<i32>} : memref<1536xf32, #tpu.memory_space<vmem>>, vector<16xf32>,
      tpu.vector_store %arg16[%parallel_loop3A_694], %parallel_loop3A_693 {add = true, strides = array<i32>} : memref<1536xf32, #tpu.memory_space<vmem>>, vector<16xf32>,
      %parallel_loop3A_696 = arith.mulf %parallel_loop3A_691, %parallel_loop3A_125 : vector<16xf32>
      %parallel_loop3A_697 = arith.constant 976 : index
      %parallel_loop3A_698 = tpu.vector_load %arg16[%parallel_loop3A_697] {strides = array<i32>} : memref<1536xf32, #tpu.memory_space<vmem>>, vector<16xf32>,
      tpu.vector_store %arg16[%parallel_loop3A_697], %parallel_loop3A_696 {add = true, strides = array<i32>} : memref<1536xf32, #tpu.memory_space<vmem>>, vector<16xf32>,
      %parallel_loop3A_699 = arith.constant 992 : index
      %parallel_loop3A_700 = tpu.vector_load %arg16[%parallel_loop3A_699] {strides = array<i32>} : memref<1536xf32, #tpu.memory_space<vmem>>, vector<16xf32>,
      tpu.vector_store %arg16[%parallel_loop3A_699], %parallel_loop3A_691 {add = true, strides = array<i32>} : memref<1536xf32, #tpu.memory_space<vmem>>, vector<16xf32>,
      %parallel_loop3A_701 = arith.mulf %parallel_loop3A_692, %parallel_loop3A_120 : vector<16xf32>
      %parallel_loop3A_702 = arith.constant 1008 : index
      %parallel_loop3A_703 = tpu.vector_load %arg16[%parallel_loop3A_702] {strides = array<i32>} : memref<1536xf32, #tpu.memory_space<vmem>>, vector<16xf32>,
      tpu.vector_store %arg16[%parallel_loop3A_702], %parallel_loop3A_701 {add = true, strides = array<i32>} : memref<1536xf32, #tpu.memory_space<vmem>>, vector<16xf32>,
      %parallel_loop3A_704 = arith.mulf %parallel_loop3A_692, %parallel_loop3A_125 : vector<16xf32>
      %parallel_loop3A_705 = arith.constant 1024 : index
      %parallel_loop3A_706 = tpu.vector_load %arg16[%parallel_loop3A_705] {strides = array<i32>} : memref<1536xf32, #tpu.memory_space<vmem>>, vector<16xf32>,
      tpu.vector_store %arg16[%parallel_loop3A_705], %parallel_loop3A_704 {add = true, strides = array<i32>} : memref<1536xf32, #tpu.memory_space<vmem>>, vector<16xf32>,
      %parallel_loop3A_707 = arith.constant 1040 : index
      %parallel_loop3A_708 = tpu.vector_load %arg16[%parallel_loop3A_707] {strides = array<i32>} : memref<1536xf32, #tpu.memory_space<vmem>>, vector<16xf32>,
      tpu.vector_store %arg16[%parallel_loop3A_707], %parallel_loop3A_692 {add = true, strides = array<i32>} : memref<1536xf32, #tpu.memory_space<vmem>>, vector<16xf32>,
      %parallel_loop3A_709 = arith.constant 1408 : i32
      %parallel_loop3A_710 = vector.broadcast %parallel_loop3A_709 : i32 to vector<16xi32>
      %parallel_loop3A_711 = arith.addi %parallel_loop3A_91, %parallel_loop3A_710 : vector<16xi32>
      %parallel_loop3A_712 = tpu.vector_load_idx %arg10[%parallel_loop3A_711] : memref<2048xi32, #tpu.memory_space<vmem>>[vector<16xi32>], vector<16xi32>,
      %parallel_loop3A_713 = vector.bitcast %parallel_loop3A_712 : vector<16xi32> to vector<32xbf16>
      %parallel_loop3A_714 = arith.constant 1408 : i32
      %parallel_loop3A_715 = vector.broadcast %parallel_loop3A_714 : i32 to vector<16xi32>
      %parallel_loop3A_716 = arith.addi %parallel_loop3A_95, %parallel_loop3A_715 : vector<16xi32>
      %parallel_loop3A_717 = tpu.vector_load_idx %arg10[%parallel_loop3A_716] : memref<2048xi32, #tpu.memory_space<vmem>>[vector<16xi32>], vector<16xi32>,
      %parallel_loop3A_718 = vector.bitcast %parallel_loop3A_717 : vector<16xi32> to vector<32xbf16>
      %parallel_loop3A_719 = arith.constant 1408 : i32
      %parallel_loop3A_720 = vector.broadcast %parallel_loop3A_719 : i32 to vector<16xi32>
      %parallel_loop3A_721 = arith.addi %parallel_loop3A_99, %parallel_loop3A_720 : vector<16xi32>
      %parallel_loop3A_722 = tpu.vector_load_idx %arg10[%parallel_loop3A_721] : memref<2048xi32, #tpu.memory_space<vmem>>[vector<16xi32>], vector<16xi32>,
      %parallel_loop3A_723 = vector.bitcast %parallel_loop3A_722 : vector<16xi32> to vector<32xbf16>
      %parallel_loop3A_724 = arith.constant 1408 : i32
      %parallel_loop3A_725 = vector.broadcast %parallel_loop3A_724 : i32 to vector<16xi32>
      %parallel_loop3A_726 = arith.addi %parallel_loop3A_103, %parallel_loop3A_725 : vector<16xi32>
      %parallel_loop3A_727 = tpu.vector_load_idx %arg10[%parallel_loop3A_726] : memref<2048xi32, #tpu.memory_space<vmem>>[vector<16xi32>], vector<16xi32>,
      %parallel_loop3A_728 = vector.bitcast %parallel_loop3A_727 : vector<16xi32> to vector<32xbf16>
      %parallel_loop3A_729 = arith.constant 1408 : i32
      %parallel_loop3A_730 = vector.broadcast %parallel_loop3A_729 : i32 to vector<16xi32>
      %parallel_loop3A_731 = arith.addi %parallel_loop3A_107, %parallel_loop3A_730 : vector<16xi32>
      %parallel_loop3A_732 = tpu.vector_load_idx %arg10[%parallel_loop3A_731] : memref<2048xi32, #tpu.memory_space<vmem>>[vector<16xi32>], vector<16xi32>,
      %parallel_loop3A_733 = vector.bitcast %parallel_loop3A_732 : vector<16xi32> to vector<32xbf16>
      %parallel_loop3A_734 = arith.constant 1408 : i32
      %parallel_loop3A_735 = vector.broadcast %parallel_loop3A_734 : i32 to vector<16xi32>
      %parallel_loop3A_736 = arith.addi %parallel_loop3A_111, %parallel_loop3A_735 : vector<16xi32>
      %parallel_loop3A_737 = tpu.vector_load_idx %arg10[%parallel_loop3A_736] : memref<2048xi32, #tpu.memory_space<vmem>>[vector<16xi32>], vector<16xi32>,
      %parallel_loop3A_738 = vector.bitcast %parallel_loop3A_737 : vector<16xi32> to vector<32xbf16>
      %parallel_loop3A_739 = arith.minimumf %parallel_loop3A_713, %parallel_loop3A_718 : vector<32xbf16>
      %parallel_loop3A_740 = arith.minimumf %parallel_loop3A_723, %parallel_loop3A_728 : vector<32xbf16>
      %parallel_loop3A_741 = arith.minimumf %parallel_loop3A_733, %parallel_loop3A_738 : vector<32xbf16>
      %parallel_loop3A_742 = arith.minimumf %parallel_loop3A_739, %parallel_loop3A_740 : vector<32xbf16>
      %parallel_loop3A_743 = arith.minimumf %parallel_loop3A_742, %parallel_loop3A_741 : vector<32xbf16>
      %parallel_loop3A_744 = tpu.unpack_subelements %parallel_loop3A_743, 0 {pack_format = #tpu.pack_format<interleaved>} : vector<32xbf16> -> vector<16xf32>
      %parallel_loop3A_745 = tpu.unpack_subelements %parallel_loop3A_743, 1 {pack_format = #tpu.pack_format<interleaved>} : vector<32xbf16> -> vector<16xf32>
      %parallel_loop3A_746 = arith.mulf %parallel_loop3A_744, %parallel_loop3A_120 : vector<16xf32>
      %parallel_loop3A_747 = arith.constant 1056 : index
      %parallel_loop3A_748 = tpu.vector_load %arg16[%parallel_loop3A_747] {strides = array<i32>} : memref<1536xf32, #tpu.memory_space<vmem>>, vector<16xf32>,
      tpu.vector_store %arg16[%parallel_loop3A_747], %parallel_loop3A_746 {add = true, strides = array<i32>} : memref<1536xf32, #tpu.memory_space<vmem>>, vector<16xf32>,
      %parallel_loop3A_749 = arith.mulf %parallel_loop3A_744, %parallel_loop3A_125 : vector<16xf32>
      %parallel_loop3A_750 = arith.constant 1072 : index
      %parallel_loop3A_751 = tpu.vector_load %arg16[%parallel_loop3A_750] {strides = array<i32>} : memref<1536xf32, #tpu.memory_space<vmem>>, vector<16xf32>,
      tpu.vector_store %arg16[%parallel_loop3A_750], %parallel_loop3A_749 {add = true, strides = array<i32>} : memref<1536xf32, #tpu.memory_space<vmem>>, vector<16xf32>,
      %parallel_loop3A_752 = arith.constant 1088 : index
      %parallel_loop3A_753 = tpu.vector_load %arg16[%parallel_loop3A_752] {strides = array<i32>} : memref<1536xf32, #tpu.memory_space<vmem>>, vector<16xf32>,
      tpu.vector_store %arg16[%parallel_loop3A_752], %parallel_loop3A_744 {add = true, strides = array<i32>} : memref<1536xf32, #tpu.memory_space<vmem>>, vector<16xf32>,
      %parallel_loop3A_754 = arith.mulf %parallel_loop3A_745, %parallel_loop3A_120 : vector<16xf32>
      %parallel_loop3A_755 = arith.constant 1104 : index
      %parallel_loop3A_756 = tpu.vector_load %arg16[%parallel_loop3A_755] {strides = array<i32>} : memref<1536xf32, #tpu.memory_space<vmem>>, vector<16xf32>,
      tpu.vector_store %arg16[%parallel_loop3A_755], %parallel_loop3A_754 {add = true, strides = array<i32>} : memref<1536xf32, #tpu.memory_space<vmem>>, vector<16xf32>,
      %parallel_loop3A_757 = arith.mulf %parallel_loop3A_745, %parallel_loop3A_125 : vector<16xf32>
      %parallel_loop3A_758 = arith.constant 1120 : index
      %parallel_loop3A_759 = tpu.vector_load %arg16[%parallel_loop3A_758] {strides = array<i32>} : memref<1536xf32, #tpu.memory_space<vmem>>, vector<16xf32>,
      tpu.vector_store %arg16[%parallel_loop3A_758], %parallel_loop3A_757 {add = true, strides = array<i32>} : memref<1536xf32, #tpu.memory_space<vmem>>, vector<16xf32>,
      %parallel_loop3A_760 = arith.constant 1136 : index
      %parallel_loop3A_761 = tpu.vector_load %arg16[%parallel_loop3A_760] {strides = array<i32>} : memref<1536xf32, #tpu.memory_space<vmem>>, vector<16xf32>,
      tpu.vector_store %arg16[%parallel_loop3A_760], %parallel_loop3A_745 {add = true, strides = array<i32>} : memref<1536xf32, #tpu.memory_space<vmem>>, vector<16xf32>,
      %parallel_loop3A_762 = arith.constant 1536 : i32
      %parallel_loop3A_763 = vector.broadcast %parallel_loop3A_762 : i32 to vector<16xi32>
      %parallel_loop3A_764 = arith.addi %parallel_loop3A_91, %parallel_loop3A_763 : vector<16xi32>
      %parallel_loop3A_765 = tpu.vector_load_idx %arg10[%parallel_loop3A_764] : memref<2048xi32, #tpu.memory_space<vmem>>[vector<16xi32>], vector<16xi32>,
      %parallel_loop3A_766 = vector.bitcast %parallel_loop3A_765 : vector<16xi32> to vector<32xbf16>
      %parallel_loop3A_767 = arith.constant 1536 : i32
      %parallel_loop3A_768 = vector.broadcast %parallel_loop3A_767 : i32 to vector<16xi32>
      %parallel_loop3A_769 = arith.addi %parallel_loop3A_95, %parallel_loop3A_768 : vector<16xi32>
      %parallel_loop3A_770 = tpu.vector_load_idx %arg10[%parallel_loop3A_769] : memref<2048xi32, #tpu.memory_space<vmem>>[vector<16xi32>], vector<16xi32>,
      %parallel_loop3A_771 = vector.bitcast %parallel_loop3A_770 : vector<16xi32> to vector<32xbf16>
      %parallel_loop3A_772 = arith.constant 1536 : i32
      %parallel_loop3A_773 = vector.broadcast %parallel_loop3A_772 : i32 to vector<16xi32>
      %parallel_loop3A_774 = arith.addi %parallel_loop3A_99, %parallel_loop3A_773 : vector<16xi32>
      %parallel_loop3A_775 = tpu.vector_load_idx %arg10[%parallel_loop3A_774] : memref<2048xi32, #tpu.memory_space<vmem>>[vector<16xi32>], vector<16xi32>,
      %parallel_loop3A_776 = vector.bitcast %parallel_loop3A_775 : vector<16xi32> to vector<32xbf16>
      %parallel_loop3A_777 = arith.constant 1536 : i32
      %parallel_loop3A_778 = vector.broadcast %parallel_loop3A_777 : i32 to vector<16xi32>
      %parallel_loop3A_779 = arith.addi %parallel_loop3A_103, %parallel_loop3A_778 : vector<16xi32>
      %parallel_loop3A_780 = tpu.vector_load_idx %arg10[%parallel_loop3A_779] : memref<2048xi32, #tpu.memory_space<vmem>>[vector<16xi32>], vector<16xi32>,
      %parallel_loop3A_781 = vector.bitcast %parallel_loop3A_780 : vector<16xi32> to vector<32xbf16>
      %parallel_loop3A_782 = arith.constant 1536 : i32
      %parallel_loop3A_783 = vector.broadcast %parallel_loop3A_782 : i32 to vector<16xi32>
      %parallel_loop3A_784 = arith.addi %parallel_loop3A_107, %parallel_loop3A_783 : vector<16xi32>
      %parallel_loop3A_785 = tpu.vector_load_idx %arg10[%parallel_loop3A_784] : memref<2048xi32, #tpu.memory_space<vmem>>[vector<16xi32>], vector<16xi32>,
      %parallel_loop3A_786 = vector.bitcast %parallel_loop3A_785 : vector<16xi32> to vector<32xbf16>
      %parallel_loop3A_787 = arith.constant 1536 : i32
      %parallel_loop3A_788 = vector.broadcast %parallel_loop3A_787 : i32 to vector<16xi32>
      %parallel_loop3A_789 = arith.addi %parallel_loop3A_111, %parallel_loop3A_788 : vector<16xi32>
      %parallel_loop3A_790 = tpu.vector_load_idx %arg10[%parallel_loop3A_789] : memref<2048xi32, #tpu.memory_space<vmem>>[vector<16xi32>], vector<16xi32>,
      %parallel_loop3A_791 = vector.bitcast %parallel_loop3A_790 : vector<16xi32> to vector<32xbf16>
      %parallel_loop3A_792 = arith.minimumf %parallel_loop3A_766, %parallel_loop3A_771 : vector<32xbf16>
      %parallel_loop3A_793 = arith.minimumf %parallel_loop3A_776, %parallel_loop3A_781 : vector<32xbf16>
      %parallel_loop3A_794 = arith.minimumf %parallel_loop3A_786, %parallel_loop3A_791 : vector<32xbf16>
      %parallel_loop3A_795 = arith.minimumf %parallel_loop3A_792, %parallel_loop3A_793 : vector<32xbf16>
      %parallel_loop3A_796 = arith.minimumf %parallel_loop3A_795, %parallel_loop3A_794 : vector<32xbf16>
      %parallel_loop3A_797 = tpu.unpack_subelements %parallel_loop3A_796, 0 {pack_format = #tpu.pack_format<interleaved>} : vector<32xbf16> -> vector<16xf32>
      %parallel_loop3A_798 = tpu.unpack_subelements %parallel_loop3A_796, 1 {pack_format = #tpu.pack_format<interleaved>} : vector<32xbf16> -> vector<16xf32>
      %parallel_loop3A_799 = arith.mulf %parallel_loop3A_797, %parallel_loop3A_120 : vector<16xf32>
      %parallel_loop3A_800 = arith.constant 1152 : index
      %parallel_loop3A_801 = tpu.vector_load %arg16[%parallel_loop3A_800] {strides = array<i32>} : memref<1536xf32, #tpu.memory_space<vmem>>, vector<16xf32>,
      tpu.vector_store %arg16[%parallel_loop3A_800], %parallel_loop3A_799 {add = true, strides = array<i32>} : memref<1536xf32, #tpu.memory_space<vmem>>, vector<16xf32>,
      %parallel_loop3A_802 = arith.mulf %parallel_loop3A_797, %parallel_loop3A_125 : vector<16xf32>
      %parallel_loop3A_803 = arith.constant 1168 : index
      %parallel_loop3A_804 = tpu.vector_load %arg16[%parallel_loop3A_803] {strides = array<i32>} : memref<1536xf32, #tpu.memory_space<vmem>>, vector<16xf32>,
      tpu.vector_store %arg16[%parallel_loop3A_803], %parallel_loop3A_802 {add = true, strides = array<i32>} : memref<1536xf32, #tpu.memory_space<vmem>>, vector<16xf32>,
      %parallel_loop3A_805 = arith.constant 1184 : index
      %parallel_loop3A_806 = tpu.vector_load %arg16[%parallel_loop3A_805] {strides = array<i32>} : memref<1536xf32, #tpu.memory_space<vmem>>, vector<16xf32>,
      tpu.vector_store %arg16[%parallel_loop3A_805], %parallel_loop3A_797 {add = true, strides = array<i32>} : memref<1536xf32, #tpu.memory_space<vmem>>, vector<16xf32>,
      %parallel_loop3A_807 = arith.mulf %parallel_loop3A_798, %parallel_loop3A_120 : vector<16xf32>
      %parallel_loop3A_808 = arith.constant 1200 : index
      %parallel_loop3A_809 = tpu.vector_load %arg16[%parallel_loop3A_808] {strides = array<i32>} : memref<1536xf32, #tpu.memory_space<vmem>>, vector<16xf32>,
      tpu.vector_store %arg16[%parallel_loop3A_808], %parallel_loop3A_807 {add = true, strides = array<i32>} : memref<1536xf32, #tpu.memory_space<vmem>>, vector<16xf32>,
      %parallel_loop3A_810 = arith.mulf %parallel_loop3A_798, %parallel_loop3A_125 : vector<16xf32>
      %parallel_loop3A_811 = arith.constant 1216 : index
      %parallel_loop3A_812 = tpu.vector_load %arg16[%parallel_loop3A_811] {strides = array<i32>} : memref<1536xf32, #tpu.memory_space<vmem>>, vector<16xf32>,
      tpu.vector_store %arg16[%parallel_loop3A_811], %parallel_loop3A_810 {add = true, strides = array<i32>} : memref<1536xf32, #tpu.memory_space<vmem>>, vector<16xf32>,
      %parallel_loop3A_813 = arith.constant 1232 : index
      %parallel_loop3A_814 = tpu.vector_load %arg16[%parallel_loop3A_813] {strides = array<i32>} : memref<1536xf32, #tpu.memory_space<vmem>>, vector<16xf32>,
      tpu.vector_store %arg16[%parallel_loop3A_813], %parallel_loop3A_798 {add = true, strides = array<i32>} : memref<1536xf32, #tpu.memory_space<vmem>>, vector<16xf32>,
      %parallel_loop3A_815 = arith.constant 1664 : i32
      %parallel_loop3A_816 = vector.broadcast %parallel_loop3A_815 : i32 to vector<16xi32>
      %parallel_loop3A_817 = arith.addi %parallel_loop3A_91, %parallel_loop3A_816 : vector<16xi32>
      %parallel_loop3A_818 = tpu.vector_load_idx %arg10[%parallel_loop3A_817] : memref<2048xi32, #tpu.memory_space<vmem>>[vector<16xi32>], vector<16xi32>,
      %parallel_loop3A_819 = vector.bitcast %parallel_loop3A_818 : vector<16xi32> to vector<32xbf16>
      %parallel_loop3A_820 = arith.constant 1664 : i32
      %parallel_loop3A_821 = vector.broadcast %parallel_loop3A_820 : i32 to vector<16xi32>
      %parallel_loop3A_822 = arith.addi %parallel_loop3A_95, %parallel_loop3A_821 : vector<16xi32>
      %parallel_loop3A_823 = tpu.vector_load_idx %arg10[%parallel_loop3A_822] : memref<2048xi32, #tpu.memory_space<vmem>>[vector<16xi32>], vector<16xi32>,
      %parallel_loop3A_824 = vector.bitcast %parallel_loop3A_823 : vector<16xi32> to vector<32xbf16>
      %parallel_loop3A_825 = arith.constant 1664 : i32
      %parallel_loop3A_826 = vector.broadcast %parallel_loop3A_825 : i32 to vector<16xi32>
      %parallel_loop3A_827 = arith.addi %parallel_loop3A_99, %parallel_loop3A_826 : vector<16xi32>
      %parallel_loop3A_828 = tpu.vector_load_idx %arg10[%parallel_loop3A_827] : memref<2048xi32, #tpu.memory_space<vmem>>[vector<16xi32>], vector<16xi32>,
      %parallel_loop3A_829 = vector.bitcast %parallel_loop3A_828 : vector<16xi32> to vector<32xbf16>
      %parallel_loop3A_830 = arith.constant 1664 : i32
      %parallel_loop3A_831 = vector.broadcast %parallel_loop3A_830 : i32 to vector<16xi32>
      %parallel_loop3A_832 = arith.addi %parallel_loop3A_103, %parallel_loop3A_831 : vector<16xi32>
      %parallel_loop3A_833 = tpu.vector_load_idx %arg10[%parallel_loop3A_832] : memref<2048xi32, #tpu.memory_space<vmem>>[vector<16xi32>], vector<16xi32>,
      %parallel_loop3A_834 = vector.bitcast %parallel_loop3A_833 : vector<16xi32> to vector<32xbf16>
      %parallel_loop3A_835 = arith.constant 1664 : i32
      %parallel_loop3A_836 = vector.broadcast %parallel_loop3A_835 : i32 to vector<16xi32>
      %parallel_loop3A_837 = arith.addi %parallel_loop3A_107, %parallel_loop3A_836 : vector<16xi32>
      %parallel_loop3A_838 = tpu.vector_load_idx %arg10[%parallel_loop3A_837] : memref<2048xi32, #tpu.memory_space<vmem>>[vector<16xi32>], vector<16xi32>,
      %parallel_loop3A_839 = vector.bitcast %parallel_loop3A_838 : vector<16xi32> to vector<32xbf16>
      %parallel_loop3A_840 = arith.constant 1664 : i32
      %parallel_loop3A_841 = vector.broadcast %parallel_loop3A_840 : i32 to vector<16xi32>
      %parallel_loop3A_842 = arith.addi %parallel_loop3A_111, %parallel_loop3A_841 : vector<16xi32>
      %parallel_loop3A_843 = tpu.vector_load_idx %arg10[%parallel_loop3A_842] : memref<2048xi32, #tpu.memory_space<vmem>>[vector<16xi32>], vector<16xi32>,
      %parallel_loop3A_844 = vector.bitcast %parallel_loop3A_843 : vector<16xi32> to vector<32xbf16>
      %parallel_loop3A_845 = arith.minimumf %parallel_loop3A_819, %parallel_loop3A_824 : vector<32xbf16>
      %parallel_loop3A_846 = arith.minimumf %parallel_loop3A_829, %parallel_loop3A_834 : vector<32xbf16>
      %parallel_loop3A_847 = arith.minimumf %parallel_loop3A_839, %parallel_loop3A_844 : vector<32xbf16>
      %parallel_loop3A_848 = arith.minimumf %parallel_loop3A_845, %parallel_loop3A_846 : vector<32xbf16>
      %parallel_loop3A_849 = arith.minimumf %parallel_loop3A_848, %parallel_loop3A_847 : vector<32xbf16>
      %parallel_loop3A_850 = tpu.unpack_subelements %parallel_loop3A_849, 0 {pack_format = #tpu.pack_format<interleaved>} : vector<32xbf16> -> vector<16xf32>
      %parallel_loop3A_851 = tpu.unpack_subelements %parallel_loop3A_849, 1 {pack_format = #tpu.pack_format<interleaved>} : vector<32xbf16> -> vector<16xf32>
      %parallel_loop3A_852 = arith.mulf %parallel_loop3A_850, %parallel_loop3A_120 : vector<16xf32>
      %parallel_loop3A_853 = arith.constant 1248 : index
      %parallel_loop3A_854 = tpu.vector_load %arg16[%parallel_loop3A_853] {strides = array<i32>} : memref<1536xf32, #tpu.memory_space<vmem>>, vector<16xf32>,
      tpu.vector_store %arg16[%parallel_loop3A_853], %parallel_loop3A_852 {add = true, strides = array<i32>} : memref<1536xf32, #tpu.memory_space<vmem>>, vector<16xf32>,
      %parallel_loop3A_855 = arith.mulf %parallel_loop3A_850, %parallel_loop3A_125 : vector<16xf32>
      %parallel_loop3A_856 = arith.constant 1264 : index
      %parallel_loop3A_857 = tpu.vector_load %arg16[%parallel_loop3A_856] {strides = array<i32>} : memref<1536xf32, #tpu.memory_space<vmem>>, vector<16xf32>,
      tpu.vector_store %arg16[%parallel_loop3A_856], %parallel_loop3A_855 {add = true, strides = array<i32>} : memref<1536xf32, #tpu.memory_space<vmem>>, vector<16xf32>,
      %parallel_loop3A_858 = arith.constant 1280 : index
      %parallel_loop3A_859 = tpu.vector_load %arg16[%parallel_loop3A_858] {strides = array<i32>} : memref<1536xf32, #tpu.memory_space<vmem>>, vector<16xf32>,
      tpu.vector_store %arg16[%parallel_loop3A_858], %parallel_loop3A_850 {add = true, strides = array<i32>} : memref<1536xf32, #tpu.memory_space<vmem>>, vector<16xf32>,
      %parallel_loop3A_860 = arith.mulf %parallel_loop3A_851, %parallel_loop3A_120 : vector<16xf32>
      %parallel_loop3A_861 = arith.constant 1296 : index
      %parallel_loop3A_862 = tpu.vector_load %arg16[%parallel_loop3A_861] {strides = array<i32>} : memref<1536xf32, #tpu.memory_space<vmem>>, vector<16xf32>,
      tpu.vector_store %arg16[%parallel_loop3A_861], %parallel_loop3A_860 {add = true, strides = array<i32>} : memref<1536xf32, #tpu.memory_space<vmem>>, vector<16xf32>,
      %parallel_loop3A_863 = arith.mulf %parallel_loop3A_851, %parallel_loop3A_125 : vector<16xf32>
      %parallel_loop3A_864 = arith.constant 1312 : index
      %parallel_loop3A_865 = tpu.vector_load %arg16[%parallel_loop3A_864] {strides = array<i32>} : memref<1536xf32, #tpu.memory_space<vmem>>, vector<16xf32>,
      tpu.vector_store %arg16[%parallel_loop3A_864], %parallel_loop3A_863 {add = true, strides = array<i32>} : memref<1536xf32, #tpu.memory_space<vmem>>, vector<16xf32>,
      %parallel_loop3A_866 = arith.constant 1328 : index
      %parallel_loop3A_867 = tpu.vector_load %arg16[%parallel_loop3A_866] {strides = array<i32>} : memref<1536xf32, #tpu.memory_space<vmem>>, vector<16xf32>,
      tpu.vector_store %arg16[%parallel_loop3A_866], %parallel_loop3A_851 {add = true, strides = array<i32>} : memref<1536xf32, #tpu.memory_space<vmem>>, vector<16xf32>,
      %parallel_loop3A_868 = arith.constant 1792 : i32
      %parallel_loop3A_869 = vector.broadcast %parallel_loop3A_868 : i32 to vector<16xi32>
      %parallel_loop3A_870 = arith.addi %parallel_loop3A_91, %parallel_loop3A_869 : vector<16xi32>
      %parallel_loop3A_871 = tpu.vector_load_idx %arg10[%parallel_loop3A_870] : memref<2048xi32, #tpu.memory_space<vmem>>[vector<16xi32>], vector<16xi32>,
      %parallel_loop3A_872 = vector.bitcast %parallel_loop3A_871 : vector<16xi32> to vector<32xbf16>
      %parallel_loop3A_873 = arith.constant 1792 : i32
      %parallel_loop3A_874 = vector.broadcast %parallel_loop3A_873 : i32 to vector<16xi32>
      %parallel_loop3A_875 = arith.addi %parallel_loop3A_95, %parallel_loop3A_874 : vector<16xi32>
      %parallel_loop3A_876 = tpu.vector_load_idx %arg10[%parallel_loop3A_875] : memref<2048xi32, #tpu.memory_space<vmem>>[vector<16xi32>], vector<16xi32>,
      %parallel_loop3A_877 = vector.bitcast %parallel_loop3A_876 : vector<16xi32> to vector<32xbf16>
      %parallel_loop3A_878 = arith.constant 1792 : i32
      %parallel_loop3A_879 = vector.broadcast %parallel_loop3A_878 : i32 to vector<16xi32>
      %parallel_loop3A_880 = arith.addi %parallel_loop3A_99, %parallel_loop3A_879 : vector<16xi32>
      %parallel_loop3A_881 = tpu.vector_load_idx %arg10[%parallel_loop3A_880] : memref<2048xi32, #tpu.memory_space<vmem>>[vector<16xi32>], vector<16xi32>,
      %parallel_loop3A_882 = vector.bitcast %parallel_loop3A_881 : vector<16xi32> to vector<32xbf16>
      %parallel_loop3A_883 = arith.constant 1792 : i32
      %parallel_loop3A_884 = vector.broadcast %parallel_loop3A_883 : i32 to vector<16xi32>
      %parallel_loop3A_885 = arith.addi %parallel_loop3A_103, %parallel_loop3A_884 : vector<16xi32>
      %parallel_loop3A_886 = tpu.vector_load_idx %arg10[%parallel_loop3A_885] : memref<2048xi32, #tpu.memory_space<vmem>>[vector<16xi32>], vector<16xi32>,
      %parallel_loop3A_887 = vector.bitcast %parallel_loop3A_886 : vector<16xi32> to vector<32xbf16>
      %parallel_loop3A_888 = arith.constant 1792 : i32
      %parallel_loop3A_889 = vector.broadcast %parallel_loop3A_888 : i32 to vector<16xi32>
      %parallel_loop3A_890 = arith.addi %parallel_loop3A_107, %parallel_loop3A_889 : vector<16xi32>
      %parallel_loop3A_891 = tpu.vector_load_idx %arg10[%parallel_loop3A_890] : memref<2048xi32, #tpu.memory_space<vmem>>[vector<16xi32>], vector<16xi32>,
      %parallel_loop3A_892 = vector.bitcast %parallel_loop3A_891 : vector<16xi32> to vector<32xbf16>
      %parallel_loop3A_893 = arith.constant 1792 : i32
      %parallel_loop3A_894 = vector.broadcast %parallel_loop3A_893 : i32 to vector<16xi32>
      %parallel_loop3A_895 = arith.addi %parallel_loop3A_111, %parallel_loop3A_894 : vector<16xi32>
      %parallel_loop3A_896 = tpu.vector_load_idx %arg10[%parallel_loop3A_895] : memref<2048xi32, #tpu.memory_space<vmem>>[vector<16xi32>], vector<16xi32>,
      %parallel_loop3A_897 = vector.bitcast %parallel_loop3A_896 : vector<16xi32> to vector<32xbf16>
      %parallel_loop3A_898 = arith.minimumf %parallel_loop3A_872, %parallel_loop3A_877 : vector<32xbf16>
      %parallel_loop3A_899 = arith.minimumf %parallel_loop3A_882, %parallel_loop3A_887 : vector<32xbf16>
      %parallel_loop3A_900 = arith.minimumf %parallel_loop3A_892, %parallel_loop3A_897 : vector<32xbf16>
      %parallel_loop3A_901 = arith.minimumf %parallel_loop3A_898, %parallel_loop3A_899 : vector<32xbf16>
      %parallel_loop3A_902 = arith.minimumf %parallel_loop3A_901, %parallel_loop3A_900 : vector<32xbf16>
      %parallel_loop3A_903 = tpu.unpack_subelements %parallel_loop3A_902, 0 {pack_format = #tpu.pack_format<interleaved>} : vector<32xbf16> -> vector<16xf32>
      %parallel_loop3A_904 = tpu.unpack_subelements %parallel_loop3A_902, 1 {pack_format = #tpu.pack_format<interleaved>} : vector<32xbf16> -> vector<16xf32>
      %parallel_loop3A_905 = arith.mulf %parallel_loop3A_903, %parallel_loop3A_120 : vector<16xf32>
      %parallel_loop3A_906 = arith.constant 1344 : index
      %parallel_loop3A_907 = tpu.vector_load %arg16[%parallel_loop3A_906] {strides = array<i32>} : memref<1536xf32, #tpu.memory_space<vmem>>, vector<16xf32>,
      tpu.vector_store %arg16[%parallel_loop3A_906], %parallel_loop3A_905 {add = true, strides = array<i32>} : memref<1536xf32, #tpu.memory_space<vmem>>, vector<16xf32>,
      %parallel_loop3A_908 = arith.mulf %parallel_loop3A_903, %parallel_loop3A_125 : vector<16xf32>
      %parallel_loop3A_909 = arith.constant 1360 : index
      %parallel_loop3A_910 = tpu.vector_load %arg16[%parallel_loop3A_909] {strides = array<i32>} : memref<1536xf32, #tpu.memory_space<vmem>>, vector<16xf32>,
      tpu.vector_store %arg16[%parallel_loop3A_909], %parallel_loop3A_908 {add = true, strides = array<i32>} : memref<1536xf32, #tpu.memory_space<vmem>>, vector<16xf32>,
      %parallel_loop3A_911 = arith.constant 1376 : index
      %parallel_loop3A_912 = tpu.vector_load %arg16[%parallel_loop3A_911] {strides = array<i32>} : memref<1536xf32, #tpu.memory_space<vmem>>, vector<16xf32>,
      tpu.vector_store %arg16[%parallel_loop3A_911], %parallel_loop3A_903 {add = true, strides = array<i32>} : memref<1536xf32, #tpu.memory_space<vmem>>, vector<16xf32>,
      %parallel_loop3A_913 = arith.mulf %parallel_loop3A_904, %parallel_loop3A_120 : vector<16xf32>
      %parallel_loop3A_914 = arith.constant 1392 : index
      %parallel_loop3A_915 = tpu.vector_load %arg16[%parallel_loop3A_914] {strides = array<i32>} : memref<1536xf32, #tpu.memory_space<vmem>>, vector<16xf32>,
      tpu.vector_store %arg16[%parallel_loop3A_914], %parallel_loop3A_913 {add = true, strides = array<i32>} : memref<1536xf32, #tpu.memory_space<vmem>>, vector<16xf32>,
      %parallel_loop3A_916 = arith.mulf %parallel_loop3A_904, %parallel_loop3A_125 : vector<16xf32>
      %parallel_loop3A_917 = arith.constant 1408 : index
      %parallel_loop3A_918 = tpu.vector_load %arg16[%parallel_loop3A_917] {strides = array<i32>} : memref<1536xf32, #tpu.memory_space<vmem>>, vector<16xf32>,
      tpu.vector_store %arg16[%parallel_loop3A_917], %parallel_loop3A_916 {add = true, strides = array<i32>} : memref<1536xf32, #tpu.memory_space<vmem>>, vector<16xf32>,
      %parallel_loop3A_919 = arith.constant 1424 : index
      %parallel_loop3A_920 = tpu.vector_load %arg16[%parallel_loop3A_919] {strides = array<i32>} : memref<1536xf32, #tpu.memory_space<vmem>>, vector<16xf32>,
      tpu.vector_store %arg16[%parallel_loop3A_919], %parallel_loop3A_904 {add = true, strides = array<i32>} : memref<1536xf32, #tpu.memory_space<vmem>>, vector<16xf32>,
      %parallel_loop3A_921 = arith.constant 1920 : i32
      %parallel_loop3A_922 = vector.broadcast %parallel_loop3A_921 : i32 to vector<16xi32>
      %parallel_loop3A_923 = arith.addi %parallel_loop3A_91, %parallel_loop3A_922 : vector<16xi32>
      %parallel_loop3A_924 = tpu.vector_load_idx %arg10[%parallel_loop3A_923] : memref<2048xi32, #tpu.memory_space<vmem>>[vector<16xi32>], vector<16xi32>,
      %parallel_loop3A_925 = vector.bitcast %parallel_loop3A_924 : vector<16xi32> to vector<32xbf16>
      %parallel_loop3A_926 = arith.constant 1920 : i32
      %parallel_loop3A_927 = vector.broadcast %parallel_loop3A_926 : i32 to vector<16xi32>
      %parallel_loop3A_928 = arith.addi %parallel_loop3A_95, %parallel_loop3A_927 : vector<16xi32>
      %parallel_loop3A_929 = tpu.vector_load_idx %arg10[%parallel_loop3A_928] : memref<2048xi32, #tpu.memory_space<vmem>>[vector<16xi32>], vector<16xi32>,
      %parallel_loop3A_930 = vector.bitcast %parallel_loop3A_929 : vector<16xi32> to vector<32xbf16>
      %parallel_loop3A_931 = arith.constant 1920 : i32
      %parallel_loop3A_932 = vector.broadcast %parallel_loop3A_931 : i32 to vector<16xi32>
      %parallel_loop3A_933 = arith.addi %parallel_loop3A_99, %parallel_loop3A_932 : vector<16xi32>
      %parallel_loop3A_934 = tpu.vector_load_idx %arg10[%parallel_loop3A_933] : memref<2048xi32, #tpu.memory_space<vmem>>[vector<16xi32>], vector<16xi32>,
      %parallel_loop3A_935 = vector.bitcast %parallel_loop3A_934 : vector<16xi32> to vector<32xbf16>
      %parallel_loop3A_936 = arith.constant 1920 : i32
      %parallel_loop3A_937 = vector.broadcast %parallel_loop3A_936 : i32 to vector<16xi32>
      %parallel_loop3A_938 = arith.addi %parallel_loop3A_103, %parallel_loop3A_937 : vector<16xi32>
      %parallel_loop3A_939 = tpu.vector_load_idx %arg10[%parallel_loop3A_938] : memref<2048xi32, #tpu.memory_space<vmem>>[vector<16xi32>], vector<16xi32>,
      %parallel_loop3A_940 = vector.bitcast %parallel_loop3A_939 : vector<16xi32> to vector<32xbf16>
      %parallel_loop3A_941 = arith.constant 1920 : i32
      %parallel_loop3A_942 = vector.broadcast %parallel_loop3A_941 : i32 to vector<16xi32>
      %parallel_loop3A_943 = arith.addi %parallel_loop3A_107, %parallel_loop3A_942 : vector<16xi32>
      %parallel_loop3A_944 = tpu.vector_load_idx %arg10[%parallel_loop3A_943] : memref<2048xi32, #tpu.memory_space<vmem>>[vector<16xi32>], vector<16xi32>,
      %parallel_loop3A_945 = vector.bitcast %parallel_loop3A_944 : vector<16xi32> to vector<32xbf16>
      %parallel_loop3A_946 = arith.constant 1920 : i32
      %parallel_loop3A_947 = vector.broadcast %parallel_loop3A_946 : i32 to vector<16xi32>
      %parallel_loop3A_948 = arith.addi %parallel_loop3A_111, %parallel_loop3A_947 : vector<16xi32>
      %parallel_loop3A_949 = tpu.vector_load_idx %arg10[%parallel_loop3A_948] : memref<2048xi32, #tpu.memory_space<vmem>>[vector<16xi32>], vector<16xi32>,
      %parallel_loop3A_950 = vector.bitcast %parallel_loop3A_949 : vector<16xi32> to vector<32xbf16>
      %parallel_loop3A_951 = arith.minimumf %parallel_loop3A_925, %parallel_loop3A_930 : vector<32xbf16>
      %parallel_loop3A_952 = arith.minimumf %parallel_loop3A_935, %parallel_loop3A_940 : vector<32xbf16>
      %parallel_loop3A_953 = arith.minimumf %parallel_loop3A_945, %parallel_loop3A_950 : vector<32xbf16>
      %parallel_loop3A_954 = arith.minimumf %parallel_loop3A_951, %parallel_loop3A_952 : vector<32xbf16>
      %parallel_loop3A_955 = arith.minimumf %parallel_loop3A_954, %parallel_loop3A_953 : vector<32xbf16>
      %parallel_loop3A_956 = tpu.unpack_subelements %parallel_loop3A_955, 0 {pack_format = #tpu.pack_format<interleaved>} : vector<32xbf16> -> vector<16xf32>
      %parallel_loop3A_957 = tpu.unpack_subelements %parallel_loop3A_955, 1 {pack_format = #tpu.pack_format<interleaved>} : vector<32xbf16> -> vector<16xf32>
      %parallel_loop3A_958 = arith.mulf %parallel_loop3A_956, %parallel_loop3A_120 : vector<16xf32>
      %parallel_loop3A_959 = arith.constant 1440 : index
      %parallel_loop3A_960 = tpu.vector_load %arg16[%parallel_loop3A_959] {strides = array<i32>} : memref<1536xf32, #tpu.memory_space<vmem>>, vector<16xf32>,
      tpu.vector_store %arg16[%parallel_loop3A_959], %parallel_loop3A_958 {add = true, strides = array<i32>} : memref<1536xf32, #tpu.memory_space<vmem>>, vector<16xf32>,
      %parallel_loop3A_961 = arith.mulf %parallel_loop3A_956, %parallel_loop3A_125 : vector<16xf32>
      %parallel_loop3A_962 = arith.constant 1456 : index
      %parallel_loop3A_963 = tpu.vector_load %arg16[%parallel_loop3A_962] {strides = array<i32>} : memref<1536xf32, #tpu.memory_space<vmem>>, vector<16xf32>,
      tpu.vector_store %arg16[%parallel_loop3A_962], %parallel_loop3A_961 {add = true, strides = array<i32>} : memref<1536xf32, #tpu.memory_space<vmem>>, vector<16xf32>,
      %parallel_loop3A_964 = arith.constant 1472 : index
      %parallel_loop3A_965 = tpu.vector_load %arg16[%parallel_loop3A_964] {strides = array<i32>} : memref<1536xf32, #tpu.memory_space<vmem>>, vector<16xf32>,
      tpu.vector_store %arg16[%parallel_loop3A_964], %parallel_loop3A_956 {add = true, strides = array<i32>} : memref<1536xf32, #tpu.memory_space<vmem>>, vector<16xf32>,
      %parallel_loop3A_966 = arith.mulf %parallel_loop3A_957, %parallel_loop3A_120 : vector<16xf32>
      %parallel_loop3A_967 = arith.constant 1488 : index
      %parallel_loop3A_968 = tpu.vector_load %arg16[%parallel_loop3A_967] {strides = array<i32>} : memref<1536xf32, #tpu.memory_space<vmem>>, vector<16xf32>,
      tpu.vector_store %arg16[%parallel_loop3A_967], %parallel_loop3A_966 {add = true, strides = array<i32>} : memref<1536xf32, #tpu.memory_space<vmem>>, vector<16xf32>,
      %parallel_loop3A_969 = arith.mulf %parallel_loop3A_957, %parallel_loop3A_125 : vector<16xf32>
      %parallel_loop3A_970 = arith.constant 1504 : index
      %parallel_loop3A_971 = tpu.vector_load %arg16[%parallel_loop3A_970] {strides = array<i32>} : memref<1536xf32, #tpu.memory_space<vmem>>, vector<16xf32>,
      tpu.vector_store %arg16[%parallel_loop3A_970], %parallel_loop3A_969 {add = true, strides = array<i32>} : memref<1536xf32, #tpu.memory_space<vmem>>, vector<16xf32>,
      %parallel_loop3A_972 = arith.constant 1520 : index
      %parallel_loop3A_973 = tpu.vector_load %arg16[%parallel_loop3A_972] {strides = array<i32>} : memref<1536xf32, #tpu.memory_space<vmem>>, vector<16xf32>,
      tpu.vector_store %arg16[%parallel_loop3A_972], %parallel_loop3A_957 {add = true, strides = array<i32>} : memref<1536xf32, #tpu.memory_space<vmem>>, vector<16xf32>,
    } {sc.loop_unroll_factor = 4 : i64, sc.parallel_access}
    %mul3A_74 = arith.constant 32 : i32
    %mul3A_75 = arith.muli %add3A, %mul3A_74 : i32
    %mul3A_76 = arith.constant 3 : i32
    %mul3A_77 = arith.muli %mul3A_75, %mul3A_76 : i32
    %mul3A_78 = arith.constant 16 : i32
    %mul3A_79 = arith.muli %mul3A_77, %mul3A_78 : i32
    "tpu.region"() ({
      %run_scoped3A = tpu.sem_alloc : memref<!tpu.dma_semaphore, #tpu.memory_space<semaphore_mem>>
      %dma_start3A = tpu.memref_slice %arg8[%mul3A_79] : memref<49152xf32, #tpu.memory_space<hbm>> -> memref<1536xf32, #tpu.memory_space<hbm>>
      %dma_start3A_80 = tpu.memref_slice %arg8[%mul3A_79] : memref<49152xf32, #tpu.memory_space<hbm>> -> memref<1536xf32, #tpu.memory_space<hbm>>
      tpu.enqueue_dma source(%arg16 : memref<1536xf32, #tpu.memory_space<vmem>>) target(%dma_start3A_80 : memref<1536xf32, #tpu.memory_space<hbm>>) target_semaphore(%run_scoped3A : memref<!tpu.dma_semaphore, #tpu.memory_space<semaphore_mem>>)
      %dma_wait3A = tpu.memref_slice %arg8[%mul3A_79] : memref<49152xf32, #tpu.memory_space<hbm>> -> memref<1536xf32, #tpu.memory_space<hbm>>
      %dma_wait3A_81 = tpu.memref_slice %arg8[%mul3A_79] : memref<49152xf32, #tpu.memory_space<hbm>> -> memref<1536xf32, #tpu.memory_space<hbm>>
      tpu.wait_dma2 semaphore(%run_scoped3A : memref<!tpu.dma_semaphore, #tpu.memory_space<semaphore_mem>>) src(%arg16 : memref<1536xf32, #tpu.memory_space<vmem>>) dst(%dma_wait3A_81 : memref<1536xf32, #tpu.memory_space<hbm>>)
      tpu.yield
    }) : () -> ()
    return
  }
}

module attributes {stable_mosaic.version = 14 : i64} {
  func.func @body(%arg0: i32, %arg1: memref<1024x128xf32, #tpu.memory_space<vmem>>, %arg2: memref<1x128xf32, #tpu.memory_space<vmem>>, %arg3: memref<1x128xf32, #tpu.memory_space<vmem>>, %arg4: memref<1x6x512xi32, #tpu.memory_space<vmem>>, %arg5: memref<1x2x512xi32, #tpu.memory_space<vmem>>, %arg6: memref<16x3xf32, #tpu.memory_space<vmem>>, %arg7: memref<1024x3xf32, #tpu.memory_space<vmem>>, %arg8: memref<1024x128xbf16, #tpu.memory_space<vmem>>, %arg9: memref<1024x3xf32, #tpu.memory_space<vmem>>) attributes {dimension_semantics = [#tpu.dimension_semantics<arbitrary>], iteration_bounds = array<i64: 11>, scalar_prefetch = 0 : i64, scratch_operands = 2 : i64, tpu.core_type = #tpu.core_type<tc>, window_params = [{pipeline_mode = #tpu.pipeline_mode<synchronous>, transform_indices = @transform_0, window_bounds = array<i64: 1024, 128>}, {pipeline_mode = #tpu.pipeline_mode<synchronous>, transform_indices = @transform_1, window_bounds = array<i64: 1, 128>}, {pipeline_mode = #tpu.pipeline_mode<synchronous>, transform_indices = @transform_2, window_bounds = array<i64: 1, 128>}, {transform_indices = @transform_3, window_bounds = array<i64: 1, 6, 512>}, {transform_indices = @transform_4, window_bounds = array<i64: 1, 2, 512>}, {pipeline_mode = #tpu.pipeline_mode<synchronous>, transform_indices = @transform_5, window_bounds = array<i64: 16, 3>}, {pipeline_mode = #tpu.pipeline_mode<synchronous>, transform_indices = @transform_6, window_bounds = array<i64: 1024, 3>}]} {
    %eq3A = arith.constant 0 : i32
    %eq3A_0 = arith.cmpi eq, %arg0, %eq3A : i32
    %convert_element_type3A = arith.extui %eq3A_0 : i1 to i32
    %cond3A = arith.constant 0 : i32
    %cond3A_1 = arith.cmpi ne, %convert_element_type3A, %cond3A : i32
    scf.if %cond3A_1 {
      %get3A_122 = arith.constant 0 : index
      %get3A_123 = arith.constant 0 : index
      %get3A_124 = vector.load %arg1[%get3A_122, %get3A_123] : memref<1024x128xf32, #tpu.memory_space<vmem>>, vector<1024x128xf32>
      %get3A_125 = arith.constant 0 : index
      %get3A_126 = arith.constant 0 : index
      %get3A_127 = vector.load %arg2[%get3A_125, %get3A_126] : memref<1x128xf32, #tpu.memory_space<vmem>>, vector<1x128xf32>
      %sub3A = vector.broadcast %get3A_127 : vector<1x128xf32> to vector<1024x128xf32>
      %sub3A_128 = arith.subf %get3A_124, %sub3A : vector<1024x128xf32>
      %get3A_129 = arith.constant 0 : index
      %get3A_130 = arith.constant 0 : index
      %get3A_131 = vector.load %arg3[%get3A_129, %get3A_130] : memref<1x128xf32, #tpu.memory_space<vmem>>, vector<1x128xf32>
      %mul3A = arith.mulf %sub3A_128, %sub3A_128 : vector<1024x128xf32>
      %neg3A = arith.constant 0.000000e+00 : f32
      %neg3A_132 = vector.broadcast %neg3A : f32 to vector<1024x128xf32>
      %neg3A_133 = arith.subf %neg3A_132, %mul3A : vector<1024x128xf32>
      %mul3A_134 = arith.constant 2.000000e+00 : f32
      %mul3A_135 = vector.broadcast %mul3A_134 : f32 to vector<1x128xf32>
      %mul3A_136 = arith.mulf %mul3A_135, %get3A_131 : vector<1x128xf32>
      %mul3A_137 = arith.mulf %mul3A_136, %get3A_131 : vector<1x128xf32>
      %div3A = vector.broadcast %mul3A_137 : vector<1x128xf32> to vector<1024x128xf32>
      %div3A_138 = arith.divf %neg3A_133, %div3A : vector<1024x128xf32>
      %exp3A = math.exp %div3A_138 : vector<1024x128xf32>
      %convert_element_type3A_139 = arith.truncf %exp3A : vector<1024x128xf32> to vector<1024x128xbf16>
      %swap3A_140 = arith.constant 0 : index
      %swap3A_141 = arith.constant 0 : index
      %swap3A_142 = vector.load %arg8[%swap3A_140, %swap3A_141] : memref<1024x128xbf16, #tpu.memory_space<vmem>>, vector<1024x128xbf16>
      tpu.vector_store %arg8[%swap3A_140, %swap3A_141], %convert_element_type3A_139 {strides = array<i32>} : memref<1024x128xbf16, #tpu.memory_space<vmem>>, vector<1024x128xbf16>,
      %broadcast_in_dim3A_143 = arith.constant 0.000000e+00 : f32
      %broadcast_in_dim3A_144 = vector.broadcast %broadcast_in_dim3A_143 : f32 to vector<1024x3xf32>
      %swap3A_145 = arith.constant 0 : index
      %swap3A_146 = arith.constant 0 : index
      %swap3A_147 = vector.load %arg9[%swap3A_145, %swap3A_146] : memref<1024x3xf32, #tpu.memory_space<vmem>>, vector<1024x3xf32>
      tpu.vector_store %arg9[%swap3A_145, %swap3A_146], %broadcast_in_dim3A_144 {strides = array<i32>} : memref<1024x3xf32, #tpu.memory_space<vmem>>, vector<1024x3xf32>,
    } else {
    }
    %get3A = arith.constant 0 : index
    %get3A_2 = arith.constant 0 : index
    %get3A_3 = vector.load %arg8[%get3A, %get3A_2] : memref<1024x128xbf16, #tpu.memory_space<vmem>>, vector<1024x128xbf16>
    %iota3A = tpu.iota {dimensions = array<i32: 0>} : vector<128x512xi32>
    %get3A_4 = arith.constant 0 : index
    %get3A_5 = arith.constant 0 : index
    %get3A_6 = arith.constant 0 : index
    %get3A_7 = vector.load %arg4[%get3A_4, %get3A_5, %get3A_6] : memref<1x6x512xi32, #tpu.memory_space<vmem>>, vector<1x1x512xi32>
    %get3A_8 = vector.shape_cast %get3A_7 : vector<1x1x512xi32> to vector<512xi32>
    %broadcast_in_dim3A = vector.shape_cast %get3A_8 : vector<512xi32> to vector<1x512xi32>
    %eq3A_9 = vector.broadcast %broadcast_in_dim3A : vector<1x512xi32> to vector<128x512xi32>
    %eq3A_10 = arith.cmpi eq, %iota3A, %eq3A_9 : vector<128x512xi32>
    %convert_element_type3A_11 = arith.extui %eq3A_10 : vector<128x512xi1> to vector<128x512xi32>
    %convert_element_type3A_12 = arith.sitofp %convert_element_type3A_11 : vector<128x512xi32> to vector<128x512xf32>
    %convert_element_type3A_13 = arith.truncf %convert_element_type3A_12 : vector<128x512xf32> to vector<128x512xbf16>
    %dot_general3A = arith.constant dense<0.000000e+00> : vector<1024x512xf32>
    %dot_general3A_14 = tpu.matmul %get3A_3, %convert_element_type3A_13, %dot_general3A {dimension_numbers = #tpu.dot_dimension_numbers<[1], [0], [0], [1], [0, 0, 1, 1], [], []>, transpose_lhs_hint = false} : vector<1024x128xbf16>, vector<128x512xbf16>, vector<1024x512xf32> -> vector<1024x512xf32>
    %get3A_15 = arith.constant 0 : index
    %get3A_16 = arith.constant 1 : index
    %get3A_17 = arith.constant 0 : index
    %get3A_18 = vector.load %arg4[%get3A_15, %get3A_16, %get3A_17] : memref<1x6x512xi32, #tpu.memory_space<vmem>>, vector<1x1x512xi32>
    %get3A_19 = vector.shape_cast %get3A_18 : vector<1x1x512xi32> to vector<512xi32>
    %broadcast_in_dim3A_20 = vector.shape_cast %get3A_19 : vector<512xi32> to vector<1x512xi32>
    %eq3A_21 = vector.broadcast %broadcast_in_dim3A_20 : vector<1x512xi32> to vector<128x512xi32>
    %eq3A_22 = arith.cmpi eq, %iota3A, %eq3A_21 : vector<128x512xi32>
    %convert_element_type3A_23 = arith.extui %eq3A_22 : vector<128x512xi1> to vector<128x512xi32>
    %convert_element_type3A_24 = arith.sitofp %convert_element_type3A_23 : vector<128x512xi32> to vector<128x512xf32>
    %convert_element_type3A_25 = arith.truncf %convert_element_type3A_24 : vector<128x512xf32> to vector<128x512xbf16>
    %dot_general3A_26 = arith.constant dense<0.000000e+00> : vector<1024x512xf32>
    %dot_general3A_27 = tpu.matmul %get3A_3, %convert_element_type3A_25, %dot_general3A_26 {dimension_numbers = #tpu.dot_dimension_numbers<[1], [0], [0], [1], [0, 0, 1, 1], [], []>, transpose_lhs_hint = false} : vector<1024x128xbf16>, vector<128x512xbf16>, vector<1024x512xf32> -> vector<1024x512xf32>
    %min3A = arith.minimumf %dot_general3A_14, %dot_general3A_27 : vector<1024x512xf32>
    %get3A_28 = arith.constant 0 : index
    %get3A_29 = arith.constant 2 : index
    %get3A_30 = arith.constant 0 : index
    %get3A_31 = vector.load %arg4[%get3A_28, %get3A_29, %get3A_30] : memref<1x6x512xi32, #tpu.memory_space<vmem>>, vector<1x1x512xi32>
    %get3A_32 = vector.shape_cast %get3A_31 : vector<1x1x512xi32> to vector<512xi32>
    %broadcast_in_dim3A_33 = vector.shape_cast %get3A_32 : vector<512xi32> to vector<1x512xi32>
    %eq3A_34 = vector.broadcast %broadcast_in_dim3A_33 : vector<1x512xi32> to vector<128x512xi32>
    %eq3A_35 = arith.cmpi eq, %iota3A, %eq3A_34 : vector<128x512xi32>
    %convert_element_type3A_36 = arith.extui %eq3A_35 : vector<128x512xi1> to vector<128x512xi32>
    %convert_element_type3A_37 = arith.sitofp %convert_element_type3A_36 : vector<128x512xi32> to vector<128x512xf32>
    %convert_element_type3A_38 = arith.truncf %convert_element_type3A_37 : vector<128x512xf32> to vector<128x512xbf16>
    %dot_general3A_39 = arith.constant dense<0.000000e+00> : vector<1024x512xf32>
    %dot_general3A_40 = tpu.matmul %get3A_3, %convert_element_type3A_38, %dot_general3A_39 {dimension_numbers = #tpu.dot_dimension_numbers<[1], [0], [0], [1], [0, 0, 1, 1], [], []>, transpose_lhs_hint = false} : vector<1024x128xbf16>, vector<128x512xbf16>, vector<1024x512xf32> -> vector<1024x512xf32>
    %min3A_41 = arith.minimumf %min3A, %dot_general3A_40 : vector<1024x512xf32>
    %get3A_42 = arith.constant 0 : index
    %get3A_43 = arith.constant 3 : index
    %get3A_44 = arith.constant 0 : index
    %get3A_45 = vector.load %arg4[%get3A_42, %get3A_43, %get3A_44] : memref<1x6x512xi32, #tpu.memory_space<vmem>>, vector<1x1x512xi32>
    %get3A_46 = vector.shape_cast %get3A_45 : vector<1x1x512xi32> to vector<512xi32>
    %broadcast_in_dim3A_47 = vector.shape_cast %get3A_46 : vector<512xi32> to vector<1x512xi32>
    %eq3A_48 = vector.broadcast %broadcast_in_dim3A_47 : vector<1x512xi32> to vector<128x512xi32>
    %eq3A_49 = arith.cmpi eq, %iota3A, %eq3A_48 : vector<128x512xi32>
    %convert_element_type3A_50 = arith.extui %eq3A_49 : vector<128x512xi1> to vector<128x512xi32>
    %convert_element_type3A_51 = arith.sitofp %convert_element_type3A_50 : vector<128x512xi32> to vector<128x512xf32>
    %convert_element_type3A_52 = arith.truncf %convert_element_type3A_51 : vector<128x512xf32> to vector<128x512xbf16>
    %dot_general3A_53 = arith.constant dense<0.000000e+00> : vector<1024x512xf32>
    %dot_general3A_54 = tpu.matmul %get3A_3, %convert_element_type3A_52, %dot_general3A_53 {dimension_numbers = #tpu.dot_dimension_numbers<[1], [0], [0], [1], [0, 0, 1, 1], [], []>, transpose_lhs_hint = false} : vector<1024x128xbf16>, vector<128x512xbf16>, vector<1024x512xf32> -> vector<1024x512xf32>
    %min3A_55 = arith.minimumf %min3A_41, %dot_general3A_54 : vector<1024x512xf32>
    %get3A_56 = arith.constant 0 : index
    %get3A_57 = arith.constant 4 : index
    %get3A_58 = arith.constant 0 : index
    %get3A_59 = vector.load %arg4[%get3A_56, %get3A_57, %get3A_58] : memref<1x6x512xi32, #tpu.memory_space<vmem>>, vector<1x1x512xi32>
    %get3A_60 = vector.shape_cast %get3A_59 : vector<1x1x512xi32> to vector<512xi32>
    %broadcast_in_dim3A_61 = vector.shape_cast %get3A_60 : vector<512xi32> to vector<1x512xi32>
    %eq3A_62 = vector.broadcast %broadcast_in_dim3A_61 : vector<1x512xi32> to vector<128x512xi32>
    %eq3A_63 = arith.cmpi eq, %iota3A, %eq3A_62 : vector<128x512xi32>
    %convert_element_type3A_64 = arith.extui %eq3A_63 : vector<128x512xi1> to vector<128x512xi32>
    %convert_element_type3A_65 = arith.sitofp %convert_element_type3A_64 : vector<128x512xi32> to vector<128x512xf32>
    %convert_element_type3A_66 = arith.truncf %convert_element_type3A_65 : vector<128x512xf32> to vector<128x512xbf16>
    %dot_general3A_67 = arith.constant dense<0.000000e+00> : vector<1024x512xf32>
    %dot_general3A_68 = tpu.matmul %get3A_3, %convert_element_type3A_66, %dot_general3A_67 {dimension_numbers = #tpu.dot_dimension_numbers<[1], [0], [0], [1], [0, 0, 1, 1], [], []>, transpose_lhs_hint = false} : vector<1024x128xbf16>, vector<128x512xbf16>, vector<1024x512xf32> -> vector<1024x512xf32>
    %min3A_69 = arith.minimumf %min3A_55, %dot_general3A_68 : vector<1024x512xf32>
    %get3A_70 = arith.constant 0 : index
    %get3A_71 = arith.constant 5 : index
    %get3A_72 = arith.constant 0 : index
    %get3A_73 = vector.load %arg4[%get3A_70, %get3A_71, %get3A_72] : memref<1x6x512xi32, #tpu.memory_space<vmem>>, vector<1x1x512xi32>
    %get3A_74 = vector.shape_cast %get3A_73 : vector<1x1x512xi32> to vector<512xi32>
    %broadcast_in_dim3A_75 = vector.shape_cast %get3A_74 : vector<512xi32> to vector<1x512xi32>
    %eq3A_76 = vector.broadcast %broadcast_in_dim3A_75 : vector<1x512xi32> to vector<128x512xi32>
    %eq3A_77 = arith.cmpi eq, %iota3A, %eq3A_76 : vector<128x512xi32>
    %convert_element_type3A_78 = arith.extui %eq3A_77 : vector<128x512xi1> to vector<128x512xi32>
    %convert_element_type3A_79 = arith.sitofp %convert_element_type3A_78 : vector<128x512xi32> to vector<128x512xf32>
    %convert_element_type3A_80 = arith.truncf %convert_element_type3A_79 : vector<128x512xf32> to vector<128x512xbf16>
    %dot_general3A_81 = arith.constant dense<0.000000e+00> : vector<1024x512xf32>
    %dot_general3A_82 = tpu.matmul %get3A_3, %convert_element_type3A_80, %dot_general3A_81 {dimension_numbers = #tpu.dot_dimension_numbers<[1], [0], [0], [1], [0, 0, 1, 1], [], []>, transpose_lhs_hint = false} : vector<1024x128xbf16>, vector<128x512xbf16>, vector<1024x512xf32> -> vector<1024x512xf32>
    %min3A_83 = arith.minimumf %min3A_69, %dot_general3A_82 : vector<1024x512xf32>
    %iota3A_84 = tpu.iota {dimensions = array<i32: 1>} : vector<512x16xi32>
    %get3A_85 = arith.constant 0 : index
    %get3A_86 = arith.constant 0 : index
    %get3A_87 = arith.constant 0 : index
    %get3A_88 = vector.load %arg5[%get3A_85, %get3A_86, %get3A_87] : memref<1x2x512xi32, #tpu.memory_space<vmem>>, vector<1x1x512xi32>
    %get3A_89 = vector.shape_cast %get3A_88 : vector<1x1x512xi32> to vector<512xi32>
    %broadcast_in_dim3A_90 = vector.shape_cast %get3A_89 : vector<512xi32> to vector<512x1xi32>
    %eq3A_91 = vector.broadcast %broadcast_in_dim3A_90 : vector<512x1xi32> to vector<512x16xi32>
    %eq3A_92 = arith.cmpi eq, %iota3A_84, %eq3A_91 : vector<512x16xi32>
    %get3A_93 = arith.constant 0 : index
    %get3A_94 = arith.constant 1 : index
    %get3A_95 = arith.constant 0 : index
    %get3A_96 = vector.load %arg5[%get3A_93, %get3A_94, %get3A_95] : memref<1x2x512xi32, #tpu.memory_space<vmem>>, vector<1x1x512xi32>
    %get3A_97 = vector.shape_cast %get3A_96 : vector<1x1x512xi32> to vector<512xi32>
    %broadcast_in_dim3A_98 = vector.shape_cast %get3A_97 : vector<512xi32> to vector<512x1xi32>
    %eq3A_99 = vector.broadcast %broadcast_in_dim3A_98 : vector<512x1xi32> to vector<512x16xi32>
    %eq3A_100 = arith.cmpi eq, %iota3A_84, %eq3A_99 : vector<512x16xi32>
    %or3A = arith.ori %eq3A_92, %eq3A_100 : vector<512x16xi1>
    %convert_element_type3A_101 = arith.extui %or3A : vector<512x16xi1> to vector<512x16xi32>
    %convert_element_type3A_102 = arith.sitofp %convert_element_type3A_101 : vector<512x16xi32> to vector<512x16xf32>
    %get3A_103 = arith.constant 0 : index
    %get3A_104 = arith.constant 0 : index
    %get3A_105 = vector.load %arg6[%get3A_103, %get3A_104] : memref<16x3xf32, #tpu.memory_space<vmem>>, vector<16x3xf32>
    %dot_general3A_106 = arith.constant dense<0.000000e+00> : vector<512x3xf32>
    %dot_general3A_107 = tpu.matmul %convert_element_type3A_102, %get3A_105, %dot_general3A_106 {dimension_numbers = #tpu.dot_dimension_numbers<[1], [0], [0], [1], [0, 0, 1, 1], [], []>, precision = #tpu.contract_precision<fp32>, transpose_lhs_hint = false} : vector<512x16xf32>, vector<16x3xf32>, vector<512x3xf32> -> vector<512x3xf32>
    %convert_element_type3A_108 = arith.truncf %min3A_83 : vector<1024x512xf32> to vector<1024x512xbf16>
    %convert_element_type3A_109 = arith.truncf %dot_general3A_107 : vector<512x3xf32> to vector<512x3xbf16>
    %dot_general3A_110 = arith.constant dense<0.000000e+00> : vector<1024x3xf32>
    %dot_general3A_111 = tpu.matmul %convert_element_type3A_108, %convert_element_type3A_109, %dot_general3A_110 {dimension_numbers = #tpu.dot_dimension_numbers<[1], [0], [0], [1], [0, 0, 1, 1], [], []>, transpose_lhs_hint = false} : vector<1024x512xbf16>, vector<512x3xbf16>, vector<1024x3xf32> -> vector<1024x3xf32>
    %get3A_112 = arith.constant 0 : index
    %get3A_113 = arith.constant 0 : index
    %get3A_114 = vector.load %arg9[%get3A_112, %get3A_113] : memref<1024x3xf32, #tpu.memory_space<vmem>>, vector<1024x3xf32>
    %add3A = arith.addf %get3A_114, %dot_general3A_111 : vector<1024x3xf32>
    %swap3A = arith.constant 0 : index
    %swap3A_115 = arith.constant 0 : index
    %swap3A_116 = vector.load %arg9[%swap3A, %swap3A_115] : memref<1024x3xf32, #tpu.memory_space<vmem>>, vector<1024x3xf32>
    tpu.vector_store %arg9[%swap3A, %swap3A_115], %add3A {strides = array<i32>} : memref<1024x3xf32, #tpu.memory_space<vmem>>, vector<1024x3xf32>,
    %eq3A_117 = arith.constant 10 : i32
    %eq3A_118 = arith.cmpi eq, %arg0, %eq3A_117 : i32
    %convert_element_type3A_119 = arith.extui %eq3A_118 : i1 to i32
    %cond3A_120 = arith.constant 0 : i32
    %cond3A_121 = arith.cmpi ne, %convert_element_type3A_119, %cond3A_120 : i32
    scf.if %cond3A_121 {
      %get3A_122 = arith.constant 0 : index
      %get3A_123 = arith.constant 0 : index
      %get3A_124 = vector.load %arg9[%get3A_122, %get3A_123] : memref<1024x3xf32, #tpu.memory_space<vmem>>, vector<1024x3xf32>
      %swap3A_125 = arith.constant 0 : index
      %swap3A_126 = arith.constant 0 : index
      %swap3A_127 = vector.load %arg7[%swap3A_125, %swap3A_126] : memref<1024x3xf32, #tpu.memory_space<vmem>>, vector<1024x3xf32>
      tpu.vector_store %arg7[%swap3A_125, %swap3A_126], %get3A_124 {strides = array<i32>} : memref<1024x3xf32, #tpu.memory_space<vmem>>, vector<1024x3xf32>,
    } else {
    }
    return
  }
  func.func @transform_0(%arg0: i32) -> (i32, i32) {
    %c0_i32 = arith.constant 0 : i32
    %c0_i32_0 = arith.constant 0 : i32
    %c0_i32_1 = arith.constant 0 : i32
    return %c0_i32, %c0_i32_0 : i32, i32
  }
  func.func @transform_1(%arg0: i32) -> (i32, i32) {
    %c0_i32 = arith.constant 0 : i32
    %c0_i32_0 = arith.constant 0 : i32
    %c0_i32_1 = arith.constant 0 : i32
    return %c0_i32, %c0_i32_0 : i32, i32
  }
  func.func @transform_2(%arg0: i32) -> (i32, i32) {
    %c0_i32 = arith.constant 0 : i32
    %c0_i32_0 = arith.constant 0 : i32
    %c0_i32_1 = arith.constant 0 : i32
    return %c0_i32, %c0_i32_0 : i32, i32
  }
  func.func @transform_3(%arg0: i32) -> (i32, i32, i32) {
    %c0_i32 = arith.constant 0 : i32
    %c0_i32_0 = arith.constant 0 : i32
    %c0_i32_1 = arith.constant 0 : i32
    return %arg0, %c0_i32, %c0_i32_0 : i32, i32, i32
  }
  func.func @transform_4(%arg0: i32) -> (i32, i32, i32) {
    %c0_i32 = arith.constant 0 : i32
    %c0_i32_0 = arith.constant 0 : i32
    %c0_i32_1 = arith.constant 0 : i32
    return %arg0, %c0_i32, %c0_i32_0 : i32, i32, i32
  }
  func.func @transform_5(%arg0: i32) -> (i32, i32) {
    %c0_i32 = arith.constant 0 : i32
    %c0_i32_0 = arith.constant 0 : i32
    %c0_i32_1 = arith.constant 0 : i32
    return %c0_i32, %c0_i32_0 : i32, i32
  }
  func.func @transform_6(%arg0: i32) -> (i32, i32) {
    %c0_i32 = arith.constant 0 : i32
    %c0_i32_0 = arith.constant 0 : i32
    %c0_i32_1 = arith.constant 0 : i32
    return %c0_i32, %c0_i32_0 : i32, i32
  }
}

module attributes {stable_mosaic.version = 14 : i64} {
  func.func @body(%arg0: memref<1024x48xf32, #tpu.memory_space<vmem>>, %arg1: memref<1024x3xf32, #tpu.memory_space<vmem>>, %arg2: memref<2xf32, #tpu.memory_space<vmem>>, %arg3: memref<2xf32, #tpu.memory_space<vmem>>, %arg4: memref<1024x2xf32, #tpu.memory_space<vmem>>) attributes {dimension_semantics = [], scalar_prefetch = 0 : i64, scratch_operands = 0 : i64, tpu.core_type = #tpu.core_type<tc>} {
    %get3A = arith.constant 0 : index
    %get3A_0 = arith.constant 0 : index
    %get3A_1 = vector.load %arg0[%get3A, %get3A_0] : memref<1024x48xf32, #tpu.memory_space<vmem>>, vector<1024x48xf32>
    %get3A_2 = arith.constant 0 : index
    %get3A_3 = arith.constant 0 : index
    %get3A_4 = vector.load %arg1[%get3A_2, %get3A_3] : memref<1024x3xf32, #tpu.memory_space<vmem>>, vector<1024x3xf32>
    %slice3A = vector.extract_strided_slice %get3A_1 {offsets = [0, 0], sizes = [1024, 16], strides = [1, 1]} : vector<1024x48xf32> to vector<1024x16xf32>
    %reduce_sum3A = arith.constant dense<0.000000e+00> : vector<1024xf32>
    %reduce_sum3A_5 = vector.multi_reduction <add>, %slice3A, %reduce_sum3A [1] : vector<1024x16xf32> to vector<1024xf32>
    %broadcast_in_dim3A = vector.shape_cast %reduce_sum3A_5 : vector<1024xf32> to vector<1024x1xf32>
    %slice3A_6 = vector.extract_strided_slice %get3A_4 {offsets = [0, 0], sizes = [1024, 1], strides = [1, 1]} : vector<1024x3xf32> to vector<1024x1xf32>
    %add3A = arith.addf %broadcast_in_dim3A, %slice3A_6 : vector<1024x1xf32>
    %slice3A_7 = vector.extract_strided_slice %get3A_1 {offsets = [0, 16], sizes = [1024, 16], strides = [1, 1]} : vector<1024x48xf32> to vector<1024x16xf32>
    %reduce_sum3A_8 = arith.constant dense<0.000000e+00> : vector<1024xf32>
    %reduce_sum3A_9 = vector.multi_reduction <add>, %slice3A_7, %reduce_sum3A_8 [1] : vector<1024x16xf32> to vector<1024xf32>
    %broadcast_in_dim3A_10 = vector.shape_cast %reduce_sum3A_9 : vector<1024xf32> to vector<1024x1xf32>
    %slice3A_11 = vector.extract_strided_slice %get3A_4 {offsets = [0, 1], sizes = [1024, 1], strides = [1, 1]} : vector<1024x3xf32> to vector<1024x1xf32>
    %add3A_12 = arith.addf %broadcast_in_dim3A_10, %slice3A_11 : vector<1024x1xf32>
    %slice3A_13 = vector.extract_strided_slice %get3A_1 {offsets = [0, 32], sizes = [1024, 16], strides = [1, 1]} : vector<1024x48xf32> to vector<1024x16xf32>
    %reduce_sum3A_14 = arith.constant dense<0.000000e+00> : vector<1024xf32>
    %reduce_sum3A_15 = vector.multi_reduction <add>, %slice3A_13, %reduce_sum3A_14 [1] : vector<1024x16xf32> to vector<1024xf32>
    %broadcast_in_dim3A_16 = vector.shape_cast %reduce_sum3A_15 : vector<1024xf32> to vector<1024x1xf32>
    %slice3A_17 = vector.extract_strided_slice %get3A_4 {offsets = [0, 2], sizes = [1024, 1], strides = [1, 1]} : vector<1024x3xf32> to vector<1024x1xf32>
    %add3A_18 = arith.addf %broadcast_in_dim3A_16, %slice3A_17 : vector<1024x1xf32>
    %max3A = arith.constant 9.99999996E-13 : f32
    %max3A_19 = vector.broadcast %max3A : f32 to vector<1024x1xf32>
    %max3A_20 = arith.maximumf %add3A_18, %max3A_19 : vector<1024x1xf32>
    %concatenate3A = tpu.concatenate %add3A, %add3A_12 in 1 : vector<1024x1xf32>, vector<1024x1xf32> -> vector<1024x2xf32>
    %div3A = vector.broadcast %max3A_20 : vector<1024x1xf32> to vector<1024x2xf32>
    %div3A_21 = arith.divf %concatenate3A, %div3A : vector<1024x2xf32>
    %tanh3A = math.tanh %div3A_21 : vector<1024x2xf32>
    %get3A_22 = arith.constant 0 : index
    %get3A_23 = vector.load %arg2[%get3A_22] : memref<2xf32, #tpu.memory_space<vmem>>, vector<2xf32>
    %broadcast_in_dim3A_24 = vector.shape_cast %get3A_23 : vector<2xf32> to vector<1x2xf32>
    %mul3A = vector.broadcast %broadcast_in_dim3A_24 : vector<1x2xf32> to vector<1024x2xf32>
    %mul3A_25 = arith.mulf %tanh3A, %mul3A : vector<1024x2xf32>
    %get3A_26 = arith.constant 0 : index
    %get3A_27 = vector.load %arg3[%get3A_26] : memref<2xf32, #tpu.memory_space<vmem>>, vector<2xf32>
    %broadcast_in_dim3A_28 = vector.shape_cast %get3A_27 : vector<2xf32> to vector<1x2xf32>
    %add3A_29 = vector.broadcast %broadcast_in_dim3A_28 : vector<1x2xf32> to vector<1024x2xf32>
    %add3A_30 = arith.addf %mul3A_25, %add3A_29 : vector<1024x2xf32>
    %swap3A = arith.constant 0 : index
    %swap3A_31 = arith.constant 0 : index
    %swap3A_32 = vector.load %arg4[%swap3A, %swap3A_31] : memref<1024x2xf32, #tpu.memory_space<vmem>>, vector<1024x2xf32>
    tpu.vector_store %arg4[%swap3A, %swap3A_31], %add3A_30 {strides = array<i32>} : memref<1024x2xf32, #tpu.memory_space<vmem>>, vector<1024x2xf32>,
    return
  }
}

</mosaic_0001>

<sc_bundles>
// kernel: kernel.5.cloned.1.call-start
scs
__scs_entry_jumppad:
0x0: {  	(pc) =	sbr.rel $0x88, $3  }
0x1: {  	(tag) =	ssettag $0x0;
	lr =	simm.s32 $0x1  }
0x2: {  	[smem:$0x3F99] =	sst lr;
	_ =	strace $0xD0000000  }
0x3: {  	_ = 	snop  }
0x4: {  	_ = 	snop  }
0x5: {  	_ = 	snop  }
0x6: {  	_ = 	snop  }
0x7: {  	_ = 	snop  }
__scs_overlays_trampoline_lowered:
0x8: {  	[smem:$0x3FA8] =	sst s0  }
0x9: {  	[smem:$0x3FA9] =	sst s1  }
0xa: {  	[smem:$0x3FAA] =	sst s2  }
0xb: {  	[smem:$0x3FAB] =	sst s3  }
0xc: {  	[smem:$0x3FAC] =	sst s4  }
0xd: {  	[smem:$0x3FAD] =	sst s5  }
0xe: {  	[smem:$0x3FAE] =	sst s6  }
0xf: {  	[smem:$0x3FAF] =	sst s7  }
0x10: {  	[smem:$0x3FB0] =	sst s8  }
0x11: {  	[smem:$0x3FB1] =	sst s9;
	s0 =	simm.s32 @!p0 $0x0  }
0x12: {  	s1 =	sld [smem:$0x3F97];
	s0 =	simm.s32 @p0 $0x1  }
0x13: {  	[smem:$0x3FB2] =	sst s0;
	s0 =	simm.s32 @!p1 $0x0  }
0x14: {  	s2 =	sld [smem:$0x3F96];
	s0 =	simm.s32 @p1 $0x1  }
0x15: {  	[smem:$0x3FB3] =	sst s0;
	s0 =	simm.s32 @!p2 $0x0  }
0x16: {  	s3 =	sld [smem:$0x3FDB];
	s0 =	simm.s32 @p2 $0x1  }
0x17: {  	s4 =	simm.s32 $0x1BF5;
	[smem:$0x3FB5] =	sst s0  }
0x18: {  	s0 =	sld [smem:$0x3F98];
	_ =	swait.ge [sflag:s4], $0x0  }
0x19: {  	s7 =	sld [smem:$0x3F99]  }
0x1a: {  	s8 =	sadd.s32 $0xFFFFE003, lr  }
0x1b: {  	s9 =	sadd.s32 $0xFFFFFEF7, lr;
	s5 =	simm.s32 $0xFFFFFFFF;
	p2 =	slt.u32 s8, $0xFFFFF086  }
0x1c: {  	p1 =	slt.u32 s9, $0xF7A;
	s5 =	simm.s32 @!p2 $0x0  }
0x1d: {  	s5 =	simm.s32 @p1 $0x1;
	p0 =	seq.s32 s7, s2  }
0x1e: {  	s7 =	smul.u32 @!p0 $0xF7A, s2;
	p2 =	seq.s32 @!p0 s5, $0x0  }
0x1f: {  	s9 =	smul.u32 $0xF7A, s1;
	s8 =	simm.s32 @!p0 $0x1BF5;
	p2 =	por !p2, p0  }
0x20: {  	[sflag:s8] =	ssyncset.s32 @!p0 $0xFFFFF086;
	s6 =	sadd.s32 @!p0 s3, s7;
	s7 =	simm.s32 @!p0 $0x108  }
0x21: {  	s3 =	sadd.s32 s3, s9;
	s6 =	sadd.s32 @!p0 $0x88, s6;
	s7 =	simm.s32 @p2 $0x1082  }
0x22: {  	[simem:s7], [sflag:s8] =	dma.local @!p0 [hbm:s6], $0xF7A  }
0x23: {  	s9 =	sor.u32 $0xD0000000, s2;
	s6 =	simm.s32 $0x108;
	_ =	swait.ge @!p0 [sflag:s8], $0x0  }
0x24: {  	s3 =	sadd.s32 $0x88, s3;
	s6 =	simm.s32 @!p1 $0x1082;
	[sflag:s4] =	ssyncset.s32 $0xFFFFF086  }
0x25: {  	[simem:s6], [sflag:s4] =	dma.local [hbm:s3], $0xF7A  }
0x26: {  	[smem:$0x3F99] =	sst s1;
	(tag) =	ssettag s2;
	_ =	strace s9  }
0x27: {  	s1 =	sld [smem:$0x3FA9]  }
0x28: {  	s2 =	sld [smem:$0x3FAA]  }
0x29: {  	s4 =	sld [smem:$0x3FAC]  }
0x2a: {  	p0 =	seq.s32 s5, $0x0;
	s5 =	sld [smem:$0x3FAD]  }
0x2b: {  	s6 =	sld [smem:$0x3FAE]  }
0x2c: {  	s7 =	sld [smem:$0x3FAF]  }
0x2d: {  	s3 =	simm.s32 $0x108;
	s8 =	sld [smem:$0x3FB0]  }
0x2e: {  	s3 =	simm.s32 @!p0 $0x1082;
	s9 =	sld [smem:$0x3FB1]  }
0x2f: {  	lr =	sadd.s32 s0, s3;
	s0 =	sld [smem:$0x3FA8]  }
0x30: {  	s3 =	sld [smem:$0x3FAB]  }
0x31: {  	[smem:$0x3FB4] =	sst s10  }
0x32: {  	s10 =	sld [smem:$0x3FB2];
	_ =	sdelay $0x3  }
0x33: {  	p0 =	seq.s32 s10, $0x1;
	s10 =	sld [smem:$0x3FB4];
	_ =	sdelay $0x3  }
0x34: {  	[smem:$0x3FB4] =	sst s10  }
0x35: {  	s10 =	sld [smem:$0x3FB3];
	_ =	sdelay $0x3  }
0x36: {  	p1 =	seq.s32 s10, $0x1;
	s10 =	sld [smem:$0x3FB4];
	_ =	sdelay $0x3  }
0x37: {  	[smem:$0x3FB4] =	sst s10  }
0x38: {  	s10 =	sld [smem:$0x3FB5]  }
0x39: {  	_ = 	snop;
	(pc) =	sbr.ind lr, $3  }
0x3a: {  	_ = 	snop  }
0x3b: {  	_ = 	snop  }
0x3c: {  	p2 =	seq.s32 s10, $0x1;
	s10 =	sld [smem:$0x3FB4]  }
0x3d: {  	_ =	shalt  }
0x3e: {  	_ =	shalt  }
0x3f: {  	_ =	shalt  }
0x40: {  	_ =	shalt  }
0x41: {  	_ =	shalt  }
0x42: {  	_ =	shalt  }
0x43: {  	_ =	shalt  }
0x44: {  	_ =	shalt  }
0x45: {  	_ =	shalt  }
0x46: {  	_ =	shalt  }
0x47: {  	_ =	shalt  }
0x48: {  	_ =	shalt  }
0x49: {  	_ =	shalt  }
0x4a: {  	_ =	shalt  }
0x4b: {  	_ =	shalt  }
0x4c: {  	_ =	shalt  }
0x4d: {  	_ =	shalt  }
0x4e: {  	_ =	shalt  }
0x4f: {  	_ =	shalt  }
0x50: {  	_ =	shalt  }
0x51: {  	_ =	shalt  }
0x52: {  	_ =	shalt  }
0x53: {  	_ =	shalt  }
0x54: {  	_ =	shalt  }
0x55: {  	_ =	shalt  }
0x56: {  	_ =	shalt  }
0x57: {  	_ =	shalt  }
0x58: {  	_ =	shalt  }
0x59: {  	_ =	shalt  }
0x5a: {  	_ =	shalt  }
0x5b: {  	_ =	shalt  }
0x5c: {  	_ =	shalt  }
0x5d: {  	_ =	shalt  }
0x5e: {  	_ =	shalt  }
0x5f: {  	_ =	shalt  }
0x60: {  	_ =	shalt  }
0x61: {  	_ =	shalt  }
0x62: {  	_ =	shalt  }
0x63: {  	_ =	shalt  }
0x64: {  	_ =	shalt  }
0x65: {  	_ =	shalt  }
0x66: {  	_ =	shalt  }
0x67: {  	_ =	shalt  }
0x68: {  	_ =	shalt  }
0x69: {  	_ =	shalt  }
0x6a: {  	_ =	shalt  }
0x6b: {  	_ =	shalt  }
0x6c: {  	_ =	shalt  }
0x6d: {  	_ =	shalt  }
0x6e: {  	_ =	shalt  }
0x6f: {  	_ =	shalt  }
0x70: {  	_ =	shalt  }
0x71: {  	_ =	shalt  }
0x72: {  	_ =	shalt  }
0x73: {  	_ =	shalt  }
0x74: {  	_ =	shalt  }
0x75: {  	_ =	shalt  }
0x76: {  	_ =	shalt  }
0x77: {  	_ =	shalt  }
0x78: {  	_ =	shalt  }
0x79: {  	_ =	shalt  }
0x7a: {  	_ =	shalt  }
0x7b: {  	_ =	shalt  }
0x7c: {  	_ =	shalt  }
0x7d: {  	_ =	shalt  }
0x7e: {  	_ =	shalt  }
0x7f: {  	_ =	shalt  }
0x80: {  	_ =	shalt  }
0x81: {  	_ =	shalt  }
0x82: {  	_ =	shalt  }
0x83: {  	_ =	shalt  }
0x84: {  	_ =	shalt  }
0x85: {  	_ =	shalt  }
0x86: {  	_ =	shalt  }
0x87: {  	_ =	shalt  }
.Lfunc_end0:
.L_simem_size_0:
called_computation_lowered:
.L_overlay_start_0:
0x88: {  	s2 =	sld [smem:$0x3FD9]  }
0x89: {  	s3 =	sld [smem:$0x3FFE];
	_ =	sdelay $0x1  }
0x8a: {  	s1 =	srdreg.scid  }
0x8b: {  	s0 =	sand.u32 $0x1, s1  }
0x8c: {  	s17 =	sshll.u32 s0, $0xA;
	s2 =	sadd.s32 s3, s2  }
0x8d: {  	s2 =	sadd.s32 s2, s17  }
0x8e: {  	[smem:$0x3FC0] =	sst s2  }
0x8f: {  	_ = 	snop  }
0x90: {  	s2 =	sld [smem:$0x3FD0];
	(tm) =	ssettm $0x1  }
0x91: {  	s18 =	sld [smem:$0x3FFB];
	_ =	sdelay $0x3  }
0x92: {  	_ =	strace s18  }
0x93: {  	s3 =	sld [smem:$0x3FFC];
	_ =	sdelay $0x3  }
0x94: {  	_ =	strace s3  }
0x95: {  	s3 =	sld [smem:$0x3FFD];
	_ =	sdelay $0x3  }
0x96: {  	_ =	strace s3  }
0x97: {  	_ =	strace $0x8FFFFFFF  }
0x98: {  	s19 =	sld [smem:$0x3FDB];
	_ =	sdelay $0x1  }
0x99: {  	s4 =	simm.s32 $_scs_section_size  }
0x9a: {  	s5 =	simm.s32 $_size__tile_overlayer_lowered;
	s6 =	simm.s32 $_tile_overlayer_lowered  }
0x9b: {  	s22 =	simm.s32 $0x1BFF;
	s21 =	sshll.u32 s6, $0x1;
	s3 =	sadd.s32 s4, s19  }
0x9c: {  	s7 =	simm.s32 $0x0;
	s20 =	sshll.u32 s5, $0x1;
	s5 =	sadd.s32 s21, s3  }
0x9d: {  	[timem:s7], [sflag:s22] =	dma.local [hbm:s5], s20  }
0x9e: {  	_ =	swait.ge [sflag:s22], s20  }
0x9f: {  	s4 =	ssub.s32 $0x0, s20;
	[sflag:s22] =	ssyncset.done $0x0  }
0xa0: {  	[sflag:s22] =	ssyncadd.s32 s4;
	_ =	sdelay $0x1  }
0xa1: {  	s23 =	simm.s32 $0x1B8B  }
0xa2: {  	_ =	swait.ge [sflag:s23], $0x1  }
0xa3: {  	[sflag:s23] =	ssyncset.done $0x0  }
0xa4: {  	s25 =	simm.s32 $0x1B8E;
	s24 =	sld [smem:$0x3FFE];
	[sflag:s23] =	ssyncadd.s32 $0xFFFFFFFF  }
0xa5: {  	s26 =	simm.s32 $execute0_lowered;
	[smem:$0x3FD2] =	sst s25  }
0xa6: {  	s5 =	sshll.u32 s26, $0x1;
	_ =	strace $0x80000046;
	[dreg:$0x1] =	wrdreg $0xFFFFFFFF  }
0xa7: {  	s28 =	simm.s32 $_size_execute0_lowered;
	s3 =	sadd.s32 s3, s5;
	[dreg:$0x0] =	wrdreg $0x0  }
0xa8: {  	s5 =	sshll.u32 s28, $0x1;
	[dreg:$0x2] =	wrdreg s3  }
0xa9: {  	[dreg:$0x3] =	wrdreg s5  }
0xaa: {  	[dreg:$0x4] =	wrdreg $0xC0  }
0xab: {  	_ =	task [dreg:s7], $0x5FFFF  }
0xac: {  	[dreg:$0x1] =	wrdreg $0xFFFFFFFF  }
0xad: {  	[dreg:$0x0] =	wrdreg $0x60  }
0xae: {  	[dreg:$0x2] =	wrdreg s24  }
0xaf: {  	[dreg:$0x3] =	wrdreg s2  }
0xb0: {  	[dreg:$0x4] =	wrdreg $0x9  }
0xb1: {  	_ =	task.clear_ibuf [dreg:s7], $0x5FFFF;
	_ =	strace $0x90000046  }
0xb2: {  	s29 =	simm.s32 $0x9;
	_ =	strace $0x80000048  }
0xb3: {  	_ =	swait.ge [sflag:s29], $0x1  }
0xb4: {  	[sflag:s29] =	ssyncadd.s32 $0xFFFFFFFF  }
0xb5: {  	_ =	strace $0x90000048  }
0xb6: {  	_ =	sfence  }
0xb7: {  	s30 =	sld [smem:$0x0];
	_ =	sdelay $0x2  }
0xb8: {  	s31 =	sshll.u32 s1, $0xD;
	s1 =	sshrl.u32 s1, $0x2  }
0xb9: {  	s3 =	sand.u32 $0x4000, s31;
	s1 =	sadd.s32 s1, s30  }
0xba: {  	s0 =	sor.u32 s3, s0;
	s1 =	sshll.u32 s1, $0x11  }
0xbb: {  	s0 =	sor.u32 s1, s0  }
0xbc: {  	s0 =	sadd.s32 $0x8F2B, s0  }
0xbd: {  	[sflag:s0] =	ssyncadd.remote.s32 $0x1  }
0xbe: {  	_ =	sfence.sel $0xFFFF  }
0xbf: {  	[dreg:$0x0] =	wrdreg $0xFFFFFFFF;
	(pc) =	sbr.abs _section_cstart, $3  }
0xc0: {  	[dreg:$0x1] =	wrdreg $0xFFFFFFFF  }
0xc1: {  	_ =	task.clear_ibuf [dreg:s7], $0x2FFFF;
	_ =	strace $0x9FFFFFFF  }
0xc2: {  	(tm) =	ssettm $0x7FFFFFFF  }
0xc3: {  	_ =	shalt  }
tec
execute0_lowered:
.L_overlay_start_1:
0x0: {  	(tag) =	ssettag $0x1  }
0x1: {  	s0 =	rddreg [dreg:$0x0]  }
0x2: {  	s1 =	srdreg.scid;
	s2 =	stileid.u32  }
0x3: {  	s12 =	simm.s32 $0x0;
	s13 =	simm.s32 $0x1;
	s14 =	simm.s32 $0x1900  }
0x4: {  	s17 =	simm.s32 $0x1000;
	s1 =	sand.u32 $0x1, s1;
	s2 =	sshll.u32 s2, $0x1  }
0x5: {  	[smem:$0x7FF] =	sst s12;
	s4 =	sadd.s32 $0x5E00, s0;
	s25 =	sadd.s32 $0x6000, s0  }
0x6: {  	s26 =	sadd.s32 $0x6800, s0;
	_ =	strace $0x80000047;
	[dreg:$0x3] =	wrdreg s4  }
0x7: {  	s28 =	sadd.s32 $0x6C00, s0;
	s2 =	sor.u32 s1, s2;
	[dreg:$0x4] =	wrdreg s25  }
0x8: {  	v2 =	vlaneseq.u32;
	[dreg:$0x5] =	wrdreg s26;
	s1 =	ssub.s32 $0x2, s1;
	s3 =	sshll.u32 s2, $0x9  }
0x9: {  	v0 =	vmul.u32 $0x6, v2;
	s2 =	smul.u32 $0xC0, s2;
	s29 =	sshrl.u32 s1, $0x1;
	s3 =	sadd.s32 s3, s0  }
0xa: {  	v1 =	vimm.f32 $0.0e+00;
	v2 =	vmul.u32 $0x2, v2;
	[dreg:$0x6] =	wrdreg s28;
	s1 =	ssub.s32 s1, s29;
	s30 =	sadd.s32 $0x1E00, s3  }
0xb: {  	v3 =	vor.u32 $0x1, v0;
	v4 =	vadd.s32 $0x2, v0;
	v5 =	vadd.s32 $0x3, v0;
	s0 =	sadd.s32 s2, s0;
	s31 =	smax.u32 s1, $0x1;
	[dreg:$0x7] =	wrdreg s30  }
0xc: {  	v6 =	vadd.s32 $0x4, v0;
	v7 =	vadd.s32 $0x5, v0;
	v8 =	vor.u32 $0x1, v2;
	s1 =	simm.s32 $0x5500;
	s0 =	sadd.s32 $0x6E00, s0;
	[dreg:$0x9] =	wrdreg s31  }
0xd: {  	v9 =	vor.u32 $0x21, v2;
	v10 =	vor.u32 $0x41, v2;
	v11 =	vor.u32 $0x61, v2;
	s2 =	simm.s32 $0x6900;
	[dreg:$0x8] =	wrdreg s0;
	s0 =	simm.s32 $0x0  }
.LBB2_1:
0xe: {  	[dreg:$0xa] =	wrdreg s0  }
0xf: {  	s4 =	rddreg [dreg:$0x7]  }
0x10: {  	[tilespmem:s12], [sflag:$0x1] =	stream.linear.gather [hbm4b:s4+s12], $0x1000, $0x38;
	[tilespmem:$0x6F80] =	vst v63  }
0x11: {  	_ =	swait.ge [sflag:s13], $0x1000  }
0x12: {  	[sflag:s13] =	ssyncset.done $0x0  }
0x13: {  	[sflag:s13] =	ssyncadd.s32 $0xFFFFF000  }
0x14: {  	s18 =	simm.s32 $0x1800;
	s25 =	rddreg [dreg:$0x1]  }
0x15: {  	[tilespmem:s18], [sflag:$0x1] =	stream.linear.gather [hbm4b:s25+s12], $0x80, $0x38;
	[tilespmem:$0x6F80] =	vst v63  }
0x16: {  	_ =	swait.ge [sflag:s13], $0x80  }
0x17: {  	[sflag:s13] =	ssyncset.done $0x0  }
0x18: {  	s28 =	simm.s32 $0x1880;
	s26 =	rddreg [dreg:$0x3];
	[sflag:s13] =	ssyncadd.s32 $0xFFFFFF80  }
0x19: {  	[tilespmem:s28], [sflag:$0x1] =	stream.linear.gather [hbm4b:s26+s12], $0x80, $0x38;
	[tilespmem:$0x6F80] =	vst v63  }
0x1a: {  	_ =	swait.ge [sflag:s13], $0x80  }
0x1b: {  	[sflag:s13] =	ssyncset.done $0x0  }
0x1c: {  	s29 =	rddreg [dreg:$0x4];
	[sflag:s13] =	ssyncadd.s32 $0xFFFFFF80  }
0x1d: {  	[tilespmem:s14], [sflag:$0x1] =	stream.linear.gather [hbm4b:s29+s12], $0x3C00, $0x38;
	[tilespmem:$0x6F80] =	vst v63  }
0x1e: {  	_ =	swait.ge [sflag:s13], $0x3C00  }
0x1f: {  	[sflag:s13] =	ssyncset.done $0x0  }
0x20: {  	s30 =	rddreg [dreg:$0x5];
	[sflag:s13] =	ssyncadd.s32 $0xFFFFC400  }
0x21: {  	[tilespmem:s1], [sflag:$0x1] =	stream.linear.gather [hbm4b:s30+s12], $0x1400, $0x38;
	[tilespmem:$0x6F80] =	vst v63  }
0x22: {  	_ =	swait.ge [sflag:s13], $0x1400  }
0x23: {  	[sflag:s13] =	ssyncset.done $0x0  }
0x24: {  	s31 =	rddreg [dreg:$0x6];
	[sflag:s13] =	ssyncadd.s32 $0xFFFFEC00  }
0x25: {  	[tilespmem:s2], [sflag:$0x1] =	stream.linear.gather [hbm4b:s31+s12], $0x80, $0x38;
	[tilespmem:$0x6F80] =	vst v63  }
0x26: {  	_ =	swait.ge [sflag:s13], $0x80  }
0x27: {  	[sflag:s13] =	ssyncset.done $0x0  }
0x28: {  	[sflag:s13] =	ssyncadd.s32 $0xFFFFFF80  }
0x29: {  	v12 =	vld [tilespmem:$0x1880]  }
0x2a: {  	v13 =	vld [tilespmem:$0x1890]  }
0x2b: {  	v14 =	vld [tilespmem:$0x18A0]  }
0x2c: {  	v15 =	vld [tilespmem:$0x18B0]  }
0x2d: {  	v16 =	vld [tilespmem:$0x18C0]  }
0x2e: {  	v17 =	vld [tilespmem:$0x18D0];
	v12 =	vmul.f32 v12, v12  }
0x2f: {  	v18 =	vld [tilespmem:$0x18E0];
	v13 =	vmul.f32 v13, v13  }
0x30: {  	v44 =	vld [tilespmem:$0x18F0];
	v43 =	vmul.f32 v14, v14;
	(erf) = vrcp.f32 v12  }
0x31: {  	v45 =	vmul.f32 v15, v15;
	(erf) = vrcp.f32 v13  }
0x32: {  	v46 =	vmul.f32 v16, v16;
	(erf) = vrcp.f32 v43  }
0x33: {  	v47 =	vmul.f32 v17, v17;
	(erf) = vrcp.f32 v45  }
0x34: {  	v48 =	vmul.f32 v18, v18;
	(erf) = vrcp.f32 v46  }
0x35: {  	v49 =	vmul.f32 v44, v44;
	(erf) = vrcp.f32 v47  }
0x36: {  	(erf) = vrcp.f32 v48  }
0x37: {  	(erf) = vrcp.f32 v49;
	_ =	sdelay $0x1  }
0x38: {  	v50 =	vpop (erf)  }
0x39: {  	v51 =	vpop (erf);
	v12 =	vmul.f32 $-5.000000000e-01, v50  }
0x3a: {  	v52 =	vpop (erf);
	v13 =	vmul.f32 $-5.000000000e-01, v51  }
0x3b: {  	v53 =	vpop (erf);
	[tilespmem:$0x1880] =	vst v12;
	v54 =	vmul.f32 $-5.000000000e-01, v52  }
0x3c: {  	v55 =	vpop (erf);
	[tilespmem:$0x1890] =	vst v13;
	v56 =	vmul.f32 $-5.000000000e-01, v53  }
0x3d: {  	v57 =	vpop (erf);
	[tilespmem:$0x18A0] =	vst v54;
	v58 =	vmul.f32 $-5.000000000e-01, v55  }
0x3e: {  	v59 =	vpop (erf);
	[tilespmem:$0x18B0] =	vst v56;
	v60 =	vmul.f32 $-5.000000000e-01, v57  }
0x3f: {  	[tilespmem:$0x18C0] =	vst v58;
	v61 =	vmul.f32 $-5.000000000e-01, v59;
	v62 =	vpop (erf)  }
0x40: {  	[tilespmem:$0x18D0] =	vst v60;
	v63 =	vmul.f32 $-5.000000000e-01, v62  }
0x41: {  	[tilespmem:$0x18E0] =	vst v61  }
0x42: {  	s18 =	simm.s32 $0x0;
	s12 =	simm.s32 $0x80;
	s13 =	simm.s32 $0x1040;
	[tilespmem:$0x18F0] =	vst v63  }
.LBB2_2:
0x43: {  	v12 =	vld [tilespmem:$0x1800]  }
0x44: {  	v13 =	vld [tilespmem:s12+$0xFFFFFF80]  }
0x45: {  	v14 =	vld [tilespmem:s12+$0x0];
	_ =	sdelay $0x2  }
0x46: {  	v15 =	vld [tilespmem:$0x1880]  }
0x47: {  	v13 =	vsub.f32 v13, v12  }
0x48: {  	v12 =	vsub.f32 v14, v12  }
0x49: {  	v13 =	vmul.f32 v13, v13  }
0x4a: {  	v12 =	vmul.f32 v12, v12  }
0x4b: {  	v13 =	vmul.f32 v13, v15  }
0x4c: {  	v12 =	vmul.f32 v12, v15  }
0x4d: {  	v13 =	vmul.f32 $1.442695020e+00, v13  }
0x4e: {  	v12 =	vmul.f32 $1.442695020e+00, v12  }
0x4f: {  	(erf) = vpow2.f32 v13  }
0x50: {  	(erf) = vpow2.f32 v12;
	_ =	sdelay $0x7  }
0x51: {  	v27 =	vpop (erf)  }
0x52: {  	v28 =	vpop (erf)  }
0x53: {  	v12 =	vpack.i.f32.bf16 v28, v27  }
0x54: {  	[tilespmem:s13+$0xFFFFFFC0] =	vst v12  }
0x55: {  	v12 =	vld [tilespmem:$0x1810]  }
0x56: {  	v29 =	vld [tilespmem:s12+$0xFFFFFF90]  }
0x57: {  	v30 =	vld [tilespmem:s12+$0x10];
	_ =	sdelay $0x2  }
0x58: {  	v31 =	vld [tilespmem:$0x1890]  }
0x59: {  	v13 =	vsub.f32 v29, v12  }
0x5a: {  	v12 =	vsub.f32 v30, v12  }
0x5b: {  	v13 =	vmul.f32 v13, v13  }
0x5c: {  	v12 =	vmul.f32 v12, v12  }
0x5d: {  	v13 =	vmul.f32 v13, v31  }
0x5e: {  	v12 =	vmul.f32 v12, v31  }
0x5f: {  	v13 =	vmul.f32 $1.442695020e+00, v13  }
0x60: {  	v12 =	vmul.f32 $1.442695020e+00, v12  }
0x61: {  	(erf) = vpow2.f32 v13  }
0x62: {  	(erf) = vpow2.f32 v12;
	_ =	sdelay $0x7  }
0x63: {  	v32 =	vpop (erf)  }
0x64: {  	v33 =	vpop (erf)  }
0x65: {  	v12 =	vpack.i.f32.bf16 v33, v32  }
0x66: {  	[tilespmem:s13+$0xFFFFFFD0] =	vst v12  }
0x67: {  	v12 =	vld [tilespmem:$0x1820]  }
0x68: {  	v34 =	vld [tilespmem:s12+$0xFFFFFFA0]  }
0x69: {  	v35 =	vld [tilespmem:s12+$0x20];
	_ =	sdelay $0x2  }
0x6a: {  	v36 =	vld [tilespmem:$0x18A0]  }
0x6b: {  	v13 =	vsub.f32 v34, v12  }
0x6c: {  	v12 =	vsub.f32 v35, v12  }
0x6d: {  	v13 =	vmul.f32 v13, v13  }
0x6e: {  	v12 =	vmul.f32 v12, v12  }
0x6f: {  	v13 =	vmul.f32 v13, v36  }
0x70: {  	v12 =	vmul.f32 v12, v36  }
0x71: {  	v13 =	vmul.f32 $1.442695020e+00, v13  }
0x72: {  	v12 =	vmul.f32 $1.442695020e+00, v12  }
0x73: {  	(erf) = vpow2.f32 v13  }
0x74: {  	(erf) = vpow2.f32 v12;
	_ =	sdelay $0x7  }
0x75: {  	v37 =	vpop (erf)  }
0x76: {  	v38 =	vpop (erf)  }
0x77: {  	v12 =	vpack.i.f32.bf16 v38, v37  }
0x78: {  	[tilespmem:s13+$0xFFFFFFE0] =	vst v12  }
0x79: {  	v12 =	vld [tilespmem:$0x1830]  }
0x7a: {  	v39 =	vld [tilespmem:s12+$0xFFFFFFB0]  }
0x7b: {  	v40 =	vld [tilespmem:s12+$0x30];
	_ =	sdelay $0x2  }
0x7c: {  	v41 =	vld [tilespmem:$0x18B0]  }
0x7d: {  	v13 =	vsub.f32 v39, v12  }
0x7e: {  	v12 =	vsub.f32 v40, v12  }
0x7f: {  	v13 =	vmul.f32 v13, v13  }
0x80: {  	v12 =	vmul.f32 v12, v12  }
0x81: {  	v13 =	vmul.f32 v13, v41  }
0x82: {  	v12 =	vmul.f32 v12, v41  }
0x83: {  	v13 =	vmul.f32 $1.442695020e+00, v13  }
0x84: {  	v12 =	vmul.f32 $1.442695020e+00, v12  }
0x85: {  	(erf) = vpow2.f32 v13  }
0x86: {  	(erf) = vpow2.f32 v12;
	_ =	sdelay $0x7  }
0x87: {  	v42 =	vpop (erf)  }
0x88: {  	v43 =	vpop (erf)  }
0x89: {  	v12 =	vpack.i.f32.bf16 v43, v42  }
0x8a: {  	[tilespmem:s13+$0xFFFFFFF0] =	vst v12  }
0x8b: {  	v12 =	vld [tilespmem:$0x1840]  }
0x8c: {  	v44 =	vld [tilespmem:s12+$0xFFFFFFC0]  }
0x8d: {  	v45 =	vld [tilespmem:s12+$0x40];
	_ =	sdelay $0x2  }
0x8e: {  	v46 =	vld [tilespmem:$0x18C0]  }
0x8f: {  	v13 =	vsub.f32 v44, v12  }
0x90: {  	v12 =	vsub.f32 v45, v12  }
0x91: {  	v13 =	vmul.f32 v13, v13  }
0x92: {  	v12 =	vmul.f32 v12, v12  }
0x93: {  	v13 =	vmul.f32 v13, v46  }
0x94: {  	v12 =	vmul.f32 v12, v46  }
0x95: {  	v13 =	vmul.f32 $1.442695020e+00, v13  }
0x96: {  	v12 =	vmul.f32 $1.442695020e+00, v12  }
0x97: {  	(erf) = vpow2.f32 v13  }
0x98: {  	(erf) = vpow2.f32 v12;
	_ =	sdelay $0x7  }
0x99: {  	v47 =	vpop (erf)  }
0x9a: {  	v48 =	vpop (erf)  }
0x9b: {  	v12 =	vpack.i.f32.bf16 v48, v47  }
0x9c: {  	[tilespmem:s13+$0x0] =	vst v12  }
0x9d: {  	v12 =	vld [tilespmem:$0x1850]  }
0x9e: {  	v49 =	vld [tilespmem:s12+$0xFFFFFFD0]  }
0x9f: {  	v50 =	vld [tilespmem:s12+$0x50];
	_ =	sdelay $0x2  }
0xa0: {  	v51 =	vld [tilespmem:$0x18D0]  }
0xa1: {  	v13 =	vsub.f32 v49, v12  }
0xa2: {  	v12 =	vsub.f32 v50, v12  }
0xa3: {  	v13 =	vmul.f32 v13, v13  }
0xa4: {  	v12 =	vmul.f32 v12, v12  }
0xa5: {  	v13 =	vmul.f32 v13, v51  }
0xa6: {  	v12 =	vmul.f32 v12, v51  }
0xa7: {  	v13 =	vmul.f32 $1.442695020e+00, v13  }
0xa8: {  	v12 =	vmul.f32 $1.442695020e+00, v12  }
0xa9: {  	(erf) = vpow2.f32 v13  }
0xaa: {  	(erf) = vpow2.f32 v12;
	_ =	sdelay $0x7  }
0xab: {  	v52 =	vpop (erf)  }
0xac: {  	v53 =	vpop (erf)  }
0xad: {  	v12 =	vpack.i.f32.bf16 v53, v52  }
0xae: {  	[tilespmem:s13+$0x10] =	vst v12  }
0xaf: {  	v12 =	vld [tilespmem:$0x1860]  }
0xb0: {  	v54 =	vld [tilespmem:s12+$0xFFFFFFE0]  }
0xb1: {  	v55 =	vld [tilespmem:s12+$0x60];
	_ =	sdelay $0x2  }
0xb2: {  	v56 =	vld [tilespmem:$0x18E0]  }
0xb3: {  	v13 =	vsub.f32 v54, v12  }
0xb4: {  	v12 =	vsub.f32 v55, v12  }
0xb5: {  	v13 =	vmul.f32 v13, v13  }
0xb6: {  	v12 =	vmul.f32 v12, v12  }
0xb7: {  	v13 =	vmul.f32 v13, v56  }
0xb8: {  	v12 =	vmul.f32 v12, v56  }
0xb9: {  	v13 =	vmul.f32 $1.442695020e+00, v13  }
0xba: {  	v12 =	vmul.f32 $1.442695020e+00, v12  }
0xbb: {  	(erf) = vpow2.f32 v13  }
0xbc: {  	(erf) = vpow2.f32 v12;
	_ =	sdelay $0x7  }
0xbd: {  	v57 =	vpop (erf)  }
0xbe: {  	v58 =	vpop (erf)  }
0xbf: {  	v12 =	vpack.i.f32.bf16 v58, v57  }
0xc0: {  	[tilespmem:s13+$0x20] =	vst v12  }
0xc1: {  	v12 =	vld [tilespmem:$0x1870]  }
0xc2: {  	v59 =	vld [tilespmem:s12+$0xFFFFFFF0]  }
0xc3: {  	v60 =	vld [tilespmem:s12+$0x70];
	_ =	sdelay $0x2  }
0xc4: {  	v61 =	vld [tilespmem:$0x18F0]  }
0xc5: {  	v13 =	vsub.f32 v59, v12  }
0xc6: {  	v12 =	vsub.f32 v60, v12  }
0xc7: {  	v13 =	vmul.f32 v13, v13  }
0xc8: {  	v12 =	vmul.f32 v12, v12  }
0xc9: {  	v13 =	vmul.f32 v13, v61  }
0xca: {  	v12 =	vmul.f32 v12, v61  }
0xcb: {  	v13 =	vmul.f32 $1.442695020e+00, v13  }
0xcc: {  	v12 =	vmul.f32 $1.442695020e+00, v12  }
0xcd: {  	(erf) = vpow2.f32 v13  }
0xce: {  	(erf) = vpow2.f32 v12;
	_ =	sdelay $0x7  }
0xcf: {  	v62 =	vpop (erf)  }
0xd0: {  	v63 =	vpop (erf)  }
0xd1: {  	v12 =	vpack.i.f32.bf16 v63, v62  }
0xd2: {  	s4 =	sshra.s32 s18, $0x2;
	[tilespmem:s13+$0x30] =	vst v12  }
0xd3: {  	p0 =	sne.s32 s18, $0x1680;
	[tilespmem:s4+$0x6980] =	vst v1  }
.Ltmp0:
0xd4: {  	[tilespmem:s4+$0x6990] =	vst v1;
	(pc) =	sbr.rel @p0 .LBB2_2-.Ltmp0, $4  }
0xd5: {  	[tilespmem:s4+$0x69A0] =	vst v1  }
0xd6: {  	[tilespmem:s4+$0x69B0] =	vst v1  }
0xd7: {  	[tilespmem:s4+$0x69C0] =	vst v1  }
0xd8: {  	s18 =	sadd.s32 $0x180, s18;
	s12 =	sadd.s32 $0x100, s12;
	s13 =	sadd.s32 $0x80, s13;
	[tilespmem:s4+$0x69D0] =	vst v1  }
0xd9: {  	s0 =	simm.s32 $0xFFFFFFFC;
	s13 =	simm.s32 $0x60;
	s18 =	simm.s32 $0x120  }
.LBB2_4:
0xda: {  	s4 =	sadd.s32 $0xFFFFFEE0, s18  }
0xdb: {  	v12 =	vor.u32 s4, v0  }
0xdc: {  	v13 =	vor.u32 s4, v3  }
0xdd: {  	v14 =	vor.u32 s4, v4  }
0xde: {  	v15 =	vor.u32 s4, v5  }
0xdf: {  	v16 =	vor.u32 s4, v6  }
0xe0: {  	s21 =	sadd.s32 $0xFFFFFFA0, s13;
	v19 =	vor.u32 s4, v7;
	v26 =	vld.idx.msk [tilespmem:v12+s14+$0x0], $0xffff  }
0xe1: {  	v29 =	vor.u32 s21, v2;
	v27 =	vld.idx.msk [tilespmem:v13+s14+$0x0], $0xffff  }
0xe2: {  	v30 =	vor.u32 s21, v8;
	v24 =	vld.idx.msk [tilespmem:v14+s14+$0x0], $0xffff  }
0xe3: {  	v25 =	vld.idx.msk [tilespmem:v15+s14+$0x0], $0xffff  }
0xe4: {  	v23 =	vld.idx.msk [tilespmem:v16+s14+$0x0], $0xffff  }
0xe5: {  	s11 =	simm.s32 $0x5500;
	v22 =	vld.idx.msk [tilespmem:v19+s14+$0x0], $0xffff  }
0xe6: {  	v31 =	vld.idx.msk [tilespmem:v29+s11+$0x0], $0xffff  }
0xe7: {  	v32 =	vld.idx.msk [tilespmem:v30+s11+$0x0], $0xffff  }
0xe8: {  	v33 =	vld.idx.msk [tilespmem:v26+s17+$0x0], $0xffff  }
0xe9: {  	v34 =	vld.idx.msk [tilespmem:v27+s17+$0x0], $0xffff  }
0xea: {  	v35 =	vld.idx.msk [tilespmem:v24+s17+$0x0], $0xffff  }
0xeb: {  	v17 =	vld.idx.msk [tilespmem:v25+s17+$0x0], $0xffff  }
0xec: {  	v18 =	vld.idx.msk [tilespmem:v23+s17+$0x0], $0xffff  }
0xed: {  	v19 =	vld.idx.msk [tilespmem:v22+s17+$0x0], $0xffff;
	_ =	sdelay $0x1  }
0xee: {  	[dreg:$0xb] =	wrdreg s0;
	s0 =	simm.s32 $0x6900  }
0xef: {  	v21 =	vld.idx.msk [tilespmem:v31+s0+$0x0], $0xffff  }
0xf0: {  	v20 =	vld.idx.msk [tilespmem:v32+s0+$0x0], $0xffff;
	v36 =	vmin.bf16 v33, v34;
	v37 =	vmin.bf16 v35, v17  }
0xf1: {  	v38 =	vmin.bf16 v18, v19;
	v12 =	vmin.bf16 v36, v37  }
0xf2: {  	v12 =	vmin.bf16 v12, v38  }
0xf3: {  	v39 =	vunpack.i.l.bf16.f32 v12  }
0xf4: {  	v40 =	vmul.f32 v39, v21  }
0xf5: {  	s1 =	simm.s32 $0x6980;
	v41 =	vmul.f32 v39, v20  }
0xf6: {  	s22 =	simm.s32 $0x6990;
	v12 =	vunpack.i.u.bf16.f32 v12;
	[tilespmem:s1+$0x0] =	vst.add.f32.msk $0xffff, v40  }
0xf7: {  	s23 =	simm.s32 $0x69A0;
	v43 =	vadd.s32 $0x80, v26;
	v42 =	vmul.f32 v12, v21;
	[tilespmem:s22+$0x0] =	vst.add.f32.msk $0xffff, v41  }
0xf8: {  	s24 =	simm.s32 $0x69B0;
	v45 =	vadd.s32 $0x80, v27;
	v44 =	vmul.f32 v12, v20;
	[tilespmem:s23+$0x0] =	vst.add.f32.msk $0xffff, v39  }
0xf9: {  	s25 =	simm.s32 $0x69C0;
	v46 =	vadd.s32 $0x80, v24;
	[tilespmem:s24+$0x0] =	vst.add.f32.msk $0xffff, v42  }
0xfa: {  	s26 =	simm.s32 $0x69D0;
	v47 =	vadd.s32 $0x80, v25;
	[tilespmem:s25+$0x0] =	vst.add.f32.msk $0xffff, v44  }
0xfb: {  	v48 =	vadd.s32 $0x80, v23;
	[tilespmem:s26+$0x0] =	vst.add.f32.msk $0xffff, v12  }
0xfc: {  	v49 =	vadd.s32 $0x80, v22;
	v15 =	vld.idx.msk [tilespmem:v43+s17+$0x0], $0xffff  }
0xfd: {  	v16 =	vld.idx.msk [tilespmem:v45+s17+$0x0], $0xffff  }
0xfe: {  	v14 =	vld.idx.msk [tilespmem:v46+s17+$0x0], $0xffff  }
0xff: {  	v13 =	vld.idx.msk [tilespmem:v47+s17+$0x0], $0xffff  }
0x100: {  	v12 =	vld.idx.msk [tilespmem:v48+s17+$0x0], $0xffff  }
0x101: {  	v17 =	vld.idx.msk [tilespmem:v49+s17+$0x0], $0xffff;
	_ =	sdelay $0x3  }
0x102: {  	v15 =	vmin.bf16 v15, v16;
	v13 =	vmin.bf16 v14, v13  }
0x103: {  	v12 =	vmin.bf16 v12, v17;
	v13 =	vmin.bf16 v15, v13  }
0x104: {  	v12 =	vmin.bf16 v13, v12  }
0x105: {  	v13 =	vunpack.i.l.bf16.f32 v12  }
0x106: {  	v50 =	vmul.f32 v13, v21  }
0x107: {  	s28 =	simm.s32 $0x69E0;
	v51 =	vmul.f32 v13, v20  }
0x108: {  	s29 =	simm.s32 $0x69F0;
	v12 =	vunpack.i.u.bf16.f32 v12;
	[tilespmem:s28+$0x0] =	vst.add.f32.msk $0xffff, v50  }
0x109: {  	s30 =	simm.s32 $0x6A00;
	v53 =	vadd.s32 $0x100, v26;
	v52 =	vmul.f32 v12, v21;
	[tilespmem:s29+$0x0] =	vst.add.f32.msk $0xffff, v51  }
0x10a: {  	s31 =	simm.s32 $0x6A10;
	v55 =	vadd.s32 $0x100, v27;
	v54 =	vmul.f32 v12, v20;
	[tilespmem:s30+$0x0] =	vst.add.f32.msk $0xffff, v13  }
0x10b: {  	s4 =	simm.s32 $0x6A20;
	v56 =	vadd.s32 $0x100, v24;
	[tilespmem:s31+$0x0] =	vst.add.f32.msk $0xffff, v52  }
0x10c: {  	s5 =	simm.s32 $0x6A30;
	v57 =	vadd.s32 $0x100, v25;
	[tilespmem:s4+$0x0] =	vst.add.f32.msk $0xffff, v54  }
0x10d: {  	v58 =	vadd.s32 $0x100, v23;
	[tilespmem:s5+$0x0] =	vst.add.f32.msk $0xffff, v12  }
0x10e: {  	v59 =	vadd.s32 $0x100, v22;
	v15 =	vld.idx.msk [tilespmem:v53+s17+$0x0], $0xffff  }
0x10f: {  	v16 =	vld.idx.msk [tilespmem:v55+s17+$0x0], $0xffff  }
0x110: {  	v14 =	vld.idx.msk [tilespmem:v56+s17+$0x0], $0xffff  }
0x111: {  	v13 =	vld.idx.msk [tilespmem:v57+s17+$0x0], $0xffff  }
0x112: {  	v12 =	vld.idx.msk [tilespmem:v58+s17+$0x0], $0xffff  }
0x113: {  	v17 =	vld.idx.msk [tilespmem:v59+s17+$0x0], $0xffff;
	_ =	sdelay $0x3  }
0x114: {  	v15 =	vmin.bf16 v15, v16;
	v13 =	vmin.bf16 v14, v13  }
0x115: {  	v12 =	vmin.bf16 v12, v17;
	v13 =	vmin.bf16 v15, v13  }
0x116: {  	v12 =	vmin.bf16 v13, v12  }
0x117: {  	v13 =	vunpack.i.l.bf16.f32 v12  }
0x118: {  	v60 =	vmul.f32 v13, v21  }
0x119: {  	s8 =	simm.s32 $0x6A40;
	v61 =	vmul.f32 v13, v20  }
0x11a: {  	s10 =	simm.s32 $0x6A50;
	v12 =	vunpack.i.u.bf16.f32 v12;
	[tilespmem:s8+$0x0] =	vst.add.f32.msk $0xffff, v60  }
0x11b: {  	s16 =	simm.s32 $0x6A60;
	v63 =	vadd.s32 $0x180, v26;
	v62 =	vmul.f32 v12, v21;
	[tilespmem:s10+$0x0] =	vst.add.f32.msk $0xffff, v61  }
0x11c: {  	s19 =	simm.s32 $0x6A70;
	v29 =	vadd.s32 $0x180, v27;
	v28 =	vmul.f32 v12, v20;
	[tilespmem:s16+$0x0] =	vst.add.f32.msk $0xffff, v13  }
0x11d: {  	s20 =	simm.s32 $0x6A80;
	v30 =	vadd.s32 $0x180, v24;
	[tilespmem:s19+$0x0] =	vst.add.f32.msk $0xffff, v62  }
0x11e: {  	s21 =	simm.s32 $0x6A90;
	v31 =	vadd.s32 $0x180, v25;
	[tilespmem:s20+$0x0] =	vst.add.f32.msk $0xffff, v28  }
0x11f: {  	v32 =	vadd.s32 $0x180, v23;
	[tilespmem:s21+$0x0] =	vst.add.f32.msk $0xffff, v12  }
0x120: {  	v33 =	vadd.s32 $0x180, v22;
	v15 =	vld.idx.msk [tilespmem:v63+s17+$0x0], $0xffff  }
0x121: {  	v16 =	vld.idx.msk [tilespmem:v29+s17+$0x0], $0xffff  }
0x122: {  	v14 =	vld.idx.msk [tilespmem:v30+s17+$0x0], $0xffff  }
0x123: {  	v13 =	vld.idx.msk [tilespmem:v31+s17+$0x0], $0xffff  }
0x124: {  	v12 =	vld.idx.msk [tilespmem:v32+s17+$0x0], $0xffff  }
0x125: {  	v17 =	vld.idx.msk [tilespmem:v33+s17+$0x0], $0xffff;
	_ =	sdelay $0x3  }
0x126: {  	v15 =	vmin.bf16 v15, v16;
	v13 =	vmin.bf16 v14, v13  }
0x127: {  	v12 =	vmin.bf16 v12, v17;
	v13 =	vmin.bf16 v15, v13  }
0x128: {  	v12 =	vmin.bf16 v13, v12  }
0x129: {  	v13 =	vunpack.i.l.bf16.f32 v12  }
0x12a: {  	v34 =	vmul.f32 v13, v21  }
0x12b: {  	s22 =	simm.s32 $0x6AA0;
	v35 =	vmul.f32 v13, v20  }
0x12c: {  	s23 =	simm.s32 $0x6AB0;
	v12 =	vunpack.i.u.bf16.f32 v12;
	[tilespmem:s22+$0x0] =	vst.add.f32.msk $0xffff, v34  }
0x12d: {  	v37 =	vadd.s32 $0x200, v26;
	s26 =	simm.s32 $0x6AC0;
	v36 =	vmul.f32 v12, v21;
	[tilespmem:s23+$0x0] =	vst.add.f32.msk $0xffff, v35  }
0x12e: {  	v39 =	vadd.s32 $0x200, v27;
	s28 =	simm.s32 $0x6AD0;
	v38 =	vmul.f32 v12, v20;
	[tilespmem:s26+$0x0] =	vst.add.f32.msk $0xffff, v13  }
0x12f: {  	v40 =	vadd.s32 $0x200, v24;
	s4 =	simm.s32 $0x6AE0;
	[tilespmem:s28+$0x0] =	vst.add.f32.msk $0xffff, v36  }
0x130: {  	v41 =	vadd.s32 $0x200, v25;
	s5 =	simm.s32 $0x6AF0;
	[tilespmem:s4+$0x0] =	vst.add.f32.msk $0xffff, v38  }
0x131: {  	v42 =	vadd.s32 $0x200, v23;
	[tilespmem:s5+$0x0] =	vst.add.f32.msk $0xffff, v12  }
0x132: {  	v43 =	vadd.s32 $0x200, v22;
	v15 =	vld.idx.msk [tilespmem:v37+s17+$0x0], $0xffff  }
0x133: {  	v16 =	vld.idx.msk [tilespmem:v39+s17+$0x0], $0xffff  }
0x134: {  	v14 =	vld.idx.msk [tilespmem:v40+s17+$0x0], $0xffff  }
0x135: {  	v13 =	vld.idx.msk [tilespmem:v41+s17+$0x0], $0xffff  }
0x136: {  	v12 =	vld.idx.msk [tilespmem:v42+s17+$0x0], $0xffff  }
0x137: {  	v17 =	vld.idx.msk [tilespmem:v43+s17+$0x0], $0xffff;
	_ =	sdelay $0x3  }
0x138: {  	v15 =	vmin.bf16 v15, v16;
	v13 =	vmin.bf16 v14, v13  }
0x139: {  	v12 =	vmin.bf16 v12, v17;
	v13 =	vmin.bf16 v15, v13  }
0x13a: {  	v12 =	vmin.bf16 v13, v12  }
0x13b: {  	v13 =	vunpack.i.l.bf16.f32 v12  }
0x13c: {  	v44 =	vmul.f32 v13, v21  }
0x13d: {  	s8 =	simm.s32 $0x6B00;
	v45 =	vmul.f32 v13, v20  }
0x13e: {  	s10 =	simm.s32 $0x6B10;
	v12 =	vunpack.i.u.bf16.f32 v12;
	[tilespmem:s8+$0x0] =	vst.add.f32.msk $0xffff, v44  }
0x13f: {  	v47 =	vadd.s32 $0x280, v26;
	s16 =	simm.s32 $0x6B20;
	v46 =	vmul.f32 v12, v21;
	[tilespmem:s10+$0x0] =	vst.add.f32.msk $0xffff, v45  }
0x140: {  	v49 =	vadd.s32 $0x280, v27;
	s19 =	simm.s32 $0x6B30;
	v48 =	vmul.f32 v12, v20;
	[tilespmem:s16+$0x0] =	vst.add.f32.msk $0xffff, v13  }
0x141: {  	v50 =	vadd.s32 $0x280, v24;
	s20 =	simm.s32 $0x6B40;
	[tilespmem:s19+$0x0] =	vst.add.f32.msk $0xffff, v46  }
0x142: {  	v51 =	vadd.s32 $0x280, v25;
	s22 =	simm.s32 $0x6B50;
	[tilespmem:s20+$0x0] =	vst.add.f32.msk $0xffff, v48  }
0x143: {  	v52 =	vadd.s32 $0x280, v23;
	[tilespmem:s22+$0x0] =	vst.add.f32.msk $0xffff, v12  }
0x144: {  	v53 =	vadd.s32 $0x280, v22;
	v15 =	vld.idx.msk [tilespmem:v47+s17+$0x0], $0xffff  }
0x145: {  	v16 =	vld.idx.msk [tilespmem:v49+s17+$0x0], $0xffff  }
0x146: {  	v14 =	vld.idx.msk [tilespmem:v50+s17+$0x0], $0xffff  }
0x147: {  	v13 =	vld.idx.msk [tilespmem:v51+s17+$0x0], $0xffff  }
0x148: {  	v12 =	vld.idx.msk [tilespmem:v52+s17+$0x0], $0xffff  }
0x149: {  	v17 =	vld.idx.msk [tilespmem:v53+s17+$0x0], $0xffff;
	_ =	sdelay $0x3  }
0x14a: {  	v15 =	vmin.bf16 v15, v16;
	v13 =	vmin.bf16 v14, v13  }
0x14b: {  	v12 =	vmin.bf16 v12, v17;
	v13 =	vmin.bf16 v15, v13  }
0x14c: {  	v12 =	vmin.bf16 v13, v12  }
0x14d: {  	v13 =	vunpack.i.l.bf16.f32 v12  }
0x14e: {  	v54 =	vmul.f32 v13, v21  }
0x14f: {  	s23 =	simm.s32 $0x6B60;
	v55 =	vmul.f32 v13, v20  }
0x150: {  	s4 =	simm.s32 $0x6B70;
	v12 =	vunpack.i.u.bf16.f32 v12;
	[tilespmem:s23+$0x0] =	vst.add.f32.msk $0xffff, v54  }
0x151: {  	v57 =	vadd.s32 $0x300, v26;
	s5 =	simm.s32 $0x6B80;
	v56 =	vmul.f32 v12, v21;
	[tilespmem:s4+$0x0] =	vst.add.f32.msk $0xffff, v55  }
0x152: {  	v59 =	vadd.s32 $0x300, v27;
	s8 =	simm.s32 $0x6B90;
	v58 =	vmul.f32 v12, v20;
	[tilespmem:s5+$0x0] =	vst.add.f32.msk $0xffff, v13  }
0x153: {  	v60 =	vadd.s32 $0x300, v24;
	s19 =	simm.s32 $0x6BA0;
	[tilespmem:s8+$0x0] =	vst.add.f32.msk $0xffff, v56  }
0x154: {  	v61 =	vadd.s32 $0x300, v25;
	s20 =	simm.s32 $0x6BB0;
	[tilespmem:s19+$0x0] =	vst.add.f32.msk $0xffff, v58  }
0x155: {  	v62 =	vadd.s32 $0x300, v23;
	[tilespmem:s20+$0x0] =	vst.add.f32.msk $0xffff, v12  }
0x156: {  	v63 =	vadd.s32 $0x300, v22;
	v15 =	vld.idx.msk [tilespmem:v57+s17+$0x0], $0xffff  }
0x157: {  	v16 =	vld.idx.msk [tilespmem:v59+s17+$0x0], $0xffff  }
0x158: {  	v14 =	vld.idx.msk [tilespmem:v60+s17+$0x0], $0xffff  }
0x159: {  	v13 =	vld.idx.msk [tilespmem:v61+s17+$0x0], $0xffff  }
0x15a: {  	v12 =	vld.idx.msk [tilespmem:v62+s17+$0x0], $0xffff  }
0x15b: {  	v17 =	vld.idx.msk [tilespmem:v63+s17+$0x0], $0xffff;
	_ =	sdelay $0x3  }
0x15c: {  	v15 =	vmin.bf16 v15, v16;
	v13 =	vmin.bf16 v14, v13  }
0x15d: {  	v12 =	vmin.bf16 v12, v17;
	v13 =	vmin.bf16 v15, v13  }
0x15e: {  	v12 =	vmin.bf16 v13, v12  }
0x15f: {  	v13 =	vunpack.i.l.bf16.f32 v12  }
0x160: {  	v18 =	vmul.f32 v13, v21  }
0x161: {  	s22 =	simm.s32 $0x6BC0;
	v19 =	vmul.f32 v13, v20  }
0x162: {  	s23 =	simm.s32 $0x6BD0;
	v12 =	vunpack.i.u.bf16.f32 v12;
	[tilespmem:s22+$0x0] =	vst.add.f32.msk $0xffff, v18  }
0x163: {  	v29 =	vadd.s32 $0x380, v26;
	s4 =	simm.s32 $0x6BE0;
	v28 =	vmul.f32 v12, v21;
	[tilespmem:s23+$0x0] =	vst.add.f32.msk $0xffff, v19  }
0x164: {  	v31 =	vadd.s32 $0x380, v27;
	s5 =	simm.s32 $0x6BF0;
	v30 =	vmul.f32 v12, v20;
	[tilespmem:s4+$0x0] =	vst.add.f32.msk $0xffff, v13  }
0x165: {  	v32 =	vadd.s32 $0x380, v24;
	s8 =	simm.s32 $0x6C00;
	[tilespmem:s5+$0x0] =	vst.add.f32.msk $0xffff, v28  }
0x166: {  	v33 =	vadd.s32 $0x380, v25;
	s22 =	simm.s32 $0x6C10;
	[tilespmem:s8+$0x0] =	vst.add.f32.msk $0xffff, v30  }
0x167: {  	v34 =	vadd.s32 $0x380, v23;
	[tilespmem:s22+$0x0] =	vst.add.f32.msk $0xffff, v12  }
0x168: {  	v35 =	vadd.s32 $0x380, v22;
	v15 =	vld.idx.msk [tilespmem:v29+s17+$0x0], $0xffff  }
0x169: {  	v16 =	vld.idx.msk [tilespmem:v31+s17+$0x0], $0xffff  }
0x16a: {  	v14 =	vld.idx.msk [tilespmem:v32+s17+$0x0], $0xffff  }
0x16b: {  	v13 =	vld.idx.msk [tilespmem:v33+s17+$0x0], $0xffff  }
0x16c: {  	v12 =	vld.idx.msk [tilespmem:v34+s17+$0x0], $0xffff  }
0x16d: {  	v17 =	vld.idx.msk [tilespmem:v35+s17+$0x0], $0xffff;
	_ =	sdelay $0x3  }
0x16e: {  	v15 =	vmin.bf16 v15, v16;
	v13 =	vmin.bf16 v14, v13  }
0x16f: {  	v12 =	vmin.bf16 v12, v17;
	v13 =	vmin.bf16 v15, v13  }
0x170: {  	v12 =	vmin.bf16 v13, v12  }
0x171: {  	v13 =	vunpack.i.l.bf16.f32 v12  }
0x172: {  	v36 =	vmul.f32 v13, v21  }
0x173: {  	s23 =	simm.s32 $0x6C20;
	v37 =	vmul.f32 v13, v20  }
0x174: {  	s4 =	simm.s32 $0x6C30;
	v12 =	vunpack.i.u.bf16.f32 v12;
	[tilespmem:s23+$0x0] =	vst.add.f32.msk $0xffff, v36  }
0x175: {  	v39 =	vadd.s32 $0x400, v26;
	s5 =	simm.s32 $0x6C40;
	v38 =	vmul.f32 v12, v21;
	[tilespmem:s4+$0x0] =	vst.add.f32.msk $0xffff, v37  }
0x176: {  	v41 =	vadd.s32 $0x400, v27;
	s8 =	simm.s32 $0x6C50;
	v40 =	vmul.f32 v12, v20;
	[tilespmem:s5+$0x0] =	vst.add.f32.msk $0xffff, v13  }
0x177: {  	v42 =	vadd.s32 $0x400, v24;
	s22 =	simm.s32 $0x6C60;
	[tilespmem:s8+$0x0] =	vst.add.f32.msk $0xffff, v38  }
0x178: {  	v43 =	vadd.s32 $0x400, v25;
	s23 =	simm.s32 $0x6C70;
	[tilespmem:s22+$0x0] =	vst.add.f32.msk $0xffff, v40  }
0x179: {  	v44 =	vadd.s32 $0x400, v23;
	[tilespmem:s23+$0x0] =	vst.add.f32.msk $0xffff, v12  }
0x17a: {  	v45 =	vadd.s32 $0x400, v22;
	v15 =	vld.idx.msk [tilespmem:v39+s17+$0x0], $0xffff  }
0x17b: {  	v16 =	vld.idx.msk [tilespmem:v41+s17+$0x0], $0xffff  }
0x17c: {  	v14 =	vld.idx.msk [tilespmem:v42+s17+$0x0], $0xffff  }
0x17d: {  	v13 =	vld.idx.msk [tilespmem:v43+s17+$0x0], $0xffff  }
0x17e: {  	v12 =	vld.idx.msk [tilespmem:v44+s17+$0x0], $0xffff  }
0x17f: {  	v17 =	vld.idx.msk [tilespmem:v45+s17+$0x0], $0xffff;
	_ =	sdelay $0x3  }
0x180: {  	v15 =	vmin.bf16 v15, v16;
	v13 =	vmin.bf16 v14, v13  }
0x181: {  	v12 =	vmin.bf16 v12, v17;
	v13 =	vmin.bf16 v15, v13  }
0x182: {  	v12 =	vmin.bf16 v13, v12  }
0x183: {  	v13 =	vunpack.i.l.bf16.f32 v12  }
0x184: {  	v46 =	vmul.f32 v13, v21  }
0x185: {  	s4 =	simm.s32 $0x6C80;
	v47 =	vmul.f32 v13, v20  }
0x186: {  	s5 =	simm.s32 $0x6C90;
	v12 =	vunpack.i.u.bf16.f32 v12;
	[tilespmem:s4+$0x0] =	vst.add.f32.msk $0xffff, v46  }
0x187: {  	v49 =	vadd.s32 $0x480, v26;
	s8 =	simm.s32 $0x6CA0;
	v48 =	vmul.f32 v12, v21;
	[tilespmem:s5+$0x0] =	vst.add.f32.msk $0xffff, v47  }
0x188: {  	v51 =	vadd.s32 $0x480, v27;
	s22 =	simm.s32 $0x6CB0;
	v50 =	vmul.f32 v12, v20;
	[tilespmem:s8+$0x0] =	vst.add.f32.msk $0xffff, v13  }
0x189: {  	v52 =	vadd.s32 $0x480, v24;
	s23 =	simm.s32 $0x6CC0;
	[tilespmem:s22+$0x0] =	vst.add.f32.msk $0xffff, v48  }
0x18a: {  	v53 =	vadd.s32 $0x480, v25;
	s4 =	simm.s32 $0x6CD0;
	[tilespmem:s23+$0x0] =	vst.add.f32.msk $0xffff, v50  }
0x18b: {  	v54 =	vadd.s32 $0x480, v23;
	[tilespmem:s4+$0x0] =	vst.add.f32.msk $0xffff, v12  }
0x18c: {  	v55 =	vadd.s32 $0x480, v22;
	v15 =	vld.idx.msk [tilespmem:v49+s17+$0x0], $0xffff  }
0x18d: {  	v16 =	vld.idx.msk [tilespmem:v51+s17+$0x0], $0xffff  }
0x18e: {  	v14 =	vld.idx.msk [tilespmem:v52+s17+$0x0], $0xffff  }
0x18f: {  	v13 =	vld.idx.msk [tilespmem:v53+s17+$0x0], $0xffff  }
0x190: {  	v12 =	vld.idx.msk [tilespmem:v54+s17+$0x0], $0xffff  }
0x191: {  	v17 =	vld.idx.msk [tilespmem:v55+s17+$0x0], $0xffff;
	_ =	sdelay $0x3  }
0x192: {  	v15 =	vmin.bf16 v15, v16;
	v13 =	vmin.bf16 v14, v13  }
0x193: {  	v12 =	vmin.bf16 v12, v17;
	v13 =	vmin.bf16 v15, v13  }
0x194: {  	v12 =	vmin.bf16 v13, v12  }
0x195: {  	v13 =	vunpack.i.l.bf16.f32 v12  }
0x196: {  	v56 =	vmul.f32 v13, v21  }
0x197: {  	s5 =	simm.s32 $0x6CE0;
	v57 =	vmul.f32 v13, v20  }
0x198: {  	s8 =	simm.s32 $0x6CF0;
	v12 =	vunpack.i.u.bf16.f32 v12;
	[tilespmem:s5+$0x0] =	vst.add.f32.msk $0xffff, v56  }
0x199: {  	v59 =	vadd.s32 $0x500, v26;
	s22 =	simm.s32 $0x6D00;
	v58 =	vmul.f32 v12, v21;
	[tilespmem:s8+$0x0] =	vst.add.f32.msk $0xffff, v57  }
0x19a: {  	v61 =	vadd.s32 $0x500, v27;
	s23 =	simm.s32 $0x6D10;
	v60 =	vmul.f32 v12, v20;
	[tilespmem:s22+$0x0] =	vst.add.f32.msk $0xffff, v13  }
0x19b: {  	s1 =	simm.s32 $0x6D20;
	v62 =	vadd.s32 $0x500, v24;
	[tilespmem:s23+$0x0] =	vst.add.f32.msk $0xffff, v58  }
0x19c: {  	v63 =	vadd.s32 $0x500, v25;
	s5 =	simm.s32 $0x6D30;
	[tilespmem:s1+$0x0] =	vst.add.f32.msk $0xffff, v60  }
0x19d: {  	v28 =	vadd.s32 $0x500, v23;
	[tilespmem:s5+$0x0] =	vst.add.f32.msk $0xffff, v12  }
0x19e: {  	v29 =	vadd.s32 $0x500, v22;
	v15 =	vld.idx.msk [tilespmem:v59+s17+$0x0], $0xffff  }
0x19f: {  	v16 =	vld.idx.msk [tilespmem:v61+s17+$0x0], $0xffff  }
0x1a0: {  	v14 =	vld.idx.msk [tilespmem:v62+s17+$0x0], $0xffff  }
0x1a1: {  	v13 =	vld.idx.msk [tilespmem:v63+s17+$0x0], $0xffff  }
0x1a2: {  	v12 =	vld.idx.msk [tilespmem:v28+s17+$0x0], $0xffff  }
0x1a3: {  	v17 =	vld.idx.msk [tilespmem:v29+s17+$0x0], $0xffff;
	_ =	sdelay $0x2  }
0x1a4: {  	s4 =	sadd.s32 $0xFFFFFF40, s18  }
0x1a5: {  	v46 =	vadd.s32 s4, v4;
	v15 =	vmin.bf16 v15, v16;
	v13 =	vmin.bf16 v14, v13  }
0x1a6: {  	v12 =	vmin.bf16 v12, v17;
	v13 =	vmin.bf16 v15, v13  }
0x1a7: {  	v12 =	vmin.bf16 v13, v12  }
0x1a8: {  	v13 =	vunpack.i.l.bf16.f32 v12  }
0x1a9: {  	v30 =	vmul.f32 v13, v21  }
0x1aa: {  	v18 =	vld.idx.msk [tilespmem:v46+s14+$0x0], $0xffff;
	s8 =	simm.s32 $0x6D40;
	v31 =	vmul.f32 v13, v20  }
0x1ab: {  	s22 =	simm.s32 $0x6D50;
	v12 =	vunpack.i.u.bf16.f32 v12;
	[tilespmem:s8+$0x0] =	vst.add.f32.msk $0xffff, v30  }
0x1ac: {  	v33 =	vadd.s32 $0x580, v26;
	s23 =	simm.s32 $0x6D60;
	v32 =	vmul.f32 v12, v21;
	[tilespmem:s22+$0x0] =	vst.add.f32.msk $0xffff, v31  }
0x1ad: {  	v35 =	vadd.s32 $0x580, v27;
	s1 =	simm.s32 $0x6D70;
	v34 =	vmul.f32 v12, v20;
	[tilespmem:s23+$0x0] =	vst.add.f32.msk $0xffff, v13  }
0x1ae: {  	v36 =	vadd.s32 $0x580, v24;
	s5 =	simm.s32 $0x6D80;
	[tilespmem:s1+$0x0] =	vst.add.f32.msk $0xffff, v32  }
0x1af: {  	v37 =	vadd.s32 $0x580, v25;
	s8 =	simm.s32 $0x6D90;
	[tilespmem:s5+$0x0] =	vst.add.f32.msk $0xffff, v34  }
0x1b0: {  	v38 =	vadd.s32 $0x580, v23;
	[tilespmem:s8+$0x0] =	vst.add.f32.msk $0xffff, v12  }
0x1b1: {  	v39 =	vadd.s32 $0x580, v22;
	v15 =	vld.idx.msk [tilespmem:v33+s17+$0x0], $0xffff  }
0x1b2: {  	v16 =	vld.idx.msk [tilespmem:v35+s17+$0x0], $0xffff  }
0x1b3: {  	v14 =	vld.idx.msk [tilespmem:v36+s17+$0x0], $0xffff  }
0x1b4: {  	v13 =	vld.idx.msk [tilespmem:v37+s17+$0x0], $0xffff  }
0x1b5: {  	v47 =	vadd.s32 s4, v5;
	v12 =	vld.idx.msk [tilespmem:v38+s17+$0x0], $0xffff  }
0x1b6: {  	v17 =	vld.idx.msk [tilespmem:v39+s17+$0x0], $0xffff;
	_ =	sdelay $0x1  }
0x1b7: {  	v44 =	vadd.s32 s4, v3  }
0x1b8: {  	v48 =	vadd.s32 s4, v6  }
0x1b9: {  	v49 =	vadd.s32 s4, v7;
	v19 =	vld.idx.msk [tilespmem:v47+s14+$0x0], $0xffff;
	v15 =	vmin.bf16 v15, v16;
	v13 =	vmin.bf16 v14, v13  }
0x1ba: {  	v12 =	vmin.bf16 v12, v17;
	v13 =	vmin.bf16 v15, v13  }
0x1bb: {  	v32 =	vld.idx.msk [tilespmem:v18+s17+$0x0], $0xffff;
	v12 =	vmin.bf16 v13, v12  }
0x1bc: {  	v17 =	vld.idx.msk [tilespmem:v44+s14+$0x0], $0xffff;
	v13 =	vunpack.i.l.bf16.f32 v12  }
0x1bd: {  	v42 =	vadd.s32 s4, v0;
	v16 =	vld.idx.msk [tilespmem:v48+s14+$0x0], $0xffff;
	v40 =	vmul.f32 v13, v21  }
0x1be: {  	s8 =	simm.s32 $0x6DA0;
	v14 =	vld.idx.msk [tilespmem:v49+s14+$0x0], $0xffff;
	v41 =	vmul.f32 v13, v20  }
0x1bf: {  	s22 =	simm.s32 $0x6DB0;
	[tilespmem:s8+$0x0] =	vst.add.f32.msk $0xffff, v40  }
0x1c0: {  	[tilespmem:s22+$0x0] =	vst.add.f32.msk $0xffff, v41;
	s22 =	sadd.s32 $0xFFFFFFC0, s13  }
0x1c1: {  	v33 =	vld.idx.msk [tilespmem:v19+s17+$0x0], $0xffff;
	v28 =	vor.u32 s22, v2  }
0x1c2: {  	s23 =	simm.s32 $0x6DC0;
	v15 =	vld.idx.msk [tilespmem:v42+s14+$0x0], $0xffff;
	v29 =	vor.u32 s22, v9  }
0x1c3: {  	[tilespmem:s23+$0x0] =	vst.add.f32.msk $0xffff, v13  }
0x1c4: {  	v30 =	vld.idx.msk [tilespmem:v17+s17+$0x0], $0xffff  }
0x1c5: {  	v34 =	vld.idx.msk [tilespmem:v16+s17+$0x0], $0xffff  }
0x1c6: {  	v12 =	vunpack.i.u.bf16.f32 v12;
	v50 =	vld.idx.msk [tilespmem:v28+s11+$0x0], $0xffff  }
0x1c7: {  	v43 =	vmul.f32 v12, v21;
	v51 =	vld.idx.msk [tilespmem:v29+s11+$0x0], $0xffff  }
0x1c8: {  	v31 =	vadd.s32 $0x600, v26;
	s1 =	simm.s32 $0x6DD0;
	v36 =	vld.idx.msk [tilespmem:v14+s17+$0x0], $0xffff  }
0x1c9: {  	v45 =	vmul.f32 v12, v20;
	[tilespmem:s1+$0x0] =	vst.add.f32.msk $0xffff, v43  }
0x1ca: {  	s5 =	simm.s32 $0x6DE0;
	v52 =	vld.idx.msk [tilespmem:v15+s17+$0x0], $0xffff  }
0x1cb: {  	v35 =	vadd.s32 $0x600, v27;
	s23 =	simm.s32 $0x6DF0;
	[tilespmem:s5+$0x0] =	vst.add.f32.msk $0xffff, v45  }
0x1cc: {  	v37 =	vadd.s32 $0x600, v24;
	[tilespmem:s23+$0x0] =	vst.add.f32.msk $0xffff, v12  }
0x1cd: {  	v38 =	vadd.s32 $0x600, v25;
	v31 =	vld.idx.msk [tilespmem:v31+s17+$0x0], $0xffff  }
0x1ce: {  	v39 =	vadd.s32 $0x600, v23;
	v13 =	vld.idx.msk [tilespmem:v50+s0+$0x0], $0xffff  }
0x1cf: {  	v54 =	vmin.bf16 v32, v33;
	v40 =	vadd.s32 $0x600, v22;
	v53 =	vmin.bf16 v52, v30;
	v12 =	vld.idx.msk [tilespmem:v51+s0+$0x0], $0xffff  }
0x1d0: {  	v55 =	vld.idx.msk [tilespmem:v35+s17+$0x0], $0xffff;
	v56 =	vmin.bf16 v34, v36;
	v28 =	vmin.bf16 v53, v54  }
0x1d1: {  	v57 =	vld.idx.msk [tilespmem:v37+s17+$0x0], $0xffff;
	v28 =	vmin.bf16 v28, v56  }
0x1d2: {  	v58 =	vld.idx.msk [tilespmem:v38+s17+$0x0], $0xffff;
	v59 =	vunpack.i.l.bf16.f32 v28  }
0x1d3: {  	v60 =	vld.idx.msk [tilespmem:v39+s17+$0x0], $0xffff;
	v61 =	vmul.f32 v59, v13  }
0x1d4: {  	s5 =	simm.s32 $0x6980;
	v62 =	vld.idx.msk [tilespmem:v40+s17+$0x0], $0xffff;
	v63 =	vmul.f32 v59, v12  }
0x1d5: {  	s3 =	simm.s32 $0x6990;
	v28 =	vunpack.i.u.bf16.f32 v28;
	[tilespmem:s5+$0x0] =	vst.add.f32.msk $0xffff, v61  }
0x1d6: {  	v41 =	vadd.s32 $0x80, v15;
	v40 =	vmul.f32 v28, v13;
	[tilespmem:s3+$0x0] =	vst.add.f32.msk $0xffff, v63;
	s3 =	simm.s32 $0x69A0  }
0x1d7: {  	s2 =	simm.s32 $0x69B0;
	v43 =	vadd.s32 $0x80, v17;
	v42 =	vmul.f32 v28, v12;
	[tilespmem:s3+$0x0] =	vst.add.f32.msk $0xffff, v59  }
0x1d8: {  	v44 =	vadd.s32 $0x80, v18;
	[tilespmem:s2+$0x0] =	vst.add.f32.msk $0xffff, v40;
	s2 =	simm.s32 $0x69C0  }
0x1d9: {  	s6 =	simm.s32 $0x69D0;
	v45 =	vadd.s32 $0x80, v19;
	[tilespmem:s2+$0x0] =	vst.add.f32.msk $0xffff, v42  }
0x1da: {  	v46 =	vadd.s32 $0x80, v16;
	[tilespmem:s6+$0x0] =	vst.add.f32.msk $0xffff, v28  }
0x1db: {  	v47 =	vadd.s32 $0x80, v14;
	v37 =	vld.idx.msk [tilespmem:v41+s17+$0x0], $0xffff  }
0x1dc: {  	v38 =	vld.idx.msk [tilespmem:v43+s17+$0x0], $0xffff  }
0x1dd: {  	v35 =	vld.idx.msk [tilespmem:v44+s17+$0x0], $0xffff  }
0x1de: {  	v33 =	vld.idx.msk [tilespmem:v45+s17+$0x0], $0xffff  }
0x1df: {  	v28 =	vld.idx.msk [tilespmem:v46+s17+$0x0], $0xffff  }
0x1e0: {  	v39 =	vld.idx.msk [tilespmem:v47+s17+$0x0], $0xffff  }
0x1e1: {  	v30 =	vmin.bf16 v31, v55;
	v29 =	vmin.bf16 v57, v58  }
0x1e2: {  	v48 =	vmin.bf16 v60, v62;
	v29 =	vmin.bf16 v30, v29  }
0x1e3: {  	v29 =	vmin.bf16 v29, v48  }
0x1e4: {  	v49 =	vunpack.i.l.bf16.f32 v29;
	v50 =	vmin.bf16 v37, v38;
	v51 =	vmin.bf16 v35, v33  }
0x1e5: {  	v52 =	vmul.f32 v49, v21;
	v28 =	vmin.bf16 v28, v39;
	v31 =	vmin.bf16 v50, v51  }
0x1e6: {  	s1 =	simm.s32 $0x6E00;
	v53 =	vmul.f32 v49, v20;
	v28 =	vmin.bf16 v31, v28  }
0x1e7: {  	[tilespmem:s1+$0x0] =	vst.add.f32.msk $0xffff, v52;
	s6 =	simm.s32 $0x6E10;
	v31 =	vunpack.i.l.bf16.f32 v28  }
0x1e8: {  	s8 =	simm.s32 $0x6E20;
	[tilespmem:s6+$0x0] =	vst.add.f32.msk $0xffff, v53;
	v54 =	vmul.f32 v31, v13  }
0x1e9: {  	s7 =	simm.s32 $0x69E0;
	[tilespmem:s8+$0x0] =	vst.add.f32.msk $0xffff, v49;
	v55 =	vmul.f32 v31, v12  }
0x1ea: {  	s6 =	simm.s32 $0x69F0;
	v28 =	vunpack.i.u.bf16.f32 v28;
	[tilespmem:s7+$0x0] =	vst.add.f32.msk $0xffff, v54  }
0x1eb: {  	v57 =	vadd.s32 $0x100, v15;
	s8 =	simm.s32 $0x6A00;
	v56 =	vmul.f32 v28, v13;
	[tilespmem:s6+$0x0] =	vst.add.f32.msk $0xffff, v55  }
0x1ec: {  	s15 =	simm.s32 $0x6A10;
	v59 =	vadd.s32 $0x100, v17;
	v58 =	vmul.f32 v28, v12;
	[tilespmem:s8+$0x0] =	vst.add.f32.msk $0xffff, v31  }
0x1ed: {  	s9 =	simm.s32 $0x6A20;
	v60 =	vadd.s32 $0x100, v18;
	[tilespmem:s15+$0x0] =	vst.add.f32.msk $0xffff, v56  }
0x1ee: {  	v61 =	vadd.s32 $0x100, v19;
	s7 =	simm.s32 $0x6A30;
	[tilespmem:s9+$0x0] =	vst.add.f32.msk $0xffff, v58  }
0x1ef: {  	v62 =	vadd.s32 $0x100, v16;
	[tilespmem:s7+$0x0] =	vst.add.f32.msk $0xffff, v28  }
0x1f0: {  	v63 =	vadd.s32 $0x100, v14;
	v32 =	vld.idx.msk [tilespmem:v57+s17+$0x0], $0xffff  }
0x1f1: {  	v33 =	vld.idx.msk [tilespmem:v59+s17+$0x0], $0xffff  }
0x1f2: {  	v30 =	vld.idx.msk [tilespmem:v60+s17+$0x0], $0xffff  }
0x1f3: {  	v29 =	vunpack.i.u.bf16.f32 v29;
	v31 =	vld.idx.msk [tilespmem:v61+s17+$0x0], $0xffff  }
0x1f4: {  	v40 =	vmul.f32 v29, v21;
	v41 =	vadd.s32 $0x680, v26;
	v28 =	vld.idx.msk [tilespmem:v62+s17+$0x0], $0xffff  }
0x1f5: {  	v42 =	vmul.f32 v29, v20;
	v43 =	vadd.s32 $0x680, v27;
	s15 =	simm.s32 $0x6E30;
	v34 =	vld.idx.msk [tilespmem:v63+s17+$0x0], $0xffff  }
0x1f6: {  	s22 =	simm.s32 $0x6E40;
	v44 =	vadd.s32 $0x680, v24;
	[tilespmem:s15+$0x0] =	vst.add.f32.msk $0xffff, v40  }
0x1f7: {  	s23 =	simm.s32 $0x6E50;
	v45 =	vadd.s32 $0x680, v25;
	[tilespmem:s22+$0x0] =	vst.add.f32.msk $0xffff, v42  }
0x1f8: {  	v46 =	vadd.s32 $0x680, v23;
	[tilespmem:s23+$0x0] =	vst.add.f32.msk $0xffff, v29  }
0x1f9: {  	v47 =	vadd.s32 $0x680, v22;
	v36 =	vld.idx.msk [tilespmem:v41+s17+$0x0], $0xffff;
	v32 =	vmin.bf16 v32, v33;
	v30 =	vmin.bf16 v30, v31  }
0x1fa: {  	v48 =	vld.idx.msk [tilespmem:v43+s17+$0x0], $0xffff;
	v28 =	vmin.bf16 v28, v34;
	v30 =	vmin.bf16 v32, v30  }
0x1fb: {  	v49 =	vld.idx.msk [tilespmem:v44+s17+$0x0], $0xffff;
	v28 =	vmin.bf16 v30, v28  }
0x1fc: {  	v50 =	vld.idx.msk [tilespmem:v45+s17+$0x0], $0xffff;
	v51 =	vunpack.i.l.bf16.f32 v28  }
0x1fd: {  	v29 =	vld.idx.msk [tilespmem:v46+s17+$0x0], $0xffff;
	v52 =	vmul.f32 v51, v13  }
0x1fe: {  	s12 =	simm.s32 $0x6A40;
	v53 =	vld.idx.msk [tilespmem:v47+s17+$0x0], $0xffff;
	v54 =	vmul.f32 v51, v12  }
0x1ff: {  	s24 =	simm.s32 $0x6A50;
	v28 =	vunpack.i.u.bf16.f32 v28;
	[tilespmem:s12+$0x0] =	vst.add.f32.msk $0xffff, v52  }
0x200: {  	s25 =	simm.s32 $0x6A60;
	v56 =	vadd.s32 $0x180, v15;
	v55 =	vmul.f32 v28, v13;
	[tilespmem:s24+$0x0] =	vst.add.f32.msk $0xffff, v54  }
0x201: {  	s29 =	simm.s32 $0x6A70;
	v58 =	vadd.s32 $0x180, v17;
	v57 =	vmul.f32 v28, v12;
	[tilespmem:s25+$0x0] =	vst.add.f32.msk $0xffff, v51  }
0x202: {  	s30 =	simm.s32 $0x6A80;
	v59 =	vadd.s32 $0x180, v18;
	[tilespmem:s29+$0x0] =	vst.add.f32.msk $0xffff, v55  }
0x203: {  	s31 =	simm.s32 $0x6A90;
	v60 =	vadd.s32 $0x180, v19;
	[tilespmem:s30+$0x0] =	vst.add.f32.msk $0xffff, v57  }
0x204: {  	v61 =	vadd.s32 $0x180, v16;
	[tilespmem:s31+$0x0] =	vst.add.f32.msk $0xffff, v28  }
0x205: {  	v62 =	vadd.s32 $0x180, v14;
	v37 =	vld.idx.msk [tilespmem:v56+s17+$0x0], $0xffff  }
0x206: {  	v38 =	vld.idx.msk [tilespmem:v58+s17+$0x0], $0xffff  }
0x207: {  	v34 =	vld.idx.msk [tilespmem:v59+s17+$0x0], $0xffff  }
0x208: {  	v33 =	vld.idx.msk [tilespmem:v60+s17+$0x0], $0xffff  }
0x209: {  	v28 =	vld.idx.msk [tilespmem:v61+s17+$0x0], $0xffff  }
0x20a: {  	v39 =	vld.idx.msk [tilespmem:v62+s17+$0x0], $0xffff  }
0x20b: {  	v31 =	vmin.bf16 v36, v48;
	v30 =	vmin.bf16 v49, v50  }
0x20c: {  	v29 =	vmin.bf16 v29, v53;
	v30 =	vmin.bf16 v31, v30  }
0x20d: {  	v29 =	vmin.bf16 v30, v29  }
0x20e: {  	v30 =	vunpack.i.l.bf16.f32 v29;
	v63 =	vmin.bf16 v37, v38;
	v36 =	vmin.bf16 v34, v33  }
0x20f: {  	v37 =	vmul.f32 v30, v21;
	v28 =	vmin.bf16 v28, v39;
	v31 =	vmin.bf16 v63, v36  }
0x210: {  	s4 =	simm.s32 $0x6E60;
	v38 =	vmul.f32 v30, v20;
	v28 =	vmin.bf16 v31, v28  }
0x211: {  	s9 =	simm.s32 $0x6E70;
	[tilespmem:s4+$0x0] =	vst.add.f32.msk $0xffff, v37;
	v31 =	vunpack.i.l.bf16.f32 v28  }
0x212: {  	s12 =	simm.s32 $0x6E80;
	[tilespmem:s9+$0x0] =	vst.add.f32.msk $0xffff, v38;
	v39 =	vmul.f32 v31, v13  }
0x213: {  	[tilespmem:s12+$0x0] =	vst.add.f32.msk $0xffff, v30;
	v40 =	vmul.f32 v31, v12;
	s12 =	simm.s32 $0x6AA0  }
0x214: {  	s31 =	simm.s32 $0x6AB0;
	v28 =	vunpack.i.u.bf16.f32 v28;
	[tilespmem:s12+$0x0] =	vst.add.f32.msk $0xffff, v39  }
0x215: {  	v42 =	vadd.s32 $0x200, v15;
	s30 =	simm.s32 $0x6AC0;
	v41 =	vmul.f32 v28, v13;
	[tilespmem:s31+$0x0] =	vst.add.f32.msk $0xffff, v40  }
0x216: {  	v44 =	vadd.s32 $0x200, v17;
	s29 =	simm.s32 $0x6AD0;
	v43 =	vmul.f32 v28, v12;
	[tilespmem:s30+$0x0] =	vst.add.f32.msk $0xffff, v31  }
0x217: {  	v45 =	vadd.s32 $0x200, v18;
	s25 =	simm.s32 $0x6AE0;
	[tilespmem:s29+$0x0] =	vst.add.f32.msk $0xffff, v41  }
0x218: {  	v46 =	vadd.s32 $0x200, v19;
	s24 =	simm.s32 $0x6AF0;
	[tilespmem:s25+$0x0] =	vst.add.f32.msk $0xffff, v43  }
0x219: {  	v47 =	vadd.s32 $0x200, v16;
	[tilespmem:s24+$0x0] =	vst.add.f32.msk $0xffff, v28  }
0x21a: {  	v48 =	vadd.s32 $0x200, v14;
	v32 =	vld.idx.msk [tilespmem:v42+s17+$0x0], $0xffff  }
0x21b: {  	v33 =	vld.idx.msk [tilespmem:v44+s17+$0x0], $0xffff  }
0x21c: {  	v30 =	vld.idx.msk [tilespmem:v45+s17+$0x0], $0xffff  }
0x21d: {  	v29 =	vunpack.i.u.bf16.f32 v29;
	v31 =	vld.idx.msk [tilespmem:v46+s17+$0x0], $0xffff  }
0x21e: {  	v50 =	vadd.s32 $0x700, v26;
	v49 =	vmul.f32 v29, v21;
	v28 =	vld.idx.msk [tilespmem:v47+s17+$0x0], $0xffff  }
0x21f: {  	s15 =	simm.s32 $0x6E90;
	v52 =	vadd.s32 $0x700, v27;
	v51 =	vmul.f32 v29, v20;
	v34 =	vld.idx.msk [tilespmem:v48+s17+$0x0], $0xffff  }
0x220: {  	v53 =	vadd.s32 $0x700, v24;
	s4 =	simm.s32 $0x6EA0;
	[tilespmem:s15+$0x0] =	vst.add.f32.msk $0xffff, v49  }
0x221: {  	v54 =	vadd.s32 $0x700, v25;
	s9 =	simm.s32 $0x6EB0;
	[tilespmem:s4+$0x0] =	vst.add.f32.msk $0xffff, v51  }
0x222: {  	v55 =	vadd.s32 $0x700, v23;
	[tilespmem:s9+$0x0] =	vst.add.f32.msk $0xffff, v29  }
0x223: {  	v56 =	vadd.s32 $0x700, v22;
	v36 =	vld.idx.msk [tilespmem:v50+s17+$0x0], $0xffff;
	v32 =	vmin.bf16 v32, v33;
	v30 =	vmin.bf16 v30, v31  }
0x224: {  	v57 =	vld.idx.msk [tilespmem:v52+s17+$0x0], $0xffff;
	v28 =	vmin.bf16 v28, v34;
	v30 =	vmin.bf16 v32, v30  }
0x225: {  	v58 =	vld.idx.msk [tilespmem:v53+s17+$0x0], $0xffff;
	v28 =	vmin.bf16 v30, v28  }
0x226: {  	v59 =	vld.idx.msk [tilespmem:v54+s17+$0x0], $0xffff;
	v60 =	vunpack.i.l.bf16.f32 v28  }
0x227: {  	v29 =	vld.idx.msk [tilespmem:v55+s17+$0x0], $0xffff;
	v61 =	vmul.f32 v60, v13  }
0x228: {  	s26 =	simm.s32 $0x6B00;
	v62 =	vld.idx.msk [tilespmem:v56+s17+$0x0], $0xffff;
	v63 =	vmul.f32 v60, v12  }
0x229: {  	s28 =	simm.s32 $0x6B10;
	v28 =	vunpack.i.u.bf16.f32 v28;
	[tilespmem:s26+$0x0] =	vst.add.f32.msk $0xffff, v61  }
0x22a: {  	v41 =	vadd.s32 $0x280, v15;
	v40 =	vmul.f32 v28, v13;
	s26 =	simm.s32 $0x6B20;
	[tilespmem:s28+$0x0] =	vst.add.f32.msk $0xffff, v63  }
0x22b: {  	s21 =	simm.s32 $0x6B30;
	v43 =	vadd.s32 $0x280, v17;
	v42 =	vmul.f32 v28, v12;
	[tilespmem:s26+$0x0] =	vst.add.f32.msk $0xffff, v60  }
0x22c: {  	v44 =	vadd.s32 $0x280, v18;
	s28 =	simm.s32 $0x6B40;
	[tilespmem:s21+$0x0] =	vst.add.f32.msk $0xffff, v40  }
0x22d: {  	s10 =	simm.s32 $0x6B50;
	v45 =	vadd.s32 $0x280, v19;
	[tilespmem:s28+$0x0] =	vst.add.f32.msk $0xffff, v42  }
0x22e: {  	v46 =	vadd.s32 $0x280, v16;
	[tilespmem:s10+$0x0] =	vst.add.f32.msk $0xffff, v28  }
0x22f: {  	v47 =	vadd.s32 $0x280, v14;
	v37 =	vld.idx.msk [tilespmem:v41+s17+$0x0], $0xffff  }
0x230: {  	v38 =	vld.idx.msk [tilespmem:v43+s17+$0x0], $0xffff  }
0x231: {  	v34 =	vld.idx.msk [tilespmem:v44+s17+$0x0], $0xffff  }
0x232: {  	v33 =	vld.idx.msk [tilespmem:v45+s17+$0x0], $0xffff  }
0x233: {  	v28 =	vld.idx.msk [tilespmem:v46+s17+$0x0], $0xffff  }
0x234: {  	v39 =	vld.idx.msk [tilespmem:v47+s17+$0x0], $0xffff  }
0x235: {  	v31 =	vmin.bf16 v36, v57;
	v30 =	vmin.bf16 v58, v59  }
0x236: {  	v29 =	vmin.bf16 v29, v62;
	v30 =	vmin.bf16 v31, v30  }
0x237: {  	v29 =	vmin.bf16 v30, v29  }
0x238: {  	v30 =	vunpack.i.l.bf16.f32 v29;
	v48 =	vmin.bf16 v37, v38;
	v49 =	vmin.bf16 v34, v33  }
0x239: {  	v50 =	vmul.f32 v30, v21;
	v28 =	vmin.bf16 v28, v39;
	v31 =	vmin.bf16 v48, v49  }
0x23a: {  	v51 =	vmul.f32 v30, v20;
	s10 =	simm.s32 $0x6EC0;
	v28 =	vmin.bf16 v31, v28  }
0x23b: {  	s15 =	simm.s32 $0x6ED0;
	[tilespmem:s10+$0x0] =	vst.add.f32.msk $0xffff, v50;
	v31 =	vunpack.i.l.bf16.f32 v28  }
0x23c: {  	s21 =	simm.s32 $0x6EE0;
	[tilespmem:s15+$0x0] =	vst.add.f32.msk $0xffff, v51;
	v52 =	vmul.f32 v31, v13  }
0x23d: {  	s4 =	simm.s32 $0x6B60;
	[tilespmem:s21+$0x0] =	vst.add.f32.msk $0xffff, v30;
	v53 =	vmul.f32 v31, v12  }
0x23e: {  	s9 =	simm.s32 $0x6B70;
	v28 =	vunpack.i.u.bf16.f32 v28;
	[tilespmem:s4+$0x0] =	vst.add.f32.msk $0xffff, v52  }
0x23f: {  	s16 =	simm.s32 $0x6B80;
	v55 =	vadd.s32 $0x300, v15;
	v54 =	vmul.f32 v28, v13;
	[tilespmem:s9+$0x0] =	vst.add.f32.msk $0xffff, v53  }
0x240: {  	v57 =	vadd.s32 $0x300, v17;
	s10 =	simm.s32 $0x6B90;
	v56 =	vmul.f32 v28, v12;
	[tilespmem:s16+$0x0] =	vst.add.f32.msk $0xffff, v31  }
0x241: {  	s19 =	simm.s32 $0x6BA0;
	v58 =	vadd.s32 $0x300, v18;
	[tilespmem:s10+$0x0] =	vst.add.f32.msk $0xffff, v54  }
0x242: {  	s20 =	simm.s32 $0x6BB0;
	v59 =	vadd.s32 $0x300, v19;
	[tilespmem:s19+$0x0] =	vst.add.f32.msk $0xffff, v56  }
0x243: {  	v60 =	vadd.s32 $0x300, v16;
	[tilespmem:s20+$0x0] =	vst.add.f32.msk $0xffff, v28  }
0x244: {  	v61 =	vadd.s32 $0x300, v14;
	v32 =	vld.idx.msk [tilespmem:v55+s17+$0x0], $0xffff  }
0x245: {  	v33 =	vld.idx.msk [tilespmem:v57+s17+$0x0], $0xffff  }
0x246: {  	v30 =	vld.idx.msk [tilespmem:v58+s17+$0x0], $0xffff  }
0x247: {  	v29 =	vunpack.i.u.bf16.f32 v29;
	v31 =	vld.idx.msk [tilespmem:v59+s17+$0x0], $0xffff  }
0x248: {  	v26 =	vadd.s32 $0x780, v26;
	v62 =	vmul.f32 v29, v21;
	v28 =	vld.idx.msk [tilespmem:v60+s17+$0x0], $0xffff  }
0x249: {  	v27 =	vadd.s32 $0x780, v27;
	v63 =	vmul.f32 v29, v20;
	s15 =	simm.s32 $0x6EF0;
	v34 =	vld.idx.msk [tilespmem:v61+s17+$0x0], $0xffff  }
0x24a: {  	v24 =	vadd.s32 $0x780, v24;
	[tilespmem:s15+$0x0] =	vst.add.f32.msk $0xffff, v62;
	s16 =	simm.s32 $0x6F00  }
0x24b: {  	v25 =	vadd.s32 $0x780, v25;
	[tilespmem:s16+$0x0] =	vst.add.f32.msk $0xffff, v63;
	s19 =	simm.s32 $0x6F10  }
0x24c: {  	v23 =	vadd.s32 $0x780, v23;
	[tilespmem:s19+$0x0] =	vst.add.f32.msk $0xffff, v29  }
0x24d: {  	v22 =	vadd.s32 $0x780, v22;
	v26 =	vld.idx.msk [tilespmem:v26+s17+$0x0], $0xffff;
	v33 =	vmin.bf16 v32, v33;
	v30 =	vmin.bf16 v30, v31  }
0x24e: {  	v27 =	vld.idx.msk [tilespmem:v27+s17+$0x0], $0xffff;
	v28 =	vmin.bf16 v28, v34;
	v29 =	vmin.bf16 v33, v30  }
0x24f: {  	v24 =	vld.idx.msk [tilespmem:v24+s17+$0x0], $0xffff;
	v28 =	vmin.bf16 v29, v28  }
0x250: {  	v25 =	vld.idx.msk [tilespmem:v25+s17+$0x0], $0xffff;
	v29 =	vunpack.i.l.bf16.f32 v28  }
0x251: {  	v23 =	vld.idx.msk [tilespmem:v23+s17+$0x0], $0xffff;
	v34 =	vmul.f32 v29, v13  }
0x252: {  	s1 =	simm.s32 $0x6BC0;
	v22 =	vld.idx.msk [tilespmem:v22+s17+$0x0], $0xffff;
	v35 =	vmul.f32 v29, v12  }
0x253: {  	s21 =	simm.s32 $0x6BD0;
	v28 =	vunpack.i.u.bf16.f32 v28;
	[tilespmem:s1+$0x0] =	vst.add.f32.msk $0xffff, v34  }
0x254: {  	v37 =	vadd.s32 $0x380, v15;
	s9 =	simm.s32 $0x6BE0;
	v36 =	vmul.f32 v28, v13;
	[tilespmem:s21+$0x0] =	vst.add.f32.msk $0xffff, v35  }
0x255: {  	v39 =	vadd.s32 $0x380, v17;
	s16 =	simm.s32 $0x6BF0;
	v38 =	vmul.f32 v28, v12;
	[tilespmem:s9+$0x0] =	vst.add.f32.msk $0xffff, v29  }
0x256: {  	v40 =	vadd.s32 $0x380, v18;
	s20 =	simm.s32 $0x6C00;
	[tilespmem:s16+$0x0] =	vst.add.f32.msk $0xffff, v36  }
0x257: {  	v41 =	vadd.s32 $0x380, v19;
	s10 =	simm.s32 $0x6C10;
	[tilespmem:s20+$0x0] =	vst.add.f32.msk $0xffff, v38  }
0x258: {  	v42 =	vadd.s32 $0x380, v16;
	[tilespmem:s10+$0x0] =	vst.add.f32.msk $0xffff, v28  }
0x259: {  	v43 =	vadd.s32 $0x380, v14;
	v31 =	vld.idx.msk [tilespmem:v37+s17+$0x0], $0xffff  }
0x25a: {  	v32 =	vld.idx.msk [tilespmem:v39+s17+$0x0], $0xffff  }
0x25b: {  	v30 =	vld.idx.msk [tilespmem:v40+s17+$0x0], $0xffff  }
0x25c: {  	v26 =	vmin.bf16 v26, v27;
	v24 =	vmin.bf16 v24, v25;
	v44 =	vld.idx.msk [tilespmem:v41+s17+$0x0], $0xffff  }
0x25d: {  	v22 =	vmin.bf16 v23, v22;
	v45 =	vmin.bf16 v26, v24;
	v46 =	vld.idx.msk [tilespmem:v42+s17+$0x0], $0xffff  }
0x25e: {  	v22 =	vmin.bf16 v45, v22;
	v47 =	vld.idx.msk [tilespmem:v43+s17+$0x0], $0xffff  }
0x25f: {  	v48 =	vunpack.i.l.bf16.f32 v22  }
0x260: {  	v49 =	vmul.f32 v48, v21  }
0x261: {  	s15 =	simm.s32 $0x6F20;
	v50 =	vmul.f32 v48, v20  }
0x262: {  	s19 =	simm.s32 $0x6F30;
	v22 =	vunpack.i.u.bf16.f32 v22;
	[tilespmem:s15+$0x0] =	vst.add.f32.msk $0xffff, v49;
	v51 =	vmin.bf16 v31, v32;
	v25 =	vmin.bf16 v30, v44  }
0x263: {  	v21 =	vmul.f32 v22, v21;
	[tilespmem:s19+$0x0] =	vst.add.f32.msk $0xffff, v50;
	s20 =	simm.s32 $0x6F40;
	v23 =	vmin.bf16 v46, v47;
	v52 =	vmin.bf16 v51, v25  }
0x264: {  	v20 =	vmul.f32 v22, v20;
	[tilespmem:s20+$0x0] =	vst.add.f32.msk $0xffff, v48;
	s10 =	simm.s32 $0x6F50;
	v23 =	vmin.bf16 v52, v23  }
0x265: {  	s15 =	simm.s32 $0x6F60;
	[tilespmem:s10+$0x0] =	vst.add.f32.msk $0xffff, v21;
	v53 =	vunpack.i.l.bf16.f32 v23  }
0x266: {  	s19 =	simm.s32 $0x6F70;
	[tilespmem:s15+$0x0] =	vst.add.f32.msk $0xffff, v20;
	v54 =	vmul.f32 v53, v13  }
0x267: {  	s10 =	simm.s32 $0x6C20;
	[tilespmem:s19+$0x0] =	vst.add.f32.msk $0xffff, v22;
	v55 =	vmul.f32 v53, v12  }
0x268: {  	s19 =	simm.s32 $0x6C30;
	v23 =	vunpack.i.u.bf16.f32 v23;
	[tilespmem:s10+$0x0] =	vst.add.f32.msk $0xffff, v54  }
0x269: {  	v57 =	vadd.s32 $0x400, v15;
	s15 =	simm.s32 $0x6C40;
	v56 =	vmul.f32 v23, v13;
	[tilespmem:s19+$0x0] =	vst.add.f32.msk $0xffff, v55  }
0x26a: {  	v59 =	vadd.s32 $0x400, v17;
	s20 =	simm.s32 $0x6C50;
	v58 =	vmul.f32 v23, v12;
	[tilespmem:s15+$0x0] =	vst.add.f32.msk $0xffff, v53  }
0x26b: {  	v60 =	vadd.s32 $0x400, v18;
	[tilespmem:s20+$0x0] =	vst.add.f32.msk $0xffff, v56;
	s20 =	simm.s32 $0x6C60  }
0x26c: {  	v61 =	vadd.s32 $0x400, v19;
	[tilespmem:s20+$0x0] =	vst.add.f32.msk $0xffff, v58;
	s20 =	simm.s32 $0x6C70  }
0x26d: {  	v62 =	vadd.s32 $0x400, v16;
	[tilespmem:s20+$0x0] =	vst.add.f32.msk $0xffff, v23  }
0x26e: {  	v42 =	vadd.s32 $0x400, v14;
	s20 =	sadd.s32 $0xFFFFFFA0, s18;
	v63 =	vld.idx.msk [tilespmem:v57+s17+$0x0], $0xffff  }
0x26f: {  	v29 =	vld.idx.msk [tilespmem:v59+s17+$0x0], $0xffff;
	v43 =	vadd.s32 s20, v0  }
0x270: {  	v20 =	vld.idx.msk [tilespmem:v60+s17+$0x0], $0xffff;
	v44 =	vadd.s32 s20, v3  }
0x271: {  	v21 =	vld.idx.msk [tilespmem:v61+s17+$0x0], $0xffff;
	v45 =	vadd.s32 s20, v4  }
0x272: {  	v46 =	vld.idx.msk [tilespmem:v62+s17+$0x0], $0xffff;
	v47 =	vadd.s32 s20, v5  }
0x273: {  	v48 =	vld.idx.msk [tilespmem:v42+s17+$0x0], $0xffff;
	v49 =	vadd.s32 s20, v6  }
0x274: {  	v50 =	vadd.s32 s20, v7;
	s20 =	sadd.s32 $0xFFFFFFE0, s13;
	v26 =	vld.idx.msk [tilespmem:v43+s14+$0x0], $0xffff  }
0x275: {  	v51 =	vor.u32 s20, v2;
	v27 =	vld.idx.msk [tilespmem:v44+s14+$0x0], $0xffff  }
0x276: {  	v52 =	vor.u32 s20, v10;
	v25 =	vld.idx.msk [tilespmem:v45+s14+$0x0], $0xffff  }
0x277: {  	v24 =	vld.idx.msk [tilespmem:v47+s14+$0x0], $0xffff  }
0x278: {  	v23 =	vld.idx.msk [tilespmem:v49+s14+$0x0], $0xffff  }
0x279: {  	v22 =	vld.idx.msk [tilespmem:v50+s14+$0x0], $0xffff  }
0x27a: {  	v53 =	vld.idx.msk [tilespmem:v51+s11+$0x0], $0xffff  }
0x27b: {  	v54 =	vld.idx.msk [tilespmem:v52+s11+$0x0], $0xffff  }
0x27c: {  	v55 =	vld.idx.msk [tilespmem:v26+s17+$0x0], $0xffff  }
0x27d: {  	v56 =	vld.idx.msk [tilespmem:v27+s17+$0x0], $0xffff  }
0x27e: {  	v57 =	vld.idx.msk [tilespmem:v25+s17+$0x0], $0xffff  }
0x27f: {  	v58 =	vld.idx.msk [tilespmem:v24+s17+$0x0], $0xffff  }
0x280: {  	v59 =	vld.idx.msk [tilespmem:v23+s17+$0x0], $0xffff  }
0x281: {  	v60 =	vld.idx.msk [tilespmem:v22+s17+$0x0], $0xffff  }
0x282: {  	v28 =	vmin.bf16 v63, v29;
	v20 =	vmin.bf16 v20, v21  }
0x283: {  	v61 =	vmin.bf16 v46, v48;
	v20 =	vmin.bf16 v28, v20  }
0x284: {  	v28 =	vmin.bf16 v20, v61;
	v21 =	vld.idx.msk [tilespmem:v53+s0+$0x0], $0xffff  }
0x285: {  	v62 =	vunpack.i.l.bf16.f32 v28;
	v20 =	vld.idx.msk [tilespmem:v54+s0+$0x0], $0xffff;
	v63 =	vmin.bf16 v55, v56;
	v40 =	vmin.bf16 v57, v58  }
0x286: {  	v41 =	vmul.f32 v62, v13;
	v42 =	vmin.bf16 v59, v60;
	v30 =	vmin.bf16 v63, v40  }
0x287: {  	s20 =	simm.s32 $0x6C80;
	v43 =	vmul.f32 v62, v12;
	v30 =	vmin.bf16 v30, v42  }
0x288: {  	s4 =	simm.s32 $0x6C90;
	[tilespmem:s20+$0x0] =	vst.add.f32.msk $0xffff, v41;
	v44 =	vunpack.i.l.bf16.f32 v30  }
0x289: {  	[tilespmem:s4+$0x0] =	vst.add.f32.msk $0xffff, v43;
	s4 =	simm.s32 $0x6CA0;
	v45 =	vmul.f32 v44, v21  }
0x28a: {  	[tilespmem:s4+$0x0] =	vst.add.f32.msk $0xffff, v62;
	v46 =	vmul.f32 v44, v20  }
0x28b: {  	v30 =	vunpack.i.u.bf16.f32 v30;
	[tilespmem:s5+$0x0] =	vst.add.f32.msk $0xffff, v45;
	s5 =	simm.s32 $0x6990  }
0x28c: {  	v48 =	vadd.s32 $0x80, v26;
	v47 =	vmul.f32 v30, v21;
	[tilespmem:s5+$0x0] =	vst.add.f32.msk $0xffff, v46  }
0x28d: {  	v50 =	vadd.s32 $0x80, v27;
	v49 =	vmul.f32 v30, v20;
	s5 =	simm.s32 $0x69B0;
	[tilespmem:s3+$0x0] =	vst.add.f32.msk $0xffff, v44  }
0x28e: {  	v51 =	vadd.s32 $0x80, v25;
	[tilespmem:s5+$0x0] =	vst.add.f32.msk $0xffff, v47  }
0x28f: {  	v52 =	vadd.s32 $0x80, v24;
	s4 =	simm.s32 $0x69D0;
	[tilespmem:s2+$0x0] =	vst.add.f32.msk $0xffff, v49  }
0x290: {  	v53 =	vadd.s32 $0x80, v23;
	[tilespmem:s4+$0x0] =	vst.add.f32.msk $0xffff, v30  }
0x291: {  	v54 =	vadd.s32 $0x80, v22;
	v31 =	vld.idx.msk [tilespmem:v48+s17+$0x0], $0xffff  }
0x292: {  	v33 =	vld.idx.msk [tilespmem:v50+s17+$0x0], $0xffff  }
0x293: {  	v29 =	vld.idx.msk [tilespmem:v51+s17+$0x0], $0xffff  }
0x294: {  	v28 =	vunpack.i.u.bf16.f32 v28;
	v32 =	vld.idx.msk [tilespmem:v52+s17+$0x0], $0xffff  }
0x295: {  	v55 =	vmul.f32 v28, v13;
	v56 =	vadd.s32 $0x480, v15;
	v30 =	vld.idx.msk [tilespmem:v53+s17+$0x0], $0xffff  }
0x296: {  	v57 =	vmul.f32 v28, v12;
	v58 =	vadd.s32 $0x480, v17;
	s4 =	simm.s32 $0x6CB0;
	v34 =	vld.idx.msk [tilespmem:v54+s17+$0x0], $0xffff  }
0x297: {  	v59 =	vadd.s32 $0x480, v18;
	s5 =	simm.s32 $0x6CC0;
	[tilespmem:s4+$0x0] =	vst.add.f32.msk $0xffff, v55  }
0x298: {  	v60 =	vadd.s32 $0x480, v19;
	s3 =	simm.s32 $0x6CD0;
	[tilespmem:s5+$0x0] =	vst.add.f32.msk $0xffff, v57  }
0x299: {  	v61 =	vadd.s32 $0x480, v16;
	[tilespmem:s3+$0x0] =	vst.add.f32.msk $0xffff, v28  }
0x29a: {  	v62 =	vadd.s32 $0x480, v14;
	v36 =	vld.idx.msk [tilespmem:v56+s17+$0x0], $0xffff;
	v31 =	vmin.bf16 v31, v33;
	v29 =	vmin.bf16 v29, v32  }
0x29b: {  	v63 =	vld.idx.msk [tilespmem:v58+s17+$0x0], $0xffff;
	v30 =	vmin.bf16 v30, v34;
	v29 =	vmin.bf16 v31, v29  }
0x29c: {  	v42 =	vld.idx.msk [tilespmem:v59+s17+$0x0], $0xffff;
	v29 =	vmin.bf16 v29, v30  }
0x29d: {  	v43 =	vld.idx.msk [tilespmem:v60+s17+$0x0], $0xffff;
	v44 =	vunpack.i.l.bf16.f32 v29  }
0x29e: {  	v28 =	vld.idx.msk [tilespmem:v61+s17+$0x0], $0xffff;
	v45 =	vmul.f32 v44, v21  }
0x29f: {  	s5 =	simm.s32 $0x69E0;
	v46 =	vld.idx.msk [tilespmem:v62+s17+$0x0], $0xffff;
	v47 =	vmul.f32 v44, v20  }
0x2a0: {  	v29 =	vunpack.i.u.bf16.f32 v29;
	[tilespmem:s5+$0x0] =	vst.add.f32.msk $0xffff, v45  }
0x2a1: {  	v49 =	vadd.s32 $0x100, v26;
	v48 =	vmul.f32 v29, v21;
	[tilespmem:s6+$0x0] =	vst.add.f32.msk $0xffff, v47  }
0x2a2: {  	v51 =	vadd.s32 $0x100, v27;
	v50 =	vmul.f32 v29, v20;
	[tilespmem:s8+$0x0] =	vst.add.f32.msk $0xffff, v44;
	s8 =	simm.s32 $0x6A10  }
0x2a3: {  	v52 =	vadd.s32 $0x100, v25;
	s3 =	simm.s32 $0x6A20;
	[tilespmem:s8+$0x0] =	vst.add.f32.msk $0xffff, v48  }
0x2a4: {  	v53 =	vadd.s32 $0x100, v24;
	[tilespmem:s3+$0x0] =	vst.add.f32.msk $0xffff, v50  }
0x2a5: {  	v54 =	vadd.s32 $0x100, v23;
	[tilespmem:s7+$0x0] =	vst.add.f32.msk $0xffff, v29  }
0x2a6: {  	v55 =	vadd.s32 $0x100, v22;
	v37 =	vld.idx.msk [tilespmem:v49+s17+$0x0], $0xffff  }
0x2a7: {  	v38 =	vld.idx.msk [tilespmem:v51+s17+$0x0], $0xffff  }
0x2a8: {  	v34 =	vld.idx.msk [tilespmem:v52+s17+$0x0], $0xffff  }
0x2a9: {  	v33 =	vld.idx.msk [tilespmem:v53+s17+$0x0], $0xffff  }
0x2aa: {  	v29 =	vld.idx.msk [tilespmem:v54+s17+$0x0], $0xffff  }
0x2ab: {  	v39 =	vld.idx.msk [tilespmem:v55+s17+$0x0], $0xffff  }
0x2ac: {  	v32 =	vmin.bf16 v36, v63;
	v30 =	vmin.bf16 v42, v43  }
0x2ad: {  	v28 =	vmin.bf16 v28, v46;
	v30 =	vmin.bf16 v32, v30  }
0x2ae: {  	v28 =	vmin.bf16 v30, v28  }
0x2af: {  	v30 =	vunpack.i.l.bf16.f32 v28;
	v56 =	vmin.bf16 v37, v38;
	v57 =	vmin.bf16 v34, v33  }
0x2b0: {  	v58 =	vmul.f32 v30, v13;
	v29 =	vmin.bf16 v29, v39;
	v31 =	vmin.bf16 v56, v57  }
0x2b1: {  	s5 =	simm.s32 $0x6CE0;
	v59 =	vmul.f32 v30, v12;
	v29 =	vmin.bf16 v31, v29  }
0x2b2: {  	s6 =	simm.s32 $0x6CF0;
	[tilespmem:s5+$0x0] =	vst.add.f32.msk $0xffff, v58;
	v31 =	vunpack.i.l.bf16.f32 v29  }
0x2b3: {  	s8 =	simm.s32 $0x6D00;
	[tilespmem:s6+$0x0] =	vst.add.f32.msk $0xffff, v59;
	v60 =	vmul.f32 v31, v21  }
0x2b4: {  	s22 =	simm.s32 $0x6A40;
	[tilespmem:s8+$0x0] =	vst.add.f32.msk $0xffff, v30;
	v61 =	vmul.f32 v31, v20  }
0x2b5: {  	s23 =	simm.s32 $0x6A50;
	v29 =	vunpack.i.u.bf16.f32 v29;
	[tilespmem:s22+$0x0] =	vst.add.f32.msk $0xffff, v60  }
0x2b6: {  	v63 =	vadd.s32 $0x180, v26;
	v62 =	vmul.f32 v29, v21;
	[tilespmem:s23+$0x0] =	vst.add.f32.msk $0xffff, v61;
	s23 =	simm.s32 $0x6A60  }
0x2b7: {  	s3 =	simm.s32 $0x6A70;
	v37 =	vadd.s32 $0x180, v27;
	v36 =	vmul.f32 v29, v20;
	[tilespmem:s23+$0x0] =	vst.add.f32.msk $0xffff, v31  }
0x2b8: {  	s5 =	simm.s32 $0x6A80;
	v38 =	vadd.s32 $0x180, v25;
	[tilespmem:s3+$0x0] =	vst.add.f32.msk $0xffff, v62  }
0x2b9: {  	s6 =	simm.s32 $0x6A90;
	v39 =	vadd.s32 $0x180, v24;
	[tilespmem:s5+$0x0] =	vst.add.f32.msk $0xffff, v36  }
0x2ba: {  	v40 =	vadd.s32 $0x180, v23;
	[tilespmem:s6+$0x0] =	vst.add.f32.msk $0xffff, v29  }
0x2bb: {  	v41 =	vadd.s32 $0x180, v22;
	v32 =	vld.idx.msk [tilespmem:v63+s17+$0x0], $0xffff  }
0x2bc: {  	v33 =	vld.idx.msk [tilespmem:v37+s17+$0x0], $0xffff  }
0x2bd: {  	v30 =	vld.idx.msk [tilespmem:v38+s17+$0x0], $0xffff  }
0x2be: {  	v28 =	vunpack.i.u.bf16.f32 v28;
	v31 =	vld.idx.msk [tilespmem:v39+s17+$0x0], $0xffff  }
0x2bf: {  	v43 =	vadd.s32 $0x500, v15;
	v42 =	vmul.f32 v28, v13;
	v29 =	vld.idx.msk [tilespmem:v40+s17+$0x0], $0xffff  }
0x2c0: {  	v45 =	vadd.s32 $0x500, v17;
	v44 =	vmul.f32 v28, v12;
	s8 =	simm.s32 $0x6D10;
	v34 =	vld.idx.msk [tilespmem:v41+s17+$0x0], $0xffff  }
0x2c1: {  	v46 =	vadd.s32 $0x500, v18;
	[tilespmem:s8+$0x0] =	vst.add.f32.msk $0xffff, v42;
	s22 =	simm.s32 $0x6D20  }
0x2c2: {  	v47 =	vadd.s32 $0x500, v19;
	[tilespmem:s22+$0x0] =	vst.add.f32.msk $0xffff, v44;
	s23 =	simm.s32 $0x6D30  }
0x2c3: {  	v48 =	vadd.s32 $0x500, v16;
	[tilespmem:s23+$0x0] =	vst.add.f32.msk $0xffff, v28  }
0x2c4: {  	v49 =	vadd.s32 $0x500, v14;
	v36 =	vld.idx.msk [tilespmem:v43+s17+$0x0], $0xffff;
	v32 =	vmin.bf16 v32, v33;
	v30 =	vmin.bf16 v30, v31  }
0x2c5: {  	v50 =	vld.idx.msk [tilespmem:v45+s17+$0x0], $0xffff;
	v29 =	vmin.bf16 v29, v34;
	v30 =	vmin.bf16 v32, v30  }
0x2c6: {  	v51 =	vld.idx.msk [tilespmem:v46+s17+$0x0], $0xffff;
	v29 =	vmin.bf16 v30, v29  }
0x2c7: {  	v52 =	vld.idx.msk [tilespmem:v47+s17+$0x0], $0xffff;
	v53 =	vunpack.i.l.bf16.f32 v29  }
0x2c8: {  	v28 =	vld.idx.msk [tilespmem:v48+s17+$0x0], $0xffff;
	v54 =	vmul.f32 v53, v21  }
0x2c9: {  	v55 =	vld.idx.msk [tilespmem:v49+s17+$0x0], $0xffff;
	v56 =	vmul.f32 v53, v20  }
0x2ca: {  	v29 =	vunpack.i.u.bf16.f32 v29;
	[tilespmem:s12+$0x0] =	vst.add.f32.msk $0xffff, v54  }
0x2cb: {  	v58 =	vadd.s32 $0x200, v26;
	v57 =	vmul.f32 v29, v21;
	[tilespmem:s31+$0x0] =	vst.add.f32.msk $0xffff, v56  }
0x2cc: {  	v60 =	vadd.s32 $0x200, v27;
	v59 =	vmul.f32 v29, v20;
	[tilespmem:s30+$0x0] =	vst.add.f32.msk $0xffff, v53  }
0x2cd: {  	v61 =	vadd.s32 $0x200, v25;
	[tilespmem:s29+$0x0] =	vst.add.f32.msk $0xffff, v57  }
0x2ce: {  	v62 =	vadd.s32 $0x200, v24;
	[tilespmem:s25+$0x0] =	vst.add.f32.msk $0xffff, v59  }
0x2cf: {  	v63 =	vadd.s32 $0x200, v23;
	[tilespmem:s24+$0x0] =	vst.add.f32.msk $0xffff, v29  }
0x2d0: {  	v42 =	vadd.s32 $0x200, v22;
	v31 =	vmin.bf16 v36, v50;
	v30 =	vmin.bf16 v51, v52;
	v37 =	vld.idx.msk [tilespmem:v58+s17+$0x0], $0xffff  }
0x2d1: {  	v28 =	vmin.bf16 v28, v55;
	v30 =	vmin.bf16 v31, v30;
	v38 =	vld.idx.msk [tilespmem:v60+s17+$0x0], $0xffff  }
0x2d2: {  	v28 =	vmin.bf16 v30, v28;
	v34 =	vld.idx.msk [tilespmem:v61+s17+$0x0], $0xffff  }
0x2d3: {  	v30 =	vunpack.i.l.bf16.f32 v28;
	v33 =	vld.idx.msk [tilespmem:v62+s17+$0x0], $0xffff  }
0x2d4: {  	v45 =	vmul.f32 v30, v13;
	v29 =	vld.idx.msk [tilespmem:v63+s17+$0x0], $0xffff  }
0x2d5: {  	v46 =	vmul.f32 v30, v12;
	s29 =	simm.s32 $0x6D40;
	v39 =	vld.idx.msk [tilespmem:v42+s17+$0x0], $0xffff  }
0x2d6: {  	v28 =	vunpack.i.u.bf16.f32 v28;
	s12 =	simm.s32 $0x6D50;
	[tilespmem:s29+$0x0] =	vst.add.f32.msk $0xffff, v45  }
0x2d7: {  	v57 =	vmul.f32 v28, v13;
	[tilespmem:s12+$0x0] =	vst.add.f32.msk $0xffff, v46;
	s24 =	simm.s32 $0x6D60;
	v58 =	vadd.s32 $0x580, v15  }
0x2d8: {  	s8 =	simm.s32 $0x6D70;
	v59 =	vmul.f32 v28, v12;
	[tilespmem:s24+$0x0] =	vst.add.f32.msk $0xffff, v30;
	v62 =	vadd.s32 $0x580, v19  }
0x2d9: {  	s12 =	simm.s32 $0x6D80;
	v63 =	vadd.s32 $0x580, v16;
	[tilespmem:s8+$0x0] =	vst.add.f32.msk $0xffff, v57;
	v43 =	vmin.bf16 v37, v38;
	v44 =	vmin.bf16 v34, v33  }
0x2da: {  	s24 =	simm.s32 $0x6D90;
	[tilespmem:s12+$0x0] =	vst.add.f32.msk $0xffff, v59;
	v29 =	vmin.bf16 v29, v39;
	v31 =	vmin.bf16 v43, v44  }
0x2db: {  	[tilespmem:s24+$0x0] =	vst.add.f32.msk $0xffff, v28;
	v29 =	vmin.bf16 v31, v29  }
0x2dc: {  	v36 =	vld.idx.msk [tilespmem:v58+s17+$0x0], $0xffff;
	v31 =	vunpack.i.l.bf16.f32 v29  }
0x2dd: {  	v45 =	vld.idx.msk [tilespmem:v62+s17+$0x0], $0xffff;
	v47 =	vmul.f32 v31, v21  }
0x2de: {  	s25 =	simm.s32 $0x6B00;
	v28 =	vld.idx.msk [tilespmem:v63+s17+$0x0], $0xffff;
	v48 =	vmul.f32 v31, v20  }
0x2df: {  	s3 =	simm.s32 $0x6B10;
	v29 =	vunpack.i.u.bf16.f32 v29;
	[tilespmem:s25+$0x0] =	vst.add.f32.msk $0xffff, v47  }
0x2e0: {  	v50 =	vadd.s32 $0x280, v26;
	v49 =	vmul.f32 v29, v21;
	[tilespmem:s3+$0x0] =	vst.add.f32.msk $0xffff, v48  }
0x2e1: {  	s5 =	simm.s32 $0x6B30;
	v52 =	vadd.s32 $0x280, v27;
	v51 =	vmul.f32 v29, v20;
	[tilespmem:s26+$0x0] =	vst.add.f32.msk $0xffff, v31  }
0x2e2: {  	v53 =	vadd.s32 $0x280, v25;
	[tilespmem:s5+$0x0] =	vst.add.f32.msk $0xffff, v49  }
0x2e3: {  	s6 =	simm.s32 $0x6B50;
	v54 =	vadd.s32 $0x280, v24;
	[tilespmem:s28+$0x0] =	vst.add.f32.msk $0xffff, v51  }
0x2e4: {  	v55 =	vadd.s32 $0x280, v23;
	[tilespmem:s6+$0x0] =	vst.add.f32.msk $0xffff, v29  }
0x2e5: {  	v56 =	vadd.s32 $0x280, v22;
	v32 =	vld.idx.msk [tilespmem:v50+s17+$0x0], $0xffff  }
0x2e6: {  	v60 =	vadd.s32 $0x580, v17;
	v33 =	vld.idx.msk [tilespmem:v52+s17+$0x0], $0xffff  }
0x2e7: {  	v61 =	vadd.s32 $0x580, v18;
	v30 =	vld.idx.msk [tilespmem:v53+s17+$0x0], $0xffff  }
0x2e8: {  	v42 =	vadd.s32 $0x580, v14;
	v31 =	vld.idx.msk [tilespmem:v54+s17+$0x0], $0xffff  }
0x2e9: {  	v29 =	vld.idx.msk [tilespmem:v55+s17+$0x0], $0xffff  }
0x2ea: {  	v34 =	vld.idx.msk [tilespmem:v56+s17+$0x0], $0xffff  }
0x2eb: {  	v43 =	vld.idx.msk [tilespmem:v60+s17+$0x0], $0xffff  }
0x2ec: {  	v44 =	vld.idx.msk [tilespmem:v61+s17+$0x0], $0xffff  }
0x2ed: {  	v48 =	vld.idx.msk [tilespmem:v42+s17+$0x0], $0xffff  }
0x2ee: {  	v32 =	vmin.bf16 v32, v33;
	v30 =	vmin.bf16 v30, v31  }
0x2ef: {  	v29 =	vmin.bf16 v29, v34;
	v30 =	vmin.bf16 v32, v30  }
0x2f0: {  	v29 =	vmin.bf16 v30, v29  }
0x2f1: {  	v31 =	vmin.bf16 v36, v43;
	v30 =	vmin.bf16 v44, v45;
	v46 =	vunpack.i.l.bf16.f32 v29  }
0x2f2: {  	v28 =	vmin.bf16 v28, v48;
	v30 =	vmin.bf16 v31, v30;
	v47 =	vmul.f32 v46, v21  }
0x2f3: {  	s25 =	simm.s32 $0x6B60;
	v49 =	vmul.f32 v46, v20;
	v28 =	vmin.bf16 v30, v28  }
0x2f4: {  	s2 =	simm.s32 $0x6B70;
	v61 =	vunpack.i.l.bf16.f32 v28;
	[tilespmem:s25+$0x0] =	vst.add.f32.msk $0xffff, v47  }
0x2f5: {  	s3 =	simm.s32 $0x6B80;
	v29 =	vunpack.i.u.bf16.f32 v29;
	v62 =	vmul.f32 v61, v13;
	[tilespmem:s2+$0x0] =	vst.add.f32.msk $0xffff, v49  }
0x2f6: {  	s26 =	simm.s32 $0x6DA0;
	v50 =	vmul.f32 v29, v21;
	[tilespmem:s3+$0x0] =	vst.add.f32.msk $0xffff, v46  }
0x2f7: {  	s5 =	simm.s32 $0x6B90;
	v40 =	vmul.f32 v61, v12;
	[tilespmem:s26+$0x0] =	vst.add.f32.msk $0xffff, v62  }
0x2f8: {  	s28 =	simm.s32 $0x6DB0;
	v52 =	vmul.f32 v29, v20;
	[tilespmem:s5+$0x0] =	vst.add.f32.msk $0xffff, v50  }
0x2f9: {  	v51 =	vadd.s32 $0x300, v26;
	s6 =	simm.s32 $0x6BA0;
	[tilespmem:s28+$0x0] =	vst.add.f32.msk $0xffff, v40  }
0x2fa: {  	s24 =	simm.s32 $0x6DC0;
	v53 =	vadd.s32 $0x300, v27;
	v28 =	vunpack.i.u.bf16.f32 v28;
	[tilespmem:s6+$0x0] =	vst.add.f32.msk $0xffff, v52  }
0x2fb: {  	s8 =	simm.s32 $0x6BB0;
	v54 =	vadd.s32 $0x300, v25;
	v41 =	vmul.f32 v28, v13;
	[tilespmem:s24+$0x0] =	vst.add.f32.msk $0xffff, v61  }
0x2fc: {  	v55 =	vadd.s32 $0x300, v24;
	s25 =	simm.s32 $0x6DD0;
	[tilespmem:s8+$0x0] =	vst.add.f32.msk $0xffff, v29  }
0x2fd: {  	v56 =	vadd.s32 $0x300, v23;
	[tilespmem:s25+$0x0] =	vst.add.f32.msk $0xffff, v41  }
0x2fe: {  	v57 =	vadd.s32 $0x300, v22;
	v37 =	vld.idx.msk [tilespmem:v51+s17+$0x0], $0xffff  }
0x2ff: {  	v58 =	vld.idx.msk [tilespmem:v53+s17+$0x0], $0xffff  }
0x300: {  	v59 =	vld.idx.msk [tilespmem:v54+s17+$0x0], $0xffff  }
0x301: {  	v43 =	vadd.s32 $0x600, v15;
	v60 =	vld.idx.msk [tilespmem:v55+s17+$0x0], $0xffff  }
0x302: {  	v44 =	vadd.s32 $0x600, v17;
	v42 =	vmul.f32 v28, v12;
	v29 =	vld.idx.msk [tilespmem:v56+s17+$0x0], $0xffff  }
0x303: {  	s26 =	simm.s32 $0x6DE0;
	v63 =	vld.idx.msk [tilespmem:v57+s17+$0x0], $0xffff;
	v57 =	vadd.s32 s18, v3  }
0x304: {  	s28 =	simm.s32 $0x6DF0;
	[tilespmem:s26+$0x0] =	vst.add.f32.msk $0xffff, v42;
	v56 =	vadd.s32 s18, v0  }
0x305: {  	v42 =	vadd.s32 s18, v7;
	[tilespmem:s28+$0x0] =	vst.add.f32.msk $0xffff, v28  }
0x306: {  	v36 =	vld.idx.msk [tilespmem:v43+s17+$0x0], $0xffff;
	v43 =	vor.u32 s13, v2  }
0x307: {  	v32 =	vmin.bf16 v37, v58;
	v37 =	vld.idx.msk [tilespmem:v44+s17+$0x0], $0xffff;
	v58 =	vadd.s32 s18, v4  }
0x308: {  	v30 =	vmin.bf16 v59, v60;
	v59 =	vadd.s32 s18, v5;
	v33 =	vld.idx.msk [tilespmem:v57+s14+$0x0], $0xffff  }
0x309: {  	v29 =	vmin.bf16 v29, v63;
	v60 =	vadd.s32 s18, v6;
	v30 =	vmin.bf16 v32, v30;
	v32 =	vld.idx.msk [tilespmem:v56+s14+$0x0], $0xffff  }
0x30a: {  	v44 =	vor.u32 s13, v11;
	v29 =	vmin.bf16 v30, v29;
	v30 =	vld.idx.msk [tilespmem:v42+s14+$0x0], $0xffff  }
0x30b: {  	v61 =	vld.idx.msk [tilespmem:v43+s11+$0x0], $0xffff  }
0x30c: {  	v34 =	vld.idx.msk [tilespmem:v58+s14+$0x0], $0xffff  }
0x30d: {  	v45 =	vunpack.i.l.bf16.f32 v29;
	v35 =	vld.idx.msk [tilespmem:v59+s14+$0x0], $0xffff  }
0x30e: {  	v46 =	vmul.f32 v45, v21;
	v31 =	vld.idx.msk [tilespmem:v60+s14+$0x0], $0xffff  }
0x30f: {  	v47 =	vmul.f32 v45, v20;
	v62 =	vld.idx.msk [tilespmem:v44+s11+$0x0], $0xffff  }
0x310: {  	[tilespmem:s1+$0x0] =	vst.add.f32.msk $0xffff, v46  }
0x311: {  	v29 =	vunpack.i.u.bf16.f32 v29;
	[tilespmem:s21+$0x0] =	vst.add.f32.msk $0xffff, v47  }
0x312: {  	v48 =	vmul.f32 v29, v21;
	[tilespmem:s9+$0x0] =	vst.add.f32.msk $0xffff, v45  }
0x313: {  	v49 =	vadd.s32 $0x380, v26;
	v46 =	vld.idx.msk [tilespmem:v33+s17+$0x0], $0xffff  }
0x314: {  	v51 =	vadd.s32 $0x380, v27;
	v50 =	vmul.f32 v29, v20;
	[tilespmem:s16+$0x0] =	vst.add.f32.msk $0xffff, v48  }
0x315: {  	s12 =	simm.s32 $0x6C00;
	v52 =	vadd.s32 $0x380, v25;
	v63 =	vld.idx.msk [tilespmem:v32+s17+$0x0], $0xffff  }
0x316: {  	v53 =	vadd.s32 $0x380, v24;
	s16 =	simm.s32 $0x6C10;
	[tilespmem:s12+$0x0] =	vst.add.f32.msk $0xffff, v50  }
0x317: {  	v54 =	vadd.s32 $0x380, v23;
	[tilespmem:s16+$0x0] =	vst.add.f32.msk $0xffff, v29  }
0x318: {  	v55 =	vadd.s32 $0x380, v22;
	v38 =	vld.idx.msk [tilespmem:v49+s17+$0x0], $0xffff  }
0x319: {  	v39 =	vld.idx.msk [tilespmem:v51+s17+$0x0], $0xffff  }
0x31a: {  	v40 =	vld.idx.msk [tilespmem:v52+s17+$0x0], $0xffff  }
0x31b: {  	v28 =	vld.idx.msk [tilespmem:v53+s17+$0x0], $0xffff  }
0x31c: {  	v29 =	vld.idx.msk [tilespmem:v54+s17+$0x0], $0xffff  }
0x31d: {  	v45 =	vadd.s32 $0x600, v18;
	v41 =	vld.idx.msk [tilespmem:v55+s17+$0x0], $0xffff  }
0x31e: {  	v47 =	vadd.s32 $0x600, v19;
	v52 =	vld.idx.msk [tilespmem:v30+s17+$0x0], $0xffff  }
0x31f: {  	v48 =	vld.idx.msk [tilespmem:v34+s17+$0x0], $0xffff  }
0x320: {  	v49 =	vld.idx.msk [tilespmem:v35+s17+$0x0], $0xffff  }
0x321: {  	v51 =	vadd.s32 $0x600, v16;
	v50 =	vld.idx.msk [tilespmem:v31+s17+$0x0], $0xffff  }
0x322: {  	v56 =	vadd.s32 $0x600, v14;
	v45 =	vld.idx.msk [tilespmem:v45+s17+$0x0], $0xffff;
	v38 =	vmin.bf16 v38, v39;
	v28 =	vmin.bf16 v40, v28  }
0x323: {  	v40 =	vld.idx.msk [tilespmem:v47+s17+$0x0], $0xffff;
	v29 =	vmin.bf16 v29, v41;
	v28 =	vmin.bf16 v38, v28  }
0x324: {  	v38 =	vmin.bf16 v28, v29;
	v28 =	vld.idx.msk [tilespmem:v61+s0+$0x0], $0xffff  }
0x325: {  	v58 =	vmin.bf16 v63, v46;
	v59 =	vmin.bf16 v48, v49;
	v29 =	vld.idx.msk [tilespmem:v62+s0+$0x0], $0xffff;
	v57 =	vunpack.i.l.bf16.f32 v38  }
0x326: {  	v44 =	vld.idx.msk [tilespmem:v51+s17+$0x0], $0xffff;
	v61 =	vmin.bf16 v50, v52;
	v42 =	vmin.bf16 v58, v59;
	v60 =	vmul.f32 v57, v21  }
0x327: {  	v39 =	vld.idx.msk [tilespmem:v56+s17+$0x0], $0xffff;
	v42 =	vmin.bf16 v42, v61;
	v62 =	vmul.f32 v57, v20  }
0x328: {  	v63 =	vunpack.i.l.bf16.f32 v42;
	[tilespmem:s10+$0x0] =	vst.add.f32.msk $0xffff, v60  }
0x329: {  	[tilespmem:s19+$0x0] =	vst.add.f32.msk $0xffff, v62;
	v48 =	vmul.f32 v63, v28  }
0x32a: {  	s21 =	simm.s32 $0x6980;
	v49 =	vmul.f32 v63, v29;
	[tilespmem:s15+$0x0] =	vst.add.f32.msk $0xffff, v57  }
0x32b: {  	s24 =	simm.s32 $0x6990;
	v42 =	vunpack.i.u.bf16.f32 v42;
	[tilespmem:s21+$0x0] =	vst.add.f32.msk $0xffff, v48  }
0x32c: {  	s25 =	simm.s32 $0x69A0;
	v51 =	vadd.s32 $0x80, v32;
	v50 =	vmul.f32 v42, v28;
	[tilespmem:s24+$0x0] =	vst.add.f32.msk $0xffff, v49  }
0x32d: {  	s1 =	simm.s32 $0x69B0;
	v53 =	vadd.s32 $0x80, v33;
	v52 =	vmul.f32 v42, v29;
	[tilespmem:s25+$0x0] =	vst.add.f32.msk $0xffff, v63  }
0x32e: {  	v54 =	vadd.s32 $0x80, v34;
	s10 =	simm.s32 $0x69C0;
	[tilespmem:s1+$0x0] =	vst.add.f32.msk $0xffff, v50  }
0x32f: {  	s11 =	simm.s32 $0x69D0;
	v55 =	vadd.s32 $0x80, v35;
	[tilespmem:s10+$0x0] =	vst.add.f32.msk $0xffff, v52  }
0x330: {  	v56 =	vadd.s32 $0x80, v31;
	[tilespmem:s11+$0x0] =	vst.add.f32.msk $0xffff, v42  }
0x331: {  	v57 =	vadd.s32 $0x80, v30;
	v43 =	vld.idx.msk [tilespmem:v51+s17+$0x0], $0xffff  }
0x332: {  	v47 =	vld.idx.msk [tilespmem:v53+s17+$0x0], $0xffff  }
0x333: {  	v41 =	vld.idx.msk [tilespmem:v54+s17+$0x0], $0xffff  }
0x334: {  	v38 =	vunpack.i.u.bf16.f32 v38;
	v46 =	vld.idx.msk [tilespmem:v55+s17+$0x0], $0xffff  }
0x335: {  	v59 =	vadd.s32 $0x400, v26;
	v58 =	vmul.f32 v38, v21;
	v42 =	vld.idx.msk [tilespmem:v56+s17+$0x0], $0xffff  }
0x336: {  	s0 =	simm.s32 $0x6C50;
	v61 =	vadd.s32 $0x400, v27;
	v60 =	vmul.f32 v38, v20;
	v48 =	vld.idx.msk [tilespmem:v57+s17+$0x0], $0xffff  }
0x337: {  	[tilespmem:s0+$0x0] =	vst.add.f32.msk $0xffff, v58;
	s1 =	simm.s32 $0x6C60;
	v53 =	vadd.s32 $0x400, v23  }
0x338: {  	[tilespmem:s1+$0x0] =	vst.add.f32.msk $0xffff, v60;
	s11 =	simm.s32 $0x6C70;
	v54 =	vadd.s32 $0x400, v22  }
0x339: {  	v62 =	vadd.s32 $0x400, v25;
	[tilespmem:s11+$0x0] =	vst.add.f32.msk $0xffff, v38  }
0x33a: {  	v63 =	vadd.s32 $0x400, v24;
	v50 =	vld.idx.msk [tilespmem:v59+s17+$0x0], $0xffff;
	v43 =	vmin.bf16 v43, v47;
	v41 =	vmin.bf16 v41, v46  }
0x33b: {  	v46 =	vld.idx.msk [tilespmem:v61+s17+$0x0], $0xffff;
	v42 =	vmin.bf16 v42, v48;
	v41 =	vmin.bf16 v43, v41  }
0x33c: {  	v38 =	vld.idx.msk [tilespmem:v53+s17+$0x0], $0xffff;
	v41 =	vmin.bf16 v41, v42  }
0x33d: {  	v47 =	vld.idx.msk [tilespmem:v54+s17+$0x0], $0xffff;
	v55 =	vunpack.i.l.bf16.f32 v41  }
0x33e: {  	v43 =	vld.idx.msk [tilespmem:v62+s17+$0x0], $0xffff;
	v56 =	vmul.f32 v55, v28  }
0x33f: {  	s12 =	simm.s32 $0x69E0;
	v42 =	vld.idx.msk [tilespmem:v63+s17+$0x0], $0xffff;
	v57 =	vmul.f32 v55, v29  }
0x340: {  	s15 =	simm.s32 $0x69F0;
	v41 =	vunpack.i.u.bf16.f32 v41;
	[tilespmem:s12+$0x0] =	vst.add.f32.msk $0xffff, v56  }
0x341: {  	s16 =	simm.s32 $0x6A00;
	v59 =	vadd.s32 $0x100, v32;
	v58 =	vmul.f32 v41, v28;
	[tilespmem:s15+$0x0] =	vst.add.f32.msk $0xffff, v57  }
0x342: {  	s19 =	simm.s32 $0x6A10;
	v61 =	vadd.s32 $0x100, v33;
	v60 =	vmul.f32 v41, v29;
	[tilespmem:s16+$0x0] =	vst.add.f32.msk $0xffff, v55  }
0x343: {  	s21 =	simm.s32 $0x6A20;
	v62 =	vadd.s32 $0x100, v34;
	[tilespmem:s19+$0x0] =	vst.add.f32.msk $0xffff, v58  }
0x344: {  	s7 =	simm.s32 $0x6A30;
	v63 =	vadd.s32 $0x100, v35;
	[tilespmem:s21+$0x0] =	vst.add.f32.msk $0xffff, v60  }
0x345: {  	v53 =	vadd.s32 $0x100, v31;
	[tilespmem:s7+$0x0] =	vst.add.f32.msk $0xffff, v41  }
0x346: {  	v46 =	vmin.bf16 v50, v46;
	v56 =	vadd.s32 $0x100, v30;
	v42 =	vmin.bf16 v43, v42;
	v55 =	vld.idx.msk [tilespmem:v59+s17+$0x0], $0xffff  }
0x347: {  	v38 =	vmin.bf16 v38, v47;
	v42 =	vmin.bf16 v46, v42;
	v57 =	vld.idx.msk [tilespmem:v61+s17+$0x0], $0xffff  }
0x348: {  	v36 =	vmin.bf16 v36, v37;
	v54 =	vmin.bf16 v45, v40;
	v38 =	vmin.bf16 v42, v38;
	v58 =	vld.idx.msk [tilespmem:v62+s17+$0x0], $0xffff  }
0x349: {  	v39 =	vmin.bf16 v44, v39;
	v36 =	vmin.bf16 v36, v54;
	v42 =	vunpack.i.l.bf16.f32 v38;
	v48 =	vld.idx.msk [tilespmem:v63+s17+$0x0], $0xffff  }
0x34a: {  	v36 =	vmin.bf16 v36, v39;
	v46 =	vmul.f32 v42, v21;
	v41 =	vld.idx.msk [tilespmem:v53+s17+$0x0], $0xffff  }
0x34b: {  	v47 =	vmul.f32 v42, v20;
	v59 =	vunpack.i.l.bf16.f32 v36;
	v45 =	vld.idx.msk [tilespmem:v56+s17+$0x0], $0xffff  }
0x34c: {  	s19 =	simm.s32 $0x6C90;
	v60 =	vmul.f32 v59, v13;
	[tilespmem:s20+$0x0] =	vst.add.f32.msk $0xffff, v46  }
0x34d: {  	s24 =	simm.s32 $0x6E00;
	[tilespmem:s19+$0x0] =	vst.add.f32.msk $0xffff, v47  }
0x34e: {  	v61 =	vmul.f32 v59, v12;
	s20 =	simm.s32 $0x6CA0;
	[tilespmem:s24+$0x0] =	vst.add.f32.msk $0xffff, v60  }
0x34f: {  	s25 =	simm.s32 $0x6E10;
	v36 =	vunpack.i.u.bf16.f32 v36;
	[tilespmem:s20+$0x0] =	vst.add.f32.msk $0xffff, v42;
	v37 =	vmin.bf16 v55, v57;
	v39 =	vmin.bf16 v58, v48  }
0x350: {  	s10 =	simm.s32 $0x6E20;
	v62 =	vmul.f32 v36, v13;
	[tilespmem:s25+$0x0] =	vst.add.f32.msk $0xffff, v61;
	v41 =	vmin.bf16 v41, v45;
	v37 =	vmin.bf16 v37, v39  }
0x351: {  	s12 =	simm.s32 $0x6E30;
	v63 =	vmul.f32 v36, v12;
	[tilespmem:s10+$0x0] =	vst.add.f32.msk $0xffff, v59;
	v37 =	vmin.bf16 v37, v41  }
0x352: {  	s15 =	simm.s32 $0x6E40;
	[tilespmem:s12+$0x0] =	vst.add.f32.msk $0xffff, v62;
	v48 =	vunpack.i.l.bf16.f32 v37  }
0x353: {  	s16 =	simm.s32 $0x6E50;
	[tilespmem:s15+$0x0] =	vst.add.f32.msk $0xffff, v63;
	v49 =	vmul.f32 v48, v28  }
0x354: {  	s21 =	simm.s32 $0x6A40;
	[tilespmem:s16+$0x0] =	vst.add.f32.msk $0xffff, v36;
	v50 =	vmul.f32 v48, v29  }
0x355: {  	s10 =	simm.s32 $0x6A50;
	v37 =	vunpack.i.u.bf16.f32 v37;
	[tilespmem:s21+$0x0] =	vst.add.f32.msk $0xffff, v49  }
0x356: {  	v52 =	vadd.s32 $0x180, v32;
	s15 =	simm.s32 $0x6A60;
	v51 =	vmul.f32 v37, v28;
	[tilespmem:s10+$0x0] =	vst.add.f32.msk $0xffff, v50  }
0x357: {  	v54 =	vadd.s32 $0x180, v33;
	s16 =	simm.s32 $0x6A70;
	v53 =	vmul.f32 v37, v29;
	[tilespmem:s15+$0x0] =	vst.add.f32.msk $0xffff, v48  }
0x358: {  	s19 =	simm.s32 $0x6A80;
	v55 =	vadd.s32 $0x180, v34;
	[tilespmem:s16+$0x0] =	vst.add.f32.msk $0xffff, v51  }
0x359: {  	v56 =	vadd.s32 $0x180, v35;
	s20 =	simm.s32 $0x6A90;
	[tilespmem:s19+$0x0] =	vst.add.f32.msk $0xffff, v53  }
0x35a: {  	v57 =	vadd.s32 $0x180, v31;
	[tilespmem:s20+$0x0] =	vst.add.f32.msk $0xffff, v37  }
0x35b: {  	v58 =	vadd.s32 $0x180, v30;
	v40 =	vld.idx.msk [tilespmem:v52+s17+$0x0], $0xffff  }
0x35c: {  	v41 =	vld.idx.msk [tilespmem:v54+s17+$0x0], $0xffff  }
0x35d: {  	v36 =	vld.idx.msk [tilespmem:v55+s17+$0x0], $0xffff  }
0x35e: {  	v38 =	vunpack.i.u.bf16.f32 v38;
	v39 =	vld.idx.msk [tilespmem:v56+s17+$0x0], $0xffff  }
0x35f: {  	v60 =	vadd.s32 $0x480, v26;
	v59 =	vmul.f32 v38, v21;
	v37 =	vld.idx.msk [tilespmem:v57+s17+$0x0], $0xffff  }
0x360: {  	v61 =	vmul.f32 v38, v20;
	v49 =	vadd.s32 $0x480, v23;
	v42 =	vld.idx.msk [tilespmem:v58+s17+$0x0], $0xffff  }
0x361: {  	[tilespmem:s4+$0x0] =	vst.add.f32.msk $0xffff, v59;
	v50 =	vadd.s32 $0x480, v22;
	s16 =	simm.s32 $0x6CC0  }
0x362: {  	v62 =	vadd.s32 $0x480, v27;
	[tilespmem:s16+$0x0] =	vst.add.f32.msk $0xffff, v61;
	s20 =	simm.s32 $0x6CD0  }
0x363: {  	v63 =	vadd.s32 $0x480, v25;
	[tilespmem:s20+$0x0] =	vst.add.f32.msk $0xffff, v38  }
0x364: {  	v48 =	vadd.s32 $0x480, v24;
	v44 =	vld.idx.msk [tilespmem:v60+s17+$0x0], $0xffff;
	v40 =	vmin.bf16 v40, v41;
	v36 =	vmin.bf16 v36, v39  }
0x365: {  	v38 =	vld.idx.msk [tilespmem:v49+s17+$0x0], $0xffff;
	v37 =	vmin.bf16 v37, v42;
	v36 =	vmin.bf16 v40, v36  }
0x366: {  	v43 =	vld.idx.msk [tilespmem:v50+s17+$0x0], $0xffff;
	v36 =	vmin.bf16 v36, v37  }
0x367: {  	v39 =	vld.idx.msk [tilespmem:v62+s17+$0x0], $0xffff;
	v51 =	vunpack.i.l.bf16.f32 v36  }
0x368: {  	v40 =	vld.idx.msk [tilespmem:v63+s17+$0x0], $0xffff;
	v52 =	vmul.f32 v51, v28  }
0x369: {  	s21 =	simm.s32 $0x6AA0;
	v37 =	vld.idx.msk [tilespmem:v48+s17+$0x0], $0xffff;
	v53 =	vmul.f32 v51, v29  }
0x36a: {  	s31 =	simm.s32 $0x6AB0;
	v36 =	vunpack.i.u.bf16.f32 v36;
	[tilespmem:s21+$0x0] =	vst.add.f32.msk $0xffff, v52  }
0x36b: {  	v55 =	vadd.s32 $0x200, v32;
	v54 =	vmul.f32 v36, v28;
	[tilespmem:s31+$0x0] =	vst.add.f32.msk $0xffff, v53;
	s31 =	simm.s32 $0x6AC0  }
0x36c: {  	s7 =	simm.s32 $0x6AD0;
	v57 =	vadd.s32 $0x200, v33;
	v56 =	vmul.f32 v36, v29;
	[tilespmem:s31+$0x0] =	vst.add.f32.msk $0xffff, v51  }
0x36d: {  	s30 =	simm.s32 $0x6AE0;
	v58 =	vadd.s32 $0x200, v34;
	[tilespmem:s7+$0x0] =	vst.add.f32.msk $0xffff, v54  }
0x36e: {  	v59 =	vadd.s32 $0x200, v35;
	s10 =	simm.s32 $0x6AF0;
	[tilespmem:s30+$0x0] =	vst.add.f32.msk $0xffff, v56  }
0x36f: {  	v60 =	vadd.s32 $0x200, v31;
	[tilespmem:s10+$0x0] =	vst.add.f32.msk $0xffff, v36  }
0x370: {  	v61 =	vadd.s32 $0x200, v30;
	v45 =	vld.idx.msk [tilespmem:v55+s17+$0x0], $0xffff  }
0x371: {  	v62 =	vadd.s32 $0x680, v15;
	v46 =	vld.idx.msk [tilespmem:v57+s17+$0x0], $0xffff  }
0x372: {  	v63 =	vadd.s32 $0x680, v17;
	v42 =	vld.idx.msk [tilespmem:v58+s17+$0x0], $0xffff  }
0x373: {  	v39 =	vmin.bf16 v44, v39;
	v37 =	vmin.bf16 v40, v37;
	v56 =	vadd.s32 $0x680, v18;
	v41 =	vld.idx.msk [tilespmem:v59+s17+$0x0], $0xffff  }
0x374: {  	v38 =	vmin.bf16 v38, v43;
	v37 =	vmin.bf16 v39, v37;
	v36 =	vld.idx.msk [tilespmem:v60+s17+$0x0], $0xffff  }
0x375: {  	v37 =	vmin.bf16 v37, v38;
	v47 =	vld.idx.msk [tilespmem:v61+s17+$0x0], $0xffff  }
0x376: {  	v48 =	vld.idx.msk [tilespmem:v62+s17+$0x0], $0xffff;
	v57 =	vadd.s32 $0x680, v19;
	v60 =	vunpack.i.l.bf16.f32 v37  }
0x377: {  	v40 =	vld.idx.msk [tilespmem:v63+s17+$0x0], $0xffff;
	v58 =	vadd.s32 $0x680, v16;
	v61 =	vmul.f32 v60, v21  }
0x378: {  	s19 =	simm.s32 $0x6CE0;
	v59 =	vadd.s32 $0x680, v14;
	v62 =	vmul.f32 v60, v20;
	v39 =	vld.idx.msk [tilespmem:v56+s17+$0x0], $0xffff  }
0x379: {  	s21 =	simm.s32 $0x6CF0;
	[tilespmem:s19+$0x0] =	vst.add.f32.msk $0xffff, v61;
	v45 =	vmin.bf16 v45, v46;
	v41 =	vmin.bf16 v42, v41  }
0x37a: {  	[tilespmem:s21+$0x0] =	vst.add.f32.msk $0xffff, v62;
	v36 =	vmin.bf16 v36, v47;
	v41 =	vmin.bf16 v45, v41  }
0x37b: {  	v38 =	vld.idx.msk [tilespmem:v57+s17+$0x0], $0xffff;
	v36 =	vmin.bf16 v41, v36  }
0x37c: {  	v42 =	vld.idx.msk [tilespmem:v58+s17+$0x0], $0xffff;
	v41 =	vunpack.i.l.bf16.f32 v36  }
0x37d: {  	s31 =	simm.s32 $0x6D00;
	v44 =	vld.idx.msk [tilespmem:v59+s17+$0x0], $0xffff;
	v63 =	vmul.f32 v41, v28  }
0x37e: {  	s7 =	simm.s32 $0x6B00;
	[tilespmem:s31+$0x0] =	vst.add.f32.msk $0xffff, v60;
	v49 =	vmul.f32 v41, v29  }
0x37f: {  	s10 =	simm.s32 $0x6B10;
	v36 =	vunpack.i.u.bf16.f32 v36;
	[tilespmem:s7+$0x0] =	vst.add.f32.msk $0xffff, v63  }
0x380: {  	v51 =	vadd.s32 $0x280, v32;
	s21 =	simm.s32 $0x6B20;
	v50 =	vmul.f32 v36, v28;
	[tilespmem:s10+$0x0] =	vst.add.f32.msk $0xffff, v49  }
0x381: {  	v53 =	vadd.s32 $0x280, v33;
	v52 =	vmul.f32 v36, v29;
	s7 =	simm.s32 $0x6B30;
	[tilespmem:s21+$0x0] =	vst.add.f32.msk $0xffff, v41  }
0x382: {  	v54 =	vadd.s32 $0x280, v34;
	s10 =	simm.s32 $0x6B40;
	[tilespmem:s7+$0x0] =	vst.add.f32.msk $0xffff, v50  }
0x383: {  	v55 =	vadd.s32 $0x280, v35;
	s21 =	simm.s32 $0x6B50;
	[tilespmem:s10+$0x0] =	vst.add.f32.msk $0xffff, v52  }
0x384: {  	v56 =	vadd.s32 $0x280, v31;
	[tilespmem:s21+$0x0] =	vst.add.f32.msk $0xffff, v36  }
0x385: {  	v57 =	vadd.s32 $0x280, v30;
	v45 =	vld.idx.msk [tilespmem:v51+s17+$0x0], $0xffff  }
0x386: {  	v46 =	vld.idx.msk [tilespmem:v53+s17+$0x0], $0xffff  }
0x387: {  	v43 =	vld.idx.msk [tilespmem:v54+s17+$0x0], $0xffff  }
0x388: {  	v37 =	vunpack.i.u.bf16.f32 v37;
	v41 =	vld.idx.msk [tilespmem:v55+s17+$0x0], $0xffff  }
0x389: {  	v58 =	vmul.f32 v37, v21;
	v59 =	vadd.s32 $0x500, v26;
	v36 =	vld.idx.msk [tilespmem:v56+s17+$0x0], $0xffff  }
0x38a: {  	v61 =	vadd.s32 $0x500, v27;
	v60 =	vmul.f32 v37, v20;
	s7 =	simm.s32 $0x6D10;
	v47 =	vld.idx.msk [tilespmem:v57+s17+$0x0], $0xffff  }
0x38b: {  	[tilespmem:s7+$0x0] =	vst.add.f32.msk $0xffff, v58;
	v54 =	vadd.s32 $0x500, v23  }
0x38c: {  	[tilespmem:s22+$0x0] =	vst.add.f32.msk $0xffff, v60;
	v55 =	vadd.s32 $0x500, v22  }
0x38d: {  	v62 =	vadd.s32 $0x500, v25;
	[tilespmem:s23+$0x0] =	vst.add.f32.msk $0xffff, v37  }
0x38e: {  	v63 =	vadd.s32 $0x500, v24;
	v50 =	vld.idx.msk [tilespmem:v59+s17+$0x0], $0xffff;
	v45 =	vmin.bf16 v45, v46;
	v41 =	vmin.bf16 v43, v41  }
0x38f: {  	v43 =	vld.idx.msk [tilespmem:v61+s17+$0x0], $0xffff;
	v36 =	vmin.bf16 v36, v47;
	v41 =	vmin.bf16 v45, v41  }
0x390: {  	v37 =	vld.idx.msk [tilespmem:v54+s17+$0x0], $0xffff;
	v36 =	vmin.bf16 v41, v36  }
0x391: {  	v46 =	vld.idx.msk [tilespmem:v55+s17+$0x0], $0xffff;
	v56 =	vunpack.i.l.bf16.f32 v36  }
0x392: {  	v45 =	vld.idx.msk [tilespmem:v62+s17+$0x0], $0xffff;
	v57 =	vmul.f32 v56, v28  }
0x393: {  	s10 =	simm.s32 $0x6B60;
	v41 =	vld.idx.msk [tilespmem:v63+s17+$0x0], $0xffff;
	v58 =	vmul.f32 v56, v29  }
0x394: {  	v36 =	vunpack.i.u.bf16.f32 v36;
	[tilespmem:s10+$0x0] =	vst.add.f32.msk $0xffff, v57  }
0x395: {  	v60 =	vadd.s32 $0x300, v32;
	v59 =	vmul.f32 v36, v28;
	[tilespmem:s2+$0x0] =	vst.add.f32.msk $0xffff, v58  }
0x396: {  	v62 =	vadd.s32 $0x300, v33;
	v61 =	vmul.f32 v36, v29;
	[tilespmem:s3+$0x0] =	vst.add.f32.msk $0xffff, v56  }
0x397: {  	v63 =	vadd.s32 $0x300, v34;
	[tilespmem:s5+$0x0] =	vst.add.f32.msk $0xffff, v59  }
0x398: {  	v53 =	vadd.s32 $0x300, v35;
	[tilespmem:s6+$0x0] =	vst.add.f32.msk $0xffff, v61  }
0x399: {  	v54 =	vadd.s32 $0x300, v31;
	[tilespmem:s8+$0x0] =	vst.add.f32.msk $0xffff, v36  }
0x39a: {  	v40 =	vmin.bf16 v48, v40;
	v38 =	vmin.bf16 v39, v38;
	v56 =	vadd.s32 $0x300, v30;
	v55 =	vld.idx.msk [tilespmem:v60+s17+$0x0], $0xffff  }
0x39b: {  	v42 =	vmin.bf16 v42, v44;
	v38 =	vmin.bf16 v40, v38;
	v57 =	vld.idx.msk [tilespmem:v62+s17+$0x0], $0xffff  }
0x39c: {  	v38 =	vmin.bf16 v38, v42;
	v58 =	vld.idx.msk [tilespmem:v63+s17+$0x0], $0xffff  }
0x39d: {  	v59 =	vunpack.i.l.bf16.f32 v38;
	v47 =	vld.idx.msk [tilespmem:v53+s17+$0x0], $0xffff  }
0x39e: {  	v60 =	vmul.f32 v59, v13;
	v36 =	vld.idx.msk [tilespmem:v54+s17+$0x0], $0xffff  }
0x39f: {  	s4 =	simm.s32 $0x6E60;
	v61 =	vmul.f32 v59, v12;
	v48 =	vld.idx.msk [tilespmem:v56+s17+$0x0], $0xffff  }
0x3a0: {  	v43 =	vmin.bf16 v50, v43;
	v41 =	vmin.bf16 v45, v41;
	v38 =	vunpack.i.u.bf16.f32 v38;
	s5 =	simm.s32 $0x6E70;
	[tilespmem:s4+$0x0] =	vst.add.f32.msk $0xffff, v60  }
0x3a1: {  	v37 =	vmin.bf16 v37, v46;
	v41 =	vmin.bf16 v43, v41;
	s6 =	simm.s32 $0x6E80;
	v62 =	vmul.f32 v38, v13;
	[tilespmem:s5+$0x0] =	vst.add.f32.msk $0xffff, v61  }
0x3a2: {  	s7 =	simm.s32 $0x6E90;
	v37 =	vmin.bf16 v41, v37;
	v63 =	vmul.f32 v38, v12;
	[tilespmem:s6+$0x0] =	vst.add.f32.msk $0xffff, v59  }
0x3a3: {  	v41 =	vunpack.i.l.bf16.f32 v37;
	s8 =	simm.s32 $0x6EA0;
	[tilespmem:s7+$0x0] =	vst.add.f32.msk $0xffff, v62;
	v39 =	vmin.bf16 v55, v57;
	v46 =	vmin.bf16 v58, v47  }
0x3a4: {  	s10 =	simm.s32 $0x6EB0;
	v47 =	vmul.f32 v41, v21;
	[tilespmem:s8+$0x0] =	vst.add.f32.msk $0xffff, v63;
	v36 =	vmin.bf16 v36, v48;
	v39 =	vmin.bf16 v39, v46  }
0x3a5: {  	v48 =	vmul.f32 v41, v20;
	[tilespmem:s10+$0x0] =	vst.add.f32.msk $0xffff, v38;
	v36 =	vmin.bf16 v39, v36  }
0x3a6: {  	s5 =	simm.s32 $0x6D50;
	[tilespmem:s29+$0x0] =	vst.add.f32.msk $0xffff, v47;
	v39 =	vunpack.i.l.bf16.f32 v36  }
0x3a7: {  	s6 =	simm.s32 $0x6D60;
	[tilespmem:s5+$0x0] =	vst.add.f32.msk $0xffff, v48;
	v49 =	vmul.f32 v39, v28  }
0x3a8: {  	s29 =	simm.s32 $0x6BC0;
	[tilespmem:s6+$0x0] =	vst.add.f32.msk $0xffff, v41;
	v50 =	vmul.f32 v39, v29  }
0x3a9: {  	s3 =	simm.s32 $0x6BD0;
	v36 =	vunpack.i.u.bf16.f32 v36;
	[tilespmem:s29+$0x0] =	vst.add.f32.msk $0xffff, v49  }
0x3aa: {  	v52 =	vadd.s32 $0x380, v32;
	s7 =	simm.s32 $0x6BE0;
	v51 =	vmul.f32 v36, v28;
	[tilespmem:s3+$0x0] =	vst.add.f32.msk $0xffff, v50  }
0x3ab: {  	v54 =	vadd.s32 $0x380, v33;
	s8 =	simm.s32 $0x6BF0;
	v53 =	vmul.f32 v36, v29;
	[tilespmem:s7+$0x0] =	vst.add.f32.msk $0xffff, v39  }
0x3ac: {  	s9 =	simm.s32 $0x6C00;
	v55 =	vadd.s32 $0x380, v34;
	[tilespmem:s8+$0x0] =	vst.add.f32.msk $0xffff, v51  }
0x3ad: {  	v56 =	vadd.s32 $0x380, v35;
	s10 =	simm.s32 $0x6C10;
	[tilespmem:s9+$0x0] =	vst.add.f32.msk $0xffff, v53  }
0x3ae: {  	v57 =	vadd.s32 $0x380, v31;
	[tilespmem:s10+$0x0] =	vst.add.f32.msk $0xffff, v36  }
0x3af: {  	v58 =	vadd.s32 $0x380, v30;
	v40 =	vld.idx.msk [tilespmem:v52+s17+$0x0], $0xffff  }
0x3b0: {  	v41 =	vld.idx.msk [tilespmem:v54+s17+$0x0], $0xffff  }
0x3b1: {  	v38 =	vld.idx.msk [tilespmem:v55+s17+$0x0], $0xffff  }
0x3b2: {  	v37 =	vunpack.i.u.bf16.f32 v37;
	v39 =	vld.idx.msk [tilespmem:v56+s17+$0x0], $0xffff  }
0x3b3: {  	v60 =	vadd.s32 $0x580, v26;
	v59 =	vmul.f32 v37, v21;
	v36 =	vld.idx.msk [tilespmem:v57+s17+$0x0], $0xffff  }
0x3b4: {  	v61 =	vmul.f32 v37, v20;
	v49 =	vadd.s32 $0x580, v23;
	s7 =	simm.s32 $0x6D70;
	v42 =	vld.idx.msk [tilespmem:v58+s17+$0x0], $0xffff  }
0x3b5: {  	v50 =	vadd.s32 $0x580, v22;
	[tilespmem:s7+$0x0] =	vst.add.f32.msk $0xffff, v59;
	s9 =	simm.s32 $0x6D80  }
0x3b6: {  	v62 =	vadd.s32 $0x580, v27;
	[tilespmem:s9+$0x0] =	vst.add.f32.msk $0xffff, v61;
	s10 =	simm.s32 $0x6D90  }
0x3b7: {  	v63 =	vadd.s32 $0x580, v25;
	[tilespmem:s10+$0x0] =	vst.add.f32.msk $0xffff, v37  }
0x3b8: {  	v48 =	vadd.s32 $0x580, v24;
	v44 =	vld.idx.msk [tilespmem:v60+s17+$0x0], $0xffff;
	v40 =	vmin.bf16 v40, v41;
	v38 =	vmin.bf16 v38, v39  }
0x3b9: {  	v37 =	vld.idx.msk [tilespmem:v49+s17+$0x0], $0xffff;
	v36 =	vmin.bf16 v36, v42;
	v38 =	vmin.bf16 v40, v38  }
0x3ba: {  	v43 =	vld.idx.msk [tilespmem:v50+s17+$0x0], $0xffff;
	v36 =	vmin.bf16 v38, v36  }
0x3bb: {  	v39 =	vld.idx.msk [tilespmem:v62+s17+$0x0], $0xffff;
	v51 =	vunpack.i.l.bf16.f32 v36  }
0x3bc: {  	v40 =	vld.idx.msk [tilespmem:v63+s17+$0x0], $0xffff;
	v52 =	vmul.f32 v51, v28  }
0x3bd: {  	s28 =	simm.s32 $0x6C20;
	v38 =	vld.idx.msk [tilespmem:v48+s17+$0x0], $0xffff;
	v53 =	vmul.f32 v51, v29  }
0x3be: {  	s26 =	simm.s32 $0x6C30;
	v36 =	vunpack.i.u.bf16.f32 v36;
	[tilespmem:s28+$0x0] =	vst.add.f32.msk $0xffff, v52  }
0x3bf: {  	s29 =	simm.s32 $0x6C40;
	v55 =	vadd.s32 $0x400, v32;
	v54 =	vmul.f32 v36, v28;
	[tilespmem:s26+$0x0] =	vst.add.f32.msk $0xffff, v53  }
0x3c0: {  	v57 =	vadd.s32 $0x400, v33;
	v56 =	vmul.f32 v36, v29;
	[tilespmem:s29+$0x0] =	vst.add.f32.msk $0xffff, v51  }
0x3c1: {  	v58 =	vadd.s32 $0x400, v34;
	[tilespmem:s0+$0x0] =	vst.add.f32.msk $0xffff, v54  }
0x3c2: {  	v59 =	vadd.s32 $0x400, v35;
	[tilespmem:s1+$0x0] =	vst.add.f32.msk $0xffff, v56  }
0x3c3: {  	v60 =	vadd.s32 $0x400, v31;
	[tilespmem:s11+$0x0] =	vst.add.f32.msk $0xffff, v36  }
0x3c4: {  	v61 =	vadd.s32 $0x400, v30;
	v45 =	vld.idx.msk [tilespmem:v55+s17+$0x0], $0xffff  }
0x3c5: {  	v62 =	vadd.s32 $0x700, v15;
	v46 =	vld.idx.msk [tilespmem:v57+s17+$0x0], $0xffff  }
0x3c6: {  	v63 =	vadd.s32 $0x700, v17;
	v42 =	vld.idx.msk [tilespmem:v58+s17+$0x0], $0xffff  }
0x3c7: {  	v39 =	vmin.bf16 v44, v39;
	v38 =	vmin.bf16 v40, v38;
	v56 =	vadd.s32 $0x700, v18;
	v41 =	vld.idx.msk [tilespmem:v59+s17+$0x0], $0xffff  }
0x3c8: {  	v37 =	vmin.bf16 v37, v43;
	v38 =	vmin.bf16 v39, v38;
	v36 =	vld.idx.msk [tilespmem:v60+s17+$0x0], $0xffff  }
0x3c9: {  	v37 =	vmin.bf16 v38, v37;
	v47 =	vld.idx.msk [tilespmem:v61+s17+$0x0], $0xffff  }
0x3ca: {  	v48 =	vld.idx.msk [tilespmem:v62+s17+$0x0], $0xffff;
	v57 =	vadd.s32 $0x700, v19;
	v60 =	vunpack.i.l.bf16.f32 v37  }
0x3cb: {  	v40 =	vld.idx.msk [tilespmem:v63+s17+$0x0], $0xffff;
	v58 =	vadd.s32 $0x700, v16;
	v61 =	vmul.f32 v60, v21  }
0x3cc: {  	s2 =	simm.s32 $0x6DA0;
	v59 =	vadd.s32 $0x700, v14;
	v62 =	vmul.f32 v60, v20;
	v39 =	vld.idx.msk [tilespmem:v56+s17+$0x0], $0xffff  }
0x3cd: {  	s1 =	simm.s32 $0x6DB0;
	[tilespmem:s2+$0x0] =	vst.add.f32.msk $0xffff, v61;
	v45 =	vmin.bf16 v45, v46;
	v41 =	vmin.bf16 v42, v41  }
0x3ce: {  	[tilespmem:s1+$0x0] =	vst.add.f32.msk $0xffff, v62;
	v36 =	vmin.bf16 v36, v47;
	v41 =	vmin.bf16 v45, v41  }
0x3cf: {  	v38 =	vld.idx.msk [tilespmem:v57+s17+$0x0], $0xffff;
	v36 =	vmin.bf16 v41, v36  }
0x3d0: {  	v42 =	vld.idx.msk [tilespmem:v58+s17+$0x0], $0xffff;
	v41 =	vunpack.i.l.bf16.f32 v36  }
0x3d1: {  	s3 =	simm.s32 $0x6DC0;
	v44 =	vld.idx.msk [tilespmem:v59+s17+$0x0], $0xffff;
	v63 =	vmul.f32 v41, v28  }
0x3d2: {  	s24 =	simm.s32 $0x6C80;
	[tilespmem:s3+$0x0] =	vst.add.f32.msk $0xffff, v60;
	v49 =	vmul.f32 v41, v29  }
0x3d3: {  	s12 =	simm.s32 $0x6C90;
	v36 =	vunpack.i.u.bf16.f32 v36;
	[tilespmem:s24+$0x0] =	vst.add.f32.msk $0xffff, v63  }
0x3d4: {  	s25 =	simm.s32 $0x6CA0;
	v51 =	vadd.s32 $0x480, v32;
	v50 =	vmul.f32 v36, v28;
	[tilespmem:s12+$0x0] =	vst.add.f32.msk $0xffff, v49  }
0x3d5: {  	s15 =	simm.s32 $0x6CB0;
	v53 =	vadd.s32 $0x480, v33;
	v52 =	vmul.f32 v36, v29;
	[tilespmem:s25+$0x0] =	vst.add.f32.msk $0xffff, v41  }
0x3d6: {  	v54 =	vadd.s32 $0x480, v34;
	[tilespmem:s15+$0x0] =	vst.add.f32.msk $0xffff, v50  }
0x3d7: {  	v55 =	vadd.s32 $0x480, v35;
	[tilespmem:s16+$0x0] =	vst.add.f32.msk $0xffff, v52  }
0x3d8: {  	v56 =	vadd.s32 $0x480, v31;
	[tilespmem:s20+$0x0] =	vst.add.f32.msk $0xffff, v36  }
0x3d9: {  	v57 =	vadd.s32 $0x480, v30;
	v45 =	vld.idx.msk [tilespmem:v51+s17+$0x0], $0xffff  }
0x3da: {  	v46 =	vld.idx.msk [tilespmem:v53+s17+$0x0], $0xffff  }
0x3db: {  	v43 =	vld.idx.msk [tilespmem:v54+s17+$0x0], $0xffff  }
0x3dc: {  	v37 =	vunpack.i.u.bf16.f32 v37;
	v41 =	vld.idx.msk [tilespmem:v55+s17+$0x0], $0xffff  }
0x3dd: {  	v58 =	vmul.f32 v37, v21;
	v59 =	vadd.s32 $0x600, v26;
	v36 =	vld.idx.msk [tilespmem:v56+s17+$0x0], $0xffff  }
0x3de: {  	s11 =	simm.s32 $0x6DD0;
	v61 =	vadd.s32 $0x600, v27;
	v60 =	vmul.f32 v37, v20;
	v47 =	vld.idx.msk [tilespmem:v57+s17+$0x0], $0xffff  }
0x3df: {  	[tilespmem:s11+$0x0] =	vst.add.f32.msk $0xffff, v58;
	s15 =	simm.s32 $0x6DE0;
	v53 =	vadd.s32 $0x600, v23  }
0x3e0: {  	s12 =	simm.s32 $0x6DF0;
	[tilespmem:s15+$0x0] =	vst.add.f32.msk $0xffff, v60;
	v54 =	vadd.s32 $0x600, v22  }
0x3e1: {  	v62 =	vadd.s32 $0x600, v25;
	[tilespmem:s12+$0x0] =	vst.add.f32.msk $0xffff, v37  }
0x3e2: {  	v63 =	vadd.s32 $0x600, v24;
	v50 =	vld.idx.msk [tilespmem:v59+s17+$0x0], $0xffff;
	v45 =	vmin.bf16 v45, v46;
	v41 =	vmin.bf16 v43, v41  }
0x3e3: {  	v43 =	vld.idx.msk [tilespmem:v61+s17+$0x0], $0xffff;
	v36 =	vmin.bf16 v36, v47;
	v41 =	vmin.bf16 v45, v41  }
0x3e4: {  	v37 =	vld.idx.msk [tilespmem:v53+s17+$0x0], $0xffff;
	v36 =	vmin.bf16 v41, v36  }
0x3e5: {  	v46 =	vld.idx.msk [tilespmem:v54+s17+$0x0], $0xffff;
	v55 =	vunpack.i.l.bf16.f32 v36  }
0x3e6: {  	v45 =	vld.idx.msk [tilespmem:v62+s17+$0x0], $0xffff;
	v56 =	vmul.f32 v55, v28  }
0x3e7: {  	s30 =	simm.s32 $0x6CE0;
	v41 =	vld.idx.msk [tilespmem:v63+s17+$0x0], $0xffff;
	v57 =	vmul.f32 v55, v29  }
0x3e8: {  	s19 =	simm.s32 $0x6CF0;
	v36 =	vunpack.i.u.bf16.f32 v36;
	[tilespmem:s30+$0x0] =	vst.add.f32.msk $0xffff, v56  }
0x3e9: {  	s31 =	simm.s32 $0x6D00;
	v59 =	vadd.s32 $0x500, v32;
	v58 =	vmul.f32 v36, v28;
	[tilespmem:s19+$0x0] =	vst.add.f32.msk $0xffff, v57  }
0x3ea: {  	s21 =	simm.s32 $0x6D10;
	v61 =	vadd.s32 $0x500, v33;
	v60 =	vmul.f32 v36, v29;
	[tilespmem:s31+$0x0] =	vst.add.f32.msk $0xffff, v55  }
0x3eb: {  	s22 =	simm.s32 $0x6D20;
	v62 =	vadd.s32 $0x500, v34;
	[tilespmem:s21+$0x0] =	vst.add.f32.msk $0xffff, v58  }
0x3ec: {  	s23 =	simm.s32 $0x6D30;
	v63 =	vadd.s32 $0x500, v35;
	[tilespmem:s22+$0x0] =	vst.add.f32.msk $0xffff, v60  }
0x3ed: {  	v40 =	vmin.bf16 v48, v40;
	v53 =	vadd.s32 $0x500, v31;
	[tilespmem:s23+$0x0] =	vst.add.f32.msk $0xffff, v36  }
0x3ee: {  	v43 =	vmin.bf16 v50, v43;
	v41 =	vmin.bf16 v45, v41;
	v55 =	vadd.s32 $0x500, v30;
	v54 =	vld.idx.msk [tilespmem:v59+s17+$0x0], $0xffff  }
0x3ef: {  	v38 =	vmin.bf16 v39, v38;
	v37 =	vmin.bf16 v37, v46;
	v41 =	vmin.bf16 v43, v41;
	v56 =	vld.idx.msk [tilespmem:v61+s17+$0x0], $0xffff  }
0x3f0: {  	v42 =	vmin.bf16 v42, v44;
	v38 =	vmin.bf16 v40, v38;
	v37 =	vmin.bf16 v41, v37;
	v57 =	vld.idx.msk [tilespmem:v62+s17+$0x0], $0xffff  }
0x3f1: {  	v38 =	vmin.bf16 v38, v42;
	v41 =	vunpack.i.l.bf16.f32 v37;
	v47 =	vld.idx.msk [tilespmem:v63+s17+$0x0], $0xffff  }
0x3f2: {  	v58 =	vunpack.i.l.bf16.f32 v38;
	v45 =	vmul.f32 v41, v21;
	v36 =	vld.idx.msk [tilespmem:v53+s17+$0x0], $0xffff  }
0x3f3: {  	s24 =	simm.s32 $0x6E00;
	v59 =	vmul.f32 v58, v13;
	v48 =	vld.idx.msk [tilespmem:v55+s17+$0x0], $0xffff  }
0x3f4: {  	s16 =	simm.s32 $0x6EC0;
	v46 =	vmul.f32 v41, v20;
	[tilespmem:s24+$0x0] =	vst.add.f32.msk $0xffff, v45  }
0x3f5: {  	s25 =	simm.s32 $0x6E10;
	v60 =	vmul.f32 v58, v12;
	[tilespmem:s16+$0x0] =	vst.add.f32.msk $0xffff, v59  }
0x3f6: {  	s19 =	simm.s32 $0x6ED0;
	[tilespmem:s25+$0x0] =	vst.add.f32.msk $0xffff, v46  }
0x3f7: {  	s26 =	simm.s32 $0x6E20;
	v38 =	vunpack.i.u.bf16.f32 v38;
	[tilespmem:s19+$0x0] =	vst.add.f32.msk $0xffff, v60;
	v39 =	vmin.bf16 v54, v56;
	v63 =	vmin.bf16 v57, v47  }
0x3f8: {  	s20 =	simm.s32 $0x6EE0;
	v61 =	vmul.f32 v38, v13;
	[tilespmem:s26+$0x0] =	vst.add.f32.msk $0xffff, v41;
	v36 =	vmin.bf16 v36, v48;
	v39 =	vmin.bf16 v39, v63  }
0x3f9: {  	s21 =	simm.s32 $0x6EF0;
	v62 =	vmul.f32 v38, v12;
	[tilespmem:s20+$0x0] =	vst.add.f32.msk $0xffff, v58;
	v36 =	vmin.bf16 v39, v36  }
0x3fa: {  	s22 =	simm.s32 $0x6F00;
	[tilespmem:s21+$0x0] =	vst.add.f32.msk $0xffff, v61;
	v39 =	vunpack.i.l.bf16.f32 v36  }
0x3fb: {  	s23 =	simm.s32 $0x6F10;
	[tilespmem:s22+$0x0] =	vst.add.f32.msk $0xffff, v62;
	v47 =	vmul.f32 v39, v28  }
0x3fc: {  	s4 =	simm.s32 $0x6D40;
	[tilespmem:s23+$0x0] =	vst.add.f32.msk $0xffff, v38;
	v48 =	vmul.f32 v39, v29  }
0x3fd: {  	v36 =	vunpack.i.u.bf16.f32 v36;
	[tilespmem:s4+$0x0] =	vst.add.f32.msk $0xffff, v47  }
0x3fe: {  	v50 =	vadd.s32 $0x580, v32;
	v49 =	vmul.f32 v36, v28;
	[tilespmem:s5+$0x0] =	vst.add.f32.msk $0xffff, v48  }
0x3ff: {  	v52 =	vadd.s32 $0x580, v33;
	v51 =	vmul.f32 v36, v29;
	[tilespmem:s6+$0x0] =	vst.add.f32.msk $0xffff, v39  }
0x400: {  	v53 =	vadd.s32 $0x580, v34;
	[tilespmem:s7+$0x0] =	vst.add.f32.msk $0xffff, v49  }
0x401: {  	v54 =	vadd.s32 $0x580, v35;
	[tilespmem:s9+$0x0] =	vst.add.f32.msk $0xffff, v51  }
0x402: {  	v55 =	vadd.s32 $0x580, v31;
	[tilespmem:s10+$0x0] =	vst.add.f32.msk $0xffff, v36  }
0x403: {  	v56 =	vadd.s32 $0x580, v30;
	v40 =	vld.idx.msk [tilespmem:v50+s17+$0x0], $0xffff  }
0x404: {  	v41 =	vld.idx.msk [tilespmem:v52+s17+$0x0], $0xffff  }
0x405: {  	v38 =	vld.idx.msk [tilespmem:v53+s17+$0x0], $0xffff  }
0x406: {  	v37 =	vunpack.i.u.bf16.f32 v37;
	v39 =	vld.idx.msk [tilespmem:v54+s17+$0x0], $0xffff  }
0x407: {  	v58 =	vadd.s32 $0x680, v26;
	v57 =	vmul.f32 v37, v21;
	v36 =	vld.idx.msk [tilespmem:v55+s17+$0x0], $0xffff  }
0x408: {  	s28 =	simm.s32 $0x6E30;
	v59 =	vmul.f32 v37, v20;
	v63 =	vadd.s32 $0x680, v23;
	v42 =	vld.idx.msk [tilespmem:v56+s17+$0x0], $0xffff  }
0x409: {  	s29 =	simm.s32 $0x6E40;
	v60 =	vadd.s32 $0x680, v27;
	[tilespmem:s28+$0x0] =	vst.add.f32.msk $0xffff, v57  }
0x40a: {  	s30 =	simm.s32 $0x6E50;
	v62 =	vadd.s32 $0x680, v24;
	[tilespmem:s29+$0x0] =	vst.add.f32.msk $0xffff, v59  }
0x40b: {  	v61 =	vadd.s32 $0x680, v25;
	[tilespmem:s30+$0x0] =	vst.add.f32.msk $0xffff, v37  }
0x40c: {  	v44 =	vld.idx.msk [tilespmem:v58+s17+$0x0], $0xffff;
	v48 =	vadd.s32 $0x680, v22;
	v40 =	vmin.bf16 v40, v41;
	v38 =	vmin.bf16 v38, v39  }
0x40d: {  	v37 =	vld.idx.msk [tilespmem:v63+s17+$0x0], $0xffff;
	v36 =	vmin.bf16 v36, v42;
	v38 =	vmin.bf16 v40, v38  }
0x40e: {  	v49 =	vld.idx.msk [tilespmem:v60+s17+$0x0], $0xffff;
	v36 =	vmin.bf16 v38, v36  }
0x40f: {  	v51 =	vld.idx.msk [tilespmem:v62+s17+$0x0], $0xffff;
	v52 =	vunpack.i.l.bf16.f32 v36  }
0x410: {  	v50 =	vld.idx.msk [tilespmem:v61+s17+$0x0], $0xffff;
	v53 =	vmul.f32 v52, v28  }
0x411: {  	v54 =	vld.idx.msk [tilespmem:v48+s17+$0x0], $0xffff;
	v55 =	vmul.f32 v52, v29  }
0x412: {  	v36 =	vunpack.i.u.bf16.f32 v36;
	[tilespmem:s2+$0x0] =	vst.add.f32.msk $0xffff, v53  }
0x413: {  	v57 =	vadd.s32 $0x600, v32;
	v56 =	vmul.f32 v36, v28;
	[tilespmem:s1+$0x0] =	vst.add.f32.msk $0xffff, v55  }
0x414: {  	v59 =	vadd.s32 $0x600, v33;
	v58 =	vmul.f32 v36, v29;
	[tilespmem:s3+$0x0] =	vst.add.f32.msk $0xffff, v52  }
0x415: {  	v60 =	vadd.s32 $0x600, v34;
	[tilespmem:s11+$0x0] =	vst.add.f32.msk $0xffff, v56  }
0x416: {  	v61 =	vadd.s32 $0x600, v35;
	[tilespmem:s15+$0x0] =	vst.add.f32.msk $0xffff, v58  }
0x417: {  	v62 =	vadd.s32 $0x600, v31;
	[tilespmem:s12+$0x0] =	vst.add.f32.msk $0xffff, v36  }
0x418: {  	v63 =	vadd.s32 $0x600, v30;
	v45 =	vld.idx.msk [tilespmem:v57+s17+$0x0], $0xffff  }
0x419: {  	v15 =	vadd.s32 $0x780, v15;
	v46 =	vld.idx.msk [tilespmem:v59+s17+$0x0], $0xffff  }
0x41a: {  	v17 =	vadd.s32 $0x780, v17;
	v42 =	vld.idx.msk [tilespmem:v60+s17+$0x0], $0xffff  }
0x41b: {  	v18 =	vadd.s32 $0x780, v18;
	v41 =	vld.idx.msk [tilespmem:v61+s17+$0x0], $0xffff  }
0x41c: {  	v19 =	vadd.s32 $0x780, v19;
	v36 =	vld.idx.msk [tilespmem:v62+s17+$0x0], $0xffff  }
0x41d: {  	v16 =	vadd.s32 $0x780, v16;
	v47 =	vld.idx.msk [tilespmem:v63+s17+$0x0], $0xffff  }
0x41e: {  	v14 =	vadd.s32 $0x780, v14;
	v15 =	vld.idx.msk [tilespmem:v15+s17+$0x0], $0xffff;
	v39 =	vmin.bf16 v44, v49;
	v38 =	vmin.bf16 v50, v51  }
0x41f: {  	v17 =	vld.idx.msk [tilespmem:v17+s17+$0x0], $0xffff;
	v37 =	vmin.bf16 v37, v54;
	v38 =	vmin.bf16 v39, v38  }
0x420: {  	v18 =	vld.idx.msk [tilespmem:v18+s17+$0x0], $0xffff;
	v37 =	vmin.bf16 v38, v37  }
0x421: {  	v19 =	vld.idx.msk [tilespmem:v19+s17+$0x0], $0xffff;
	v38 =	vunpack.i.l.bf16.f32 v37;
	v45 =	vmin.bf16 v45, v46;
	v46 =	vmin.bf16 v42, v41  }
0x422: {  	v16 =	vld.idx.msk [tilespmem:v16+s17+$0x0], $0xffff;
	v48 =	vmul.f32 v38, v21;
	v36 =	vmin.bf16 v36, v47;
	v39 =	vmin.bf16 v45, v46  }
0x423: {  	s31 =	simm.s32 $0x6E60;
	v14 =	vld.idx.msk [tilespmem:v14+s17+$0x0], $0xffff;
	v49 =	vmul.f32 v38, v20;
	v36 =	vmin.bf16 v39, v36  }
0x424: {  	s1 =	simm.s32 $0x6E70;
	[tilespmem:s31+$0x0] =	vst.add.f32.msk $0xffff, v48;
	v39 =	vunpack.i.l.bf16.f32 v36  }
0x425: {  	s3 =	simm.s32 $0x6E80;
	[tilespmem:s1+$0x0] =	vst.add.f32.msk $0xffff, v49;
	v50 =	vmul.f32 v39, v28  }
0x426: {  	[tilespmem:s3+$0x0] =	vst.add.f32.msk $0xffff, v38;
	v51 =	vmul.f32 v39, v29  }
0x427: {  	v36 =	vunpack.i.u.bf16.f32 v36;
	[tilespmem:s24+$0x0] =	vst.add.f32.msk $0xffff, v50  }
0x428: {  	v53 =	vadd.s32 $0x680, v32;
	v52 =	vmul.f32 v36, v28;
	[tilespmem:s25+$0x0] =	vst.add.f32.msk $0xffff, v51  }
0x429: {  	v55 =	vadd.s32 $0x680, v33;
	v54 =	vmul.f32 v36, v29;
	[tilespmem:s26+$0x0] =	vst.add.f32.msk $0xffff, v39  }
0x42a: {  	v56 =	vadd.s32 $0x680, v34;
	[tilespmem:s28+$0x0] =	vst.add.f32.msk $0xffff, v52  }
0x42b: {  	v57 =	vadd.s32 $0x680, v35;
	[tilespmem:s29+$0x0] =	vst.add.f32.msk $0xffff, v54  }
0x42c: {  	v58 =	vadd.s32 $0x680, v31;
	[tilespmem:s30+$0x0] =	vst.add.f32.msk $0xffff, v36  }
0x42d: {  	v59 =	vadd.s32 $0x680, v30;
	v40 =	vld.idx.msk [tilespmem:v53+s17+$0x0], $0xffff  }
0x42e: {  	v41 =	vld.idx.msk [tilespmem:v55+s17+$0x0], $0xffff  }
0x42f: {  	v38 =	vld.idx.msk [tilespmem:v56+s17+$0x0], $0xffff  }
0x430: {  	v37 =	vunpack.i.u.bf16.f32 v37;
	v39 =	vld.idx.msk [tilespmem:v57+s17+$0x0], $0xffff  }
0x431: {  	v60 =	vmul.f32 v37, v21;
	v61 =	vadd.s32 $0x700, v26;
	v36 =	vld.idx.msk [tilespmem:v58+s17+$0x0], $0xffff  }
0x432: {  	s5 =	simm.s32 $0x6E90;
	v62 =	vmul.f32 v37, v20;
	v63 =	vadd.s32 $0x700, v27;
	v42 =	vld.idx.msk [tilespmem:v59+s17+$0x0], $0xffff  }
0x433: {  	s6 =	simm.s32 $0x6EA0;
	[tilespmem:s5+$0x0] =	vst.add.f32.msk $0xffff, v60;
	v50 =	vadd.s32 $0x700, v23  }
0x434: {  	s7 =	simm.s32 $0x6EB0;
	v49 =	vadd.s32 $0x700, v24;
	[tilespmem:s6+$0x0] =	vst.add.f32.msk $0xffff, v62  }
0x435: {  	[tilespmem:s7+$0x0] =	vst.add.f32.msk $0xffff, v37;
	v51 =	vadd.s32 $0x700, v22  }
0x436: {  	v48 =	vadd.s32 $0x700, v25;
	v44 =	vld.idx.msk [tilespmem:v61+s17+$0x0], $0xffff;
	v40 =	vmin.bf16 v40, v41;
	v38 =	vmin.bf16 v38, v39  }
0x437: {  	v52 =	vld.idx.msk [tilespmem:v63+s17+$0x0], $0xffff;
	v36 =	vmin.bf16 v36, v42;
	v38 =	vmin.bf16 v40, v38  }
0x438: {  	v37 =	vld.idx.msk [tilespmem:v50+s17+$0x0], $0xffff;
	v36 =	vmin.bf16 v38, v36  }
0x439: {  	v53 =	vld.idx.msk [tilespmem:v49+s17+$0x0], $0xffff;
	v54 =	vunpack.i.l.bf16.f32 v36  }
0x43a: {  	v41 =	vld.idx.msk [tilespmem:v51+s17+$0x0], $0xffff;
	v55 =	vmul.f32 v54, v28  }
0x43b: {  	v40 =	vld.idx.msk [tilespmem:v48+s17+$0x0], $0xffff;
	v56 =	vmul.f32 v54, v29  }
0x43c: {  	v36 =	vunpack.i.u.bf16.f32 v36;
	[tilespmem:s31+$0x0] =	vst.add.f32.msk $0xffff, v55  }
0x43d: {  	v58 =	vadd.s32 $0x700, v32;
	v57 =	vmul.f32 v36, v28;
	[tilespmem:s1+$0x0] =	vst.add.f32.msk $0xffff, v56  }
0x43e: {  	v60 =	vadd.s32 $0x700, v33;
	v59 =	vmul.f32 v36, v29;
	[tilespmem:s3+$0x0] =	vst.add.f32.msk $0xffff, v54  }
0x43f: {  	v61 =	vadd.s32 $0x700, v34;
	[tilespmem:s5+$0x0] =	vst.add.f32.msk $0xffff, v57  }
0x440: {  	v62 =	vadd.s32 $0x700, v35;
	[tilespmem:s6+$0x0] =	vst.add.f32.msk $0xffff, v59  }
0x441: {  	v63 =	vadd.s32 $0x700, v31;
	[tilespmem:s7+$0x0] =	vst.add.f32.msk $0xffff, v36  }
0x442: {  	v49 =	vadd.s32 $0x700, v30;
	v52 =	vmin.bf16 v44, v52;
	v38 =	vmin.bf16 v40, v53;
	v48 =	vld.idx.msk [tilespmem:v58+s17+$0x0], $0xffff  }
0x443: {  	v15 =	vmin.bf16 v15, v17;
	v37 =	vmin.bf16 v37, v41;
	v17 =	vmin.bf16 v52, v38;
	v50 =	vld.idx.msk [tilespmem:v60+s17+$0x0], $0xffff  }
0x444: {  	v17 =	vmin.bf16 v17, v37;
	v51 =	vld.idx.msk [tilespmem:v61+s17+$0x0], $0xffff  }
0x445: {  	v57 =	vunpack.i.l.bf16.f32 v17;
	v54 =	vld.idx.msk [tilespmem:v62+s17+$0x0], $0xffff  }
0x446: {  	v36 =	vld.idx.msk [tilespmem:v63+s17+$0x0], $0xffff;
	v58 =	vmul.f32 v57, v21  }
0x447: {  	s11 =	simm.s32 $0x6EC0;
	v47 =	vmin.bf16 v18, v19;
	v59 =	vmul.f32 v57, v20;
	v19 =	vld.idx.msk [tilespmem:v49+s17+$0x0], $0xffff  }
0x448: {  	s12 =	simm.s32 $0x6ED0;
	v17 =	vunpack.i.u.bf16.f32 v17;
	[tilespmem:s11+$0x0] =	vst.add.f32.msk $0xffff, v58  }
0x449: {  	s15 =	simm.s32 $0x6EE0;
	v38 =	vadd.s32 $0x780, v26;
	v61 =	vmul.f32 v17, v21;
	[tilespmem:s12+$0x0] =	vst.add.f32.msk $0xffff, v59  }
0x44a: {  	s16 =	simm.s32 $0x6EF0;
	v40 =	vadd.s32 $0x780, v27;
	v62 =	vmul.f32 v17, v20;
	[tilespmem:s15+$0x0] =	vst.add.f32.msk $0xffff, v57  }
0x44b: {  	s19 =	simm.s32 $0x6F00;
	v14 =	vmin.bf16 v16, v14;
	v15 =	vmin.bf16 v15, v47;
	v42 =	vadd.s32 $0x780, v25;
	[tilespmem:s16+$0x0] =	vst.add.f32.msk $0xffff, v61  }
0x44c: {  	v43 =	vadd.s32 $0x780, v24;
	s20 =	simm.s32 $0x6F10;
	v14 =	vmin.bf16 v15, v14;
	[tilespmem:s19+$0x0] =	vst.add.f32.msk $0xffff, v62  }
0x44d: {  	v22 =	vadd.s32 $0x780, v22;
	v16 =	vmin.bf16 v48, v50;
	v15 =	vmin.bf16 v51, v54;
	[tilespmem:s20+$0x0] =	vst.add.f32.msk $0xffff, v17  }
0x44e: {  	v60 =	vmin.bf16 v36, v19;
	v15 =	vmin.bf16 v16, v15;
	v18 =	vld.idx.msk [tilespmem:v38+s17+$0x0], $0xffff  }
0x44f: {  	v15 =	vmin.bf16 v15, v60;
	v19 =	vld.idx.msk [tilespmem:v40+s17+$0x0], $0xffff  }
0x450: {  	v63 =	vunpack.i.l.bf16.f32 v15;
	v17 =	vld.idx.msk [tilespmem:v42+s17+$0x0], $0xffff  }
0x451: {  	v16 =	vld.idx.msk [tilespmem:v43+s17+$0x0], $0xffff;
	v36 =	vmul.f32 v63, v28  }
0x452: {  	v22 =	vld.idx.msk [tilespmem:v22+s17+$0x0], $0xffff;
	v37 =	vmul.f32 v63, v29  }
0x453: {  	v15 =	vunpack.i.u.bf16.f32 v15;
	[tilespmem:s11+$0x0] =	vst.add.f32.msk $0xffff, v36  }
0x454: {  	v44 =	vadd.s32 $0x780, v23;
	v39 =	vmul.f32 v15, v28;
	[tilespmem:s12+$0x0] =	vst.add.f32.msk $0xffff, v37  }
0x455: {  	v45 =	vadd.s32 $0x780, v32;
	v41 =	vmul.f32 v15, v29;
	[tilespmem:s15+$0x0] =	vst.add.f32.msk $0xffff, v63  }
0x456: {  	v46 =	vadd.s32 $0x780, v33;
	[tilespmem:s16+$0x0] =	vst.add.f32.msk $0xffff, v39  }
0x457: {  	v47 =	vadd.s32 $0x780, v34;
	[tilespmem:s19+$0x0] =	vst.add.f32.msk $0xffff, v41  }
0x458: {  	v48 =	vadd.s32 $0x780, v35;
	[tilespmem:s20+$0x0] =	vst.add.f32.msk $0xffff, v15  }
0x459: {  	v49 =	vadd.s32 $0x780, v31;
	v15 =	vld.idx.msk [tilespmem:v44+s17+$0x0], $0xffff  }
0x45a: {  	v30 =	vadd.s32 $0x780, v30;
	v23 =	vld.idx.msk [tilespmem:v45+s17+$0x0], $0xffff  }
0x45b: {  	v24 =	vld.idx.msk [tilespmem:v46+s17+$0x0], $0xffff  }
0x45c: {  	v25 =	vld.idx.msk [tilespmem:v47+s17+$0x0], $0xffff  }
0x45d: {  	v53 =	vunpack.i.l.bf16.f32 v14;
	v50 =	vld.idx.msk [tilespmem:v48+s17+$0x0], $0xffff  }
0x45e: {  	v55 =	vmul.f32 v53, v13;
	v51 =	vld.idx.msk [tilespmem:v49+s17+$0x0], $0xffff  }
0x45f: {  	s8 =	simm.s32 $0x6F20;
	v56 =	vmul.f32 v53, v12;
	v52 =	vld.idx.msk [tilespmem:v30+s17+$0x0], $0xffff  }
0x460: {  	s9 =	simm.s32 $0x6F30;
	v14 =	vunpack.i.u.bf16.f32 v14;
	[tilespmem:s8+$0x0] =	vst.add.f32.msk $0xffff, v55;
	v18 =	vmin.bf16 v18, v19;
	v16 =	vmin.bf16 v17, v16  }
0x461: {  	s10 =	simm.s32 $0x6F40;
	v13 =	vmul.f32 v14, v13;
	[tilespmem:s9+$0x0] =	vst.add.f32.msk $0xffff, v56;
	v16 =	vmin.bf16 v18, v16;
	v15 =	vmin.bf16 v15, v22  }
0x462: {  	s21 =	simm.s32 $0x6F50;
	v12 =	vmul.f32 v14, v12;
	[tilespmem:s10+$0x0] =	vst.add.f32.msk $0xffff, v53;
	v15 =	vmin.bf16 v16, v15  }
0x463: {  	s22 =	simm.s32 $0x6F60;
	[tilespmem:s21+$0x0] =	vst.add.f32.msk $0xffff, v13;
	v56 =	vmin.bf16 v23, v24;
	v17 =	vmin.bf16 v25, v50;
	v53 =	vunpack.i.l.bf16.f32 v15  }
0x464: {  	s23 =	simm.s32 $0x6F70;
	[tilespmem:s22+$0x0] =	vst.add.f32.msk $0xffff, v12;
	v16 =	vmin.bf16 v51, v52;
	v12 =	vmin.bf16 v56, v17;
	v54 =	vmul.f32 v53, v21  }
0x465: {  	s24 =	simm.s32 $0x6F20;
	[tilespmem:s23+$0x0] =	vst.add.f32.msk $0xffff, v14;
	v55 =	vmul.f32 v53, v20;
	v12 =	vmin.bf16 v12, v16  }
0x466: {  	s25 =	simm.s32 $0x6F30;
	v59 =	vunpack.i.l.bf16.f32 v12;
	[tilespmem:s24+$0x0] =	vst.add.f32.msk $0xffff, v54  }
0x467: {  	s26 =	simm.s32 $0x6F40;
	v15 =	vunpack.i.u.bf16.f32 v15;
	v60 =	vmul.f32 v59, v28;
	[tilespmem:s25+$0x0] =	vst.add.f32.msk $0xffff, v55  }
0x468: {  	v57 =	vmul.f32 v15, v21;
	[tilespmem:s26+$0x0] =	vst.add.f32.msk $0xffff, v53  }
0x469: {  	v61 =	vmul.f32 v59, v29;
	[tilespmem:s24+$0x0] =	vst.add.f32.msk $0xffff, v60  }
0x46a: {  	s31 =	rddreg [dreg:$0xb];
	v58 =	vmul.f32 v15, v20;
	[tilespmem:s21+$0x0] =	vst.add.f32.msk $0xffff, v57  }
0x46b: {  	s0 =	sadd.s32 $0x4, s31;
	[tilespmem:s25+$0x0] =	vst.add.f32.msk $0xffff, v61  }
0x46c: {  	p0 =	slt.u32 s0, $0x9C;
	v12 =	vunpack.i.u.bf16.f32 v12;
	[tilespmem:s22+$0x0] =	vst.add.f32.msk $0xffff, v58  }
.Ltmp1:
0x46d: {  	v62 =	vmul.f32 v12, v28;
	[tilespmem:s26+$0x0] =	vst.add.f32.msk $0xffff, v59;
	(pc) =	sbr.rel @p0 .LBB2_4-.Ltmp1, $4  }
0x46e: {  	s28 =	simm.s32 $0x6F50;
	v63 =	vmul.f32 v12, v29;
	[tilespmem:s23+$0x0] =	vst.add.f32.msk $0xffff, v15  }
0x46f: {  	s29 =	simm.s32 $0x6F60;
	[tilespmem:s28+$0x0] =	vst.add.f32.msk $0xffff, v62  }
0x470: {  	s30 =	simm.s32 $0x6F70;
	[tilespmem:s29+$0x0] =	vst.add.f32.msk $0xffff, v63  }
0x471: {  	s13 =	sadd.s32 $0x80, s13;
	s18 =	sadd.s32 $0x180, s18;
	[tilespmem:s30+$0x0] =	vst.add.f32.msk $0xffff, v12  }
0x472: {  	s12 =	simm.s32 $0x0  }
0x473: {  	s4 =	rddreg [dreg:$0x8];
	s0 =	simm.s32 $0x6980;
	s13 =	simm.s32 $0x1  }
0x474: {  	[hbm4b:s4+s12] =	stream.linear.scatter [tilespmem:s0], [sflag:$0x1], $0x600, $0x38;
	[tilespmem:$0x6F80] =	vst v63  }
0x475: {  	_ =	swait.ge [sflag:s13], $0x600  }
0x476: {  	s30 =	rddreg [dreg:$0xa]  }
0x477: {  	s31 =	rddreg [dreg:$0x9];
	s0 =	sadd.s32 $0x1, s30  }
0x478: {  	p0 =	sne.s32 s0, s31  }
.Ltmp2:
0x479: {  	_ = 	snop;
	(pc) =	sbr.rel @p0 .LBB2_1-.Ltmp2, $3  }
0x47a: {  	_ =	sdelay $0x1  }
0x47b: {  	[sflag:s13] =	ssyncset.done $0x0  }
0x47c: {  	s1 =	simm.s32 $0x5500;
	s2 =	simm.s32 $0x6900;
	[sflag:s13] =	ssyncadd.s32 $0xFFFFFA00  }
0x47d: {  	_ =	sfence.sel $0x180000  }
0x47e: {  	[bflag:$0x0] =	sbarrier.arrive $0xFFFF  }
0x47f: {  	_ =	strace $0x90000047  }
0x480: {  	s0 =	stileid.u32;
	[bflag:$0x2] =	sbarrier.arrive $0xFFFF  }
0x481: {  	p0 =	sne.s32 s0, $0x0;
	s0 =	rddreg [dreg:$0x2]  }
0x482: {  	s0 =	sadd.s32 @!p0 $0x100000, s0  }
0x483: {  	[sflag:s0] =	ssyncadd.tile.s32 @!p0 $0x1;
	_ =	shalt  }
.Lfunc_end2:
_tile_overlayer_lowered:
.L_overlay_start_2:
0x484: {  	(tag) =	ssettag $0x2  }
0x485: {  	s0 =	rddreg [dreg:$0x0];
	s2 =	stileid.u32  }
0x486: {  	s1 =	rddreg [dreg:$0x1];
	p0 =	sne.s32 s2, $0x0  }
0x487: {  	s3 =	rddreg [dreg:$0x2];
	[bflag:$0x3] =	sbarrier.arrive $0xFFFF;
	s2 =	simm.s32 @!p0 $0x1C01  }
0x488: {  	[timem:s3], [sflag:s2] =	dma.local @!p0 [hbm:s0], s1  }
0x489: {  	s0 =	simm.s32 @!p0 $0x1  }
0x48a: {  	_ =	swait.ge @!p0 [sflag:s0], s1  }
0x48b: {  	s1 =	ssub.s32 @!p0 $0x0, s1;
	[sflag:s0] =	ssyncset.done @!p0 $0x0  }
0x48c: {  	[sflag:s0] =	ssyncadd.s32 @!p0 s1  }
0x48d: {  	[bflag:$0x3] =	sbarrier.arrive $0xFFFF  }
0x48e: {  	_ =	shalt  }

</sc_bundles>
